<compile_context>
chip_gen: v7x
topology: tpu7x:2x2x1
jax: 0.10.2.dev20260603
libtpu: 0.0.44.dev20260713+nightly
codegen_flags: <defaults>
</compile_context>

<pallas_src>
import jax
import jax.numpy as jnp
from jax import lax
from jax.experimental import pallas as pl
from jax.experimental.pallas import tpu as pltpu
from jax.experimental.pallas import tpu_sc as plsc

M = 100000
D = 64
B = 16384
SR = M // 2
SD = 2 * D

_info = plsc.get_sparse_core_info()
NC = _info.num_cores
NS = _info.num_subcores
L = _info.num_lanes
NW = NC * NS

RPW0 = 3136
WPAD = RPW0
NSV = WPAD // 2 // L

CHUNK = 160
LCAP = WPAD // 2 + CHUNK
IDCH = 2048
_NIDCH = B // IDCH
_NVEC = IDCH // L

CCH = 112
NCC = 14
NB = 3
CPS = CCH * NCC
CHALF = CPS * NS


def _body(buf_hbm, x_hbm, ids_hbm, mom_hbm, out_hbm,
          wtab, idsbuf0, idsbuf1,
          lidF, lieF, lioF, lidE, lieE, lidO, lioO,
          cid, cia, cib, rows, xa, xb, momv,
          cbuf0, cbuf1, cbuf2, sem_ci, sem_co, sem_a, sem_b, sem_g,
          sem_i0, sem_i1):
    cidx = lax.axis_index("c")
    sidx = lax.axis_index("s")
    w = cidx * NS + sidx
    lo = w * RPW0
    rpw = jnp.minimum(RPW0, M - lo)
    iota = lax.iota(jnp.int32, L)
    neg1 = iota * 0 - 1

    clo = jnp.where(w < NS, sidx * CPS,
                    CHALF + jnp.minimum(sidx * CPS, SR - CHALF - CPS))
    cbufs = [cbuf0, cbuf1, cbuf2]
    cins = [None] * NCC
    couts = [None] * NCC

    def _cin(g):
        return pltpu.async_copy(buf_hbm.at[pl.ds(clo + g * CCH, CCH)],
                                cbufs[g % NB], sem_ci.at[g % NB])

    cins[0] = _cin(0)
    cins[1] = _cin(1)

    def _ring_stage(g):
        cins[g].wait()
        couts[g] = pltpu.async_copy(cbufs[g % NB],
                                    out_hbm.at[pl.ds(clo + g * CCH, CCH)],
                                    sem_co.at[g % NB])
        if g + 2 < NCC:
            if g >= 1:
                couts[g - 1].wait()
            cins[g + 2] = _cin(g + 2)

    pltpu.sync_copy(mom_hbm, momv)
    mv = momv[...]
    omv = 1.0 - mv

    def init_body(v, carry):
        wtab[pl.ds(v * L, L)] = neg1
        return carry
    lax.fori_loop(0, WPAD // L, init_body, 0)

    idsbufs = [idsbuf0, idsbuf1]
    idsems = [sem_i0, sem_i1]

    def _iin(cb):
        return pltpu.async_copy(ids_hbm.at[pl.ds(cb * IDCH, IDCH)],
                                idsbufs[cb % 2], idsems[cb % 2])

    iins = [None] * _NIDCH
    iins[0] = _iin(0)
    iins[1] = _iin(1)
    for cb in range(_NIDCH):
        iins[cb].wait()
        idsbuf = idsbufs[cb % 2]

        def vec_body(v, c2, cb=cb):
            idv = idsbuf[pl.ds(v * L, L)]
            iv = cb * IDCH + v * L + iota
            inr = (idv >= lo) & (idv < lo + rpw)
            slot = jnp.where(inr, idv - lo, 0)
            plsc.store_scatter(wtab, [slot], iv, mask=inr)
            g = plsc.load_gather(wtab, [slot], mask=inr)
            fix = inr & (iv > g)
            plsc.store_scatter(wtab, [slot], iv, mask=fix)
            return c2
        with jax.named_scope("scan_ids"):
            lax.fori_loop(0, _NVEC, vec_body, 0)
        if cb + 2 < _NIDCH:
            iins[cb + 2] = _iin(cb + 2)
        for g in (2 * cb, 2 * cb + 1):
            if g < NCC:
                _ring_stage(g)

    def comp_body(sv, offs):
        offF, offE, offO = offs
        ls2 = (sv * L + iota) * 2
        we = plsc.load_gather(wtab, [ls2])
        wo = plsc.load_gather(wtab, [ls2 + 1])
        be = we >= 0
        bo = wo >= 0
        sid = (lo // 2) + sv * L + iota
        mF = be & bo
        mE = be & (~bo)
        mO = (~be) & bo
        plsc.store_compressed(lidF.at[pl.ds(offF, L)], sid, mask=mF)
        plsc.store_compressed(lieF.at[pl.ds(offF, L)], we, mask=mF)
        plsc.store_compressed(lioF.at[pl.ds(offF, L)], wo, mask=mF)
        plsc.store_compressed(lidE.at[pl.ds(offE, L)], sid, mask=mE)
        plsc.store_compressed(lieE.at[pl.ds(offE, L)], we, mask=mE)
        plsc.store_compressed(lidO.at[pl.ds(offO, L)], sid, mask=mO)
        plsc.store_compressed(lioO.at[pl.ds(offO, L)], wo, mask=mO)
        return (offF + jnp.sum(mF.astype(jnp.int32), axis=0),
                offE + jnp.sum(mE.astype(jnp.int32), axis=0),
                offO + jnp.sum(mO.astype(jnp.int32), axis=0))
    with jax.named_scope("compact"):
        kF, kE, kO = lax.fori_loop(0, NSV, comp_body, (0, 0, 0))

    zeros = iota * 0

    def _pad(lists, k):
        pads = [plsc.load_gather(ref, [zeros]) for ref in lists]

        def pad_body(p, carry):
            for ref, pv in zip(lists, pads):
                ref[pl.ds(k + p * L, L)] = pv
            return carry
        lax.fori_loop(0, CHUNK // L, pad_body, 0)

    _pad([lidF, lieF, lioF], kF)
    _pad([lidE, lieE], kE)
    _pad([lidO, lioO], kO)

    couts[NCC - 2].wait()
    couts[NCC - 1].wait()

    def _updates(lid_, lia_, lib_, k, crange, scope):
        nch = (k + CHUNK - 1) // CHUNK

        def upd_body(ci, carry):
            off = ci * CHUNK

            def cpidx_body(v, c2):
                cid[pl.ds(v * L, L)] = lid_[pl.ds(off + v * L, L)]
                cia[pl.ds(v * L, L)] = lia_[pl.ds(off + v * L, L)]
                if lib_ is not None:
                    cib[pl.ds(v * L, L)] = lib_[pl.ds(off + v * L, L)]
                return c2
            lax.fori_loop(0, CHUNK // L, cpidx_body, 0)
            ga = pltpu.async_copy(buf_hbm.at[cid], rows, sem_a)
            gb = pltpu.async_copy(x_hbm.at[cia], xa, sem_b)
            gc = None
            if lib_ is not None:
                gc = pltpu.async_copy(x_hbm.at[cib], xb, sem_g)
            ga.wait()
            gb.wait()
            if gc is not None:
                gc.wait()

            def row_body(r, c2):
                for c in crange:
                    src = xa if (lib_ is None or c < SD // L // 2) else xb
                    rv = rows[r, pl.ds(c * L, L)]
                    xv = src[r, pl.ds(c * L, L)]
                    rows[r, pl.ds(c * L, L)] = rv * mv + xv * omv
                return c2
            lax.fori_loop(0, CHUNK, row_body, 0)
            pltpu.async_copy(rows, out_hbm.at[cid], sem_a).wait()
            return carry
        with jax.named_scope(scope):
            lax.fori_loop(0, nch, upd_body, 0)

    half = SD // L // 2
    _updates(lidE, lieE, None, kE, range(0, half), "upd_even")
    _updates(lidO, lioO, None, kO, range(half, 2 * half), "upd_odd")
    _updates(lidF, lieF, lioF, kF, range(0, 2 * half), "upd_full")


@jax.jit
def kernel(buffer, x, ids, mom):
    ids32 = ids.astype(jnp.int32)
    momv = jnp.broadcast_to(mom.astype(jnp.float32), (L,))
    buf2 = jnp.reshape(buffer, (SR, SD))
    xdup = jnp.concatenate([x, x], axis=1)
    mesh = plsc.VectorSubcoreMesh(core_axis_name="c", subcore_axis_name="s")
    f = pl.kernel(
        _body,
        out_type=jax.ShapeDtypeStruct((SR, SD), jnp.float32),
        mesh=mesh,
        compiler_params=pltpu.CompilerParams(needs_layout_passes=False),
        scratch_types=[
            pltpu.VMEM((WPAD,), jnp.int32),
            pltpu.VMEM((IDCH,), jnp.int32),
            pltpu.VMEM((IDCH,), jnp.int32),
            pltpu.VMEM((LCAP,), jnp.int32),
            pltpu.VMEM((LCAP,), jnp.int32),
            pltpu.VMEM((LCAP,), jnp.int32),
            pltpu.VMEM((LCAP,), jnp.int32),
            pltpu.VMEM((LCAP,), jnp.int32),
            pltpu.VMEM((LCAP,), jnp.int32),
            pltpu.VMEM((LCAP,), jnp.int32),
            pltpu.VMEM((CHUNK,), jnp.int32),
            pltpu.VMEM((CHUNK,), jnp.int32),
            pltpu.VMEM((CHUNK,), jnp.int32),
            pltpu.VMEM((CHUNK, SD), jnp.float32),
            pltpu.VMEM((CHUNK, SD), jnp.float32),
            pltpu.VMEM((CHUNK, SD), jnp.float32),
            pltpu.VMEM((L,), jnp.float32),
            pltpu.VMEM((CCH, SD), jnp.float32),
            pltpu.VMEM((CCH, SD), jnp.float32),
            pltpu.VMEM((CCH, SD), jnp.float32),
            pltpu.SemaphoreType.DMA((NB,)),
            pltpu.SemaphoreType.DMA((NB,)),
            pltpu.SemaphoreType.DMA,
            pltpu.SemaphoreType.DMA,
            pltpu.SemaphoreType.DMA,
            pltpu.SemaphoreType.DMA,
            pltpu.SemaphoreType.DMA,
        ],
    )
    out2 = f(buf2, xdup, ids32, momv)
    return jnp.reshape(out2, (M, D))

# --- scband reference (transcript-rebuilt; emitter-appended) ---
"""Pipeline reference for scband-momentum-buffer-11965778886905 (READ-ONLY COPY).

The authoritative reference and input builder live on the scoring server;
editing this copy changes nothing except your own understanding.
"""

import jax, jax.numpy as jnp
import numpy as np

M = 100000
D = 64
B = 16384

def setup_inputs(seed: int = 0) -> dict:
    key = jax.random.key(seed)
    k1, k2, k3, k4 = jax.random.split(key, 4)
    buffer = jax.random.normal(k1, (M, D), dtype=jnp.float32)
    x = jax.random.normal(k2, (B, D), dtype=jnp.float32)
    ids = jax.random.randint(k3, (B,), 0, M, dtype=jnp.int64)
    mom = jax.random.uniform(k4, (), dtype=jnp.float32)
    return {"buffer": buffer, "x": x, "ids": ids, "mom": mom}

def reference(buffer, x, ids, mom):
    # MomentumBuffer.update (single-process path): gather rows, EMA blend,
    # scatter-overwrite back into the buffer (index_copy_ semantics).
    gathered = jnp.take(buffer, ids, axis=0)          # buffer[ids]  -> gather
    new = mom * gathered + (1.0 - mom) * x            # EMA update
    # normalize=False, so no F.normalize
    updated = buffer.at[ids].set(new)                 # index_copy_ -> scatter-set
    return updated

if __name__ == "__main__":
    import jax
    _d = setup_inputs()
    print(jax.jit(kernel)(*tuple(_d.values())))

</pallas_src>

<mosaic_0001>
#map = affine_map<(d0, d1) -> (0, 0)>
#map1 = affine_map<(d0, d1) -> (0)>
module attributes {stable_mosaic.version = 14 : i64} {
  func.func @_body(%arg0: i32, %arg1: i32, %arg2: memref<50000x128xf32, #tpu.memory_space<hbm>>, %arg3: memref<16384x128xf32, #tpu.memory_space<hbm>>, %arg4: memref<16384xi32, #tpu.memory_space<hbm>>, %arg5: memref<16xf32, #tpu.memory_space<hbm>>, %arg6: memref<50000x128xf32, #tpu.memory_space<hbm>>, %arg7: memref<3136xi32, #tpu.memory_space<vmem>>, %arg8: memref<2048xi32, #tpu.memory_space<vmem>>, %arg9: memref<2048xi32, #tpu.memory_space<vmem>>, %arg10: memref<1728xi32, #tpu.memory_space<vmem>>, %arg11: memref<1728xi32, #tpu.memory_space<vmem>>, %arg12: memref<1728xi32, #tpu.memory_space<vmem>>, %arg13: memref<1728xi32, #tpu.memory_space<vmem>>, %arg14: memref<1728xi32, #tpu.memory_space<vmem>>, %arg15: memref<1728xi32, #tpu.memory_space<vmem>>, %arg16: memref<1728xi32, #tpu.memory_space<vmem>>, %arg17: memref<160xi32, #tpu.memory_space<vmem>>, %arg18: memref<160xi32, #tpu.memory_space<vmem>>, %arg19: memref<160xi32, #tpu.memory_space<vmem>>, %arg20: memref<160x128xf32, #tpu.memory_space<vmem>>, %arg21: memref<160x128xf32, #tpu.memory_space<vmem>>, %arg22: memref<160x128xf32, #tpu.memory_space<vmem>>, %arg23: memref<16xf32, #tpu.memory_space<vmem>>, %arg24: memref<112x128xf32, #tpu.memory_space<vmem>>, %arg25: memref<112x128xf32, #tpu.memory_space<vmem>>, %arg26: memref<112x128xf32, #tpu.memory_space<vmem>>, %arg27: memref<3x!tpu.dma_semaphore, #tpu.memory_space<semaphore_mem>>, %arg28: memref<3x!tpu.dma_semaphore, #tpu.memory_space<semaphore_mem>>, %arg29: memref<!tpu.dma_semaphore, #tpu.memory_space<semaphore_mem>>, %arg30: memref<!tpu.dma_semaphore, #tpu.memory_space<semaphore_mem>>, %arg31: memref<!tpu.dma_semaphore, #tpu.memory_space<semaphore_mem>>, %arg32: memref<!tpu.dma_semaphore, #tpu.memory_space<semaphore_mem>>, %arg33: memref<!tpu.dma_semaphore, #tpu.memory_space<semaphore_mem>>) attributes {dimension_semantics = [#tpu.dimension_semantics<core_parallel>, #tpu.dimension_semantics<subcore_parallel>], iteration_bounds = array<i64: 2, 16>, scalar_prefetch = 0 : i64, scratch_operands = 27 : i64, tpu.core_type = #tpu.core_type<sc_vector_subcore>, window_params = [{transform_indices = #map}, {transform_indices = #map}, {transform_indices = #map1}, {transform_indices = #map1}, {transform_indices = #map}]} {
    %mul3A = arith.constant 16 : i32
    %mul3A_0 = arith.muli %arg0, %mul3A : i32
    %add3A = arith.addi %mul3A_0, %arg1 : i32
    %mul3A_1 = arith.constant 3136 : i32
    %mul3A_2 = arith.muli %add3A, %mul3A_1 : i32
    %sub3A = arith.constant 100000 : i32
    %sub3A_3 = arith.subi %sub3A, %mul3A_2 : i32
    %min3A = arith.constant 3136 : i32
    %min3A_4 = arith.minsi %min3A, %sub3A_3 : i32
    %iota3A = tpu.iota {dimensions = array<i32: 0>} : vector<16xi32>
    %mul3A_5 = arith.constant 0 : i32
    %mul3A_6 = vector.broadcast %mul3A_5 : i32 to vector<16xi32>
    %mul3A_7 = arith.muli %iota3A, %mul3A_6 : vector<16xi32>
    %sub3A_8 = arith.constant 1 : i32
    %sub3A_9 = vector.broadcast %sub3A_8 : i32 to vector<16xi32>
    %sub3A_10 = arith.subi %mul3A_7, %sub3A_9 : vector<16xi32>
    %lt3A = arith.constant 16 : i32
    %lt3A_11 = arith.cmpi slt, %add3A, %lt3A : i32
    %mul3A_12 = arith.constant 1568 : i32
    %mul3A_13 = arith.muli %arg1, %mul3A_12 : i32
    %mul3A_14 = arith.constant 1568 : i32
    %mul3A_15 = arith.muli %arg1, %mul3A_14 : i32
    %min3A_16 = arith.constant 23344 : i32
    %min3A_17 = arith.minsi %mul3A_15, %min3A_16 : i32
    %add3A_18 = arith.constant 25088 : i32
    %add3A_19 = arith.addi %add3A_18, %min3A_17 : i32
    %select_n3A = arith.select %lt3A_11, %mul3A_13, %add3A_19 : i32
    %add3A_20 = arith.constant 0 : i32
    %add3A_21 = arith.addi %select_n3A, %add3A_20 : i32
    %dma_start3A = arith.constant 0 : i32
    %dma_start3A_22 = arith.constant 0 : i32
    %dma_start3A_23 = tpu.memref_slice %arg2[%add3A_21, %dma_start3A_22] : memref<50000x128xf32, #tpu.memory_space<hbm>> -> memref<112x128xf32, #tpu.memory_space<hbm>>
    %dma_start3A_24 = tpu.memref_slice %arg27[%dma_start3A] : memref<3x!tpu.dma_semaphore, #tpu.memory_space<semaphore_mem>> -> memref<1x!tpu.dma_semaphore, #tpu.memory_space<semaphore_mem>>
    %dma_start3A_25 = tpu.memref_squeeze %dma_start3A_24 : memref<1x!tpu.dma_semaphore, #tpu.memory_space<semaphore_mem>> -> memref<!tpu.dma_semaphore, #tpu.memory_space<semaphore_mem>>
    %dma_start3A_26 = arith.constant 0 : i32
    %dma_start3A_27 = tpu.memref_slice %arg2[%add3A_21, %dma_start3A_26] : memref<50000x128xf32, #tpu.memory_space<hbm>> -> memref<112x128xf32, #tpu.memory_space<hbm>>
    tpu.enqueue_dma source(%dma_start3A_27 : memref<112x128xf32, #tpu.memory_space<hbm>>) target(%arg24 : memref<112x128xf32, #tpu.memory_space<vmem>>) target_semaphore(%dma_start3A_25 : memref<!tpu.dma_semaphore, #tpu.memory_space<semaphore_mem>>)
    %add3A_28 = arith.constant 112 : i32
    %add3A_29 = arith.addi %select_n3A, %add3A_28 : i32
    %dma_start3A_30 = arith.constant 1 : i32
    %dma_start3A_31 = arith.constant 0 : i32
    %dma_start3A_32 = tpu.memref_slice %arg2[%add3A_29, %dma_start3A_31] : memref<50000x128xf32, #tpu.memory_space<hbm>> -> memref<112x128xf32, #tpu.memory_space<hbm>>
    %dma_start3A_33 = tpu.memref_slice %arg27[%dma_start3A_30] : memref<3x!tpu.dma_semaphore, #tpu.memory_space<semaphore_mem>> -> memref<1x!tpu.dma_semaphore, #tpu.memory_space<semaphore_mem>>
    %dma_start3A_34 = tpu.memref_squeeze %dma_start3A_33 : memref<1x!tpu.dma_semaphore, #tpu.memory_space<semaphore_mem>> -> memref<!tpu.dma_semaphore, #tpu.memory_space<semaphore_mem>>
    %dma_start3A_35 = arith.constant 0 : i32
    %dma_start3A_36 = tpu.memref_slice %arg2[%add3A_29, %dma_start3A_35] : memref<50000x128xf32, #tpu.memory_space<hbm>> -> memref<112x128xf32, #tpu.memory_space<hbm>>
    tpu.enqueue_dma source(%dma_start3A_36 : memref<112x128xf32, #tpu.memory_space<hbm>>) target(%arg25 : memref<112x128xf32, #tpu.memory_space<vmem>>) target_semaphore(%dma_start3A_34 : memref<!tpu.dma_semaphore, #tpu.memory_space<semaphore_mem>>)
    "tpu.region"() ({
      %run_scoped3A = tpu.sem_alloc : memref<!tpu.dma_semaphore, #tpu.memory_space<semaphore_mem>>
      tpu.enqueue_dma source(%arg5 : memref<16xf32, #tpu.memory_space<hbm>>) target(%arg23 : memref<16xf32, #tpu.memory_space<vmem>>) target_semaphore(%run_scoped3A : memref<!tpu.dma_semaphore, #tpu.memory_space<semaphore_mem>>)
      tpu.wait_dma2 semaphore(%run_scoped3A : memref<!tpu.dma_semaphore, #tpu.memory_space<semaphore_mem>>) src(%arg5 : memref<16xf32, #tpu.memory_space<hbm>>) dst(%arg23 : memref<16xf32, #tpu.memory_space<vmem>>)
      tpu.yield
    }) : () -> ()
    %get3A = arith.constant 0 : index
    %get3A_37 = tpu.vector_load %arg23[%get3A] {strides = array<i32>} : memref<16xf32, #tpu.memory_space<vmem>>, vector<16xf32>,
    %sub3A_38 = arith.constant 1.000000e+00 : f32
    %sub3A_39 = vector.broadcast %sub3A_38 : f32 to vector<16xf32>
    %sub3A_40 = arith.subf %sub3A_39, %get3A_37 : vector<16xf32>
    %scan3A = arith.constant 0 : i32
    %scan3A_41 = arith.constant 0 : i32
    %scan3A_42 = arith.constant 196 : i32
    %scan3A_43 = arith.addi %scan3A_41, %scan3A_42 : i32
    %scan3A_44 = arith.constant 1 : i32
    scf.for %scan3A_723 = %scan3A_41 to %scan3A_43 step %scan3A_44  : i32 {
      %mul3A_724 = arith.constant 16 : i32
      %mul3A_725 = arith.muli %scan3A_723, %mul3A_724 : i32
      %swap3A = arith.index_cast %mul3A_725 : i32 to index
      %swap3A_726 = tpu.vector_load %arg7[%swap3A] {strides = array<i32>} : memref<3136xi32, #tpu.memory_space<vmem>>, vector<16xi32>,
      tpu.vector_store %arg7[%swap3A], %sub3A_10 {strides = array<i32>} : memref<3136xi32, #tpu.memory_space<vmem>>, vector<16xi32>,
    }
    %scan3A_45 = arith.constant 196 : i32
    %dma_start3A_46 = arith.constant 0 : i32
    %dma_start3A_47 = tpu.memref_slice %arg4[%dma_start3A_46] : memref<16384xi32, #tpu.memory_space<hbm>> -> memref<2048xi32, #tpu.memory_space<hbm>>
    %dma_start3A_48 = arith.constant 0 : i32
    %dma_start3A_49 = tpu.memref_slice %arg4[%dma_start3A_48] : memref<16384xi32, #tpu.memory_space<hbm>> -> memref<2048xi32, #tpu.memory_space<hbm>>
    tpu.enqueue_dma source(%dma_start3A_49 : memref<2048xi32, #tpu.memory_space<hbm>>) target(%arg8 : memref<2048xi32, #tpu.memory_space<vmem>>) target_semaphore(%arg32 : memref<!tpu.dma_semaphore, #tpu.memory_space<semaphore_mem>>)
    %dma_start3A_50 = arith.constant 2048 : i32
    %dma_start3A_51 = tpu.memref_slice %arg4[%dma_start3A_50] : memref<16384xi32, #tpu.memory_space<hbm>> -> memref<2048xi32, #tpu.memory_space<hbm>>
    %dma_start3A_52 = arith.constant 2048 : i32
    %dma_start3A_53 = tpu.memref_slice %arg4[%dma_start3A_52] : memref<16384xi32, #tpu.memory_space<hbm>> -> memref<2048xi32, #tpu.memory_space<hbm>>
    tpu.enqueue_dma source(%dma_start3A_53 : memref<2048xi32, #tpu.memory_space<hbm>>) target(%arg9 : memref<2048xi32, #tpu.memory_space<vmem>>) target_semaphore(%arg33 : memref<!tpu.dma_semaphore, #tpu.memory_space<semaphore_mem>>)
    %dma_wait3A = arith.constant 0 : i32
    %dma_wait3A_54 = tpu.memref_slice %arg4[%dma_wait3A] : memref<16384xi32, #tpu.memory_space<hbm>> -> memref<2048xi32, #tpu.memory_space<hbm>>
    %dma_wait3A_55 = arith.constant 0 : i32
    %dma_wait3A_56 = tpu.memref_slice %arg4[%dma_wait3A_55] : memref<16384xi32, #tpu.memory_space<hbm>> -> memref<2048xi32, #tpu.memory_space<hbm>>
    tpu.wait_dma2 semaphore(%arg32 : memref<!tpu.dma_semaphore, #tpu.memory_space<semaphore_mem>>) src(%dma_wait3A_56 : memref<2048xi32, #tpu.memory_space<hbm>>) dst(%arg8 : memref<2048xi32, #tpu.memory_space<vmem>>)
    "tpu.trace_start"() <{level = 10 : i32, message = "scan_ids"}> : () -> ()
    %scan3A_57 = arith.constant 0 : i32
    %scan3A_58 = arith.constant 0 : i32
    %scan3A_59 = arith.constant 128 : i32
    %scan3A_60 = arith.addi %scan3A_58, %scan3A_59 : i32
    %scan3A_61 = arith.constant 1 : i32
    scf.for %scan3A_723 = %scan3A_58 to %scan3A_60 step %scan3A_61  : i32 {
      %mul3A_724 = arith.constant 16 : i32
      %mul3A_725 = arith.muli %scan3A_723, %mul3A_724 : i32
      %get3A_726 = arith.index_cast %mul3A_725 : i32 to index
      %get3A_727 = tpu.vector_load %arg8[%get3A_726] {strides = array<i32>} : memref<2048xi32, #tpu.memory_space<vmem>>, vector<16xi32>,
      %mul3A_728 = arith.constant 16 : i32
      %mul3A_729 = arith.muli %scan3A_723, %mul3A_728 : i32
      %add3A_730 = arith.constant 0 : i32
      %add3A_731 = arith.addi %add3A_730, %mul3A_729 : i32
      %add3A_732 = vector.broadcast %add3A_731 : i32 to vector<16xi32>
      %add3A_733 = arith.addi %add3A_732, %iota3A : vector<16xi32>
      %ge3A = vector.broadcast %mul3A_2 : i32 to vector<16xi32>
      %ge3A_734 = arith.cmpi sge, %get3A_727, %ge3A : vector<16xi32>
      %add3A_735 = arith.addi %mul3A_2, %min3A_4 : i32
      %lt3A_736 = vector.broadcast %add3A_735 : i32 to vector<16xi32>
      %lt3A_737 = arith.cmpi slt, %get3A_727, %lt3A_736 : vector<16xi32>
      %and3A_738 = arith.andi %ge3A_734, %lt3A_737 : vector<16xi1>
      %sub3A_739 = vector.broadcast %mul3A_2 : i32 to vector<16xi32>
      %sub3A_740 = arith.subi %get3A_727, %sub3A_739 : vector<16xi32>
      %jit3A_741 = arith.constant 0 : i32
      %broadcast_in_dim3A = vector.broadcast %jit3A_741 : i32 to vector<16xi32>
      %select_n3A_742 = arith.select %and3A_738, %sub3A_740, %broadcast_in_dim3A : vector<16xi1>, vector<16xi32>
      tpu.vector_store_idx %arg7[%select_n3A_742], %add3A_733 masked %and3A_738 : memref<3136xi32, #tpu.memory_space<vmem>>[vector<16xi32>], vector<16xi32>, vector<16xi1>
      %gather3A_743 = tpu.vector_load_idx %arg7[%select_n3A_742] masked %and3A_738 : memref<3136xi32, #tpu.memory_space<vmem>>[vector<16xi32>], vector<16xi32>, vector<16xi1>
      %gt3A = arith.cmpi sgt, %add3A_733, %gather3A_743 : vector<16xi32>
      %and3A_744 = arith.andi %and3A_738, %gt3A : vector<16xi1>
      tpu.vector_store_idx %arg7[%select_n3A_742], %add3A_733 masked %and3A_744 : memref<3136xi32, #tpu.memory_space<vmem>>[vector<16xi32>], vector<16xi32>, vector<16xi1>
    }
    %scan3A_62 = arith.constant 128 : i32
    "tpu.trace_stop"() : () -> ()
    %dma_start3A_63 = arith.constant 4096 : i32
    %dma_start3A_64 = tpu.memref_slice %arg4[%dma_start3A_63] : memref<16384xi32, #tpu.memory_space<hbm>> -> memref<2048xi32, #tpu.memory_space<hbm>>
    %dma_start3A_65 = arith.constant 4096 : i32
    %dma_start3A_66 = tpu.memref_slice %arg4[%dma_start3A_65] : memref<16384xi32, #tpu.memory_space<hbm>> -> memref<2048xi32, #tpu.memory_space<hbm>>
    tpu.enqueue_dma source(%dma_start3A_66 : memref<2048xi32, #tpu.memory_space<hbm>>) target(%arg8 : memref<2048xi32, #tpu.memory_space<vmem>>) target_semaphore(%arg32 : memref<!tpu.dma_semaphore, #tpu.memory_space<semaphore_mem>>)
    %dma_wait3A_67 = arith.constant 0 : i32
    %dma_wait3A_68 = arith.constant 0 : i32
    %dma_wait3A_69 = tpu.memref_slice %arg2[%add3A_21, %dma_wait3A_68] : memref<50000x128xf32, #tpu.memory_space<hbm>> -> memref<112x128xf32, #tpu.memory_space<hbm>>
    %dma_wait3A_70 = tpu.memref_slice %arg27[%dma_wait3A_67] : memref<3x!tpu.dma_semaphore, #tpu.memory_space<semaphore_mem>> -> memref<1x!tpu.dma_semaphore, #tpu.memory_space<semaphore_mem>>
    %dma_wait3A_71 = tpu.memref_squeeze %dma_wait3A_70 : memref<1x!tpu.dma_semaphore, #tpu.memory_space<semaphore_mem>> -> memref<!tpu.dma_semaphore, #tpu.memory_space<semaphore_mem>>
    %dma_wait3A_72 = arith.constant 0 : i32
    %dma_wait3A_73 = tpu.memref_slice %arg2[%add3A_21, %dma_wait3A_72] : memref<50000x128xf32, #tpu.memory_space<hbm>> -> memref<112x128xf32, #tpu.memory_space<hbm>>
    tpu.wait_dma2 semaphore(%dma_wait3A_71 : memref<!tpu.dma_semaphore, #tpu.memory_space<semaphore_mem>>) src(%dma_wait3A_73 : memref<112x128xf32, #tpu.memory_space<hbm>>) dst(%arg24 : memref<112x128xf32, #tpu.memory_space<vmem>>)
    %add3A_74 = arith.constant 0 : i32
    %add3A_75 = arith.addi %select_n3A, %add3A_74 : i32
    %dma_start3A_76 = arith.constant 0 : i32
    %dma_start3A_77 = arith.constant 0 : i32
    %dma_start3A_78 = tpu.memref_slice %arg6[%add3A_75, %dma_start3A_77] : memref<50000x128xf32, #tpu.memory_space<hbm>> -> memref<112x128xf32, #tpu.memory_space<hbm>>
    %dma_start3A_79 = tpu.memref_slice %arg28[%dma_start3A_76] : memref<3x!tpu.dma_semaphore, #tpu.memory_space<semaphore_mem>> -> memref<1x!tpu.dma_semaphore, #tpu.memory_space<semaphore_mem>>
    %dma_start3A_80 = tpu.memref_squeeze %dma_start3A_79 : memref<1x!tpu.dma_semaphore, #tpu.memory_space<semaphore_mem>> -> memref<!tpu.dma_semaphore, #tpu.memory_space<semaphore_mem>>
    %dma_start3A_81 = arith.constant 0 : i32
    %dma_start3A_82 = tpu.memref_slice %arg6[%add3A_75, %dma_start3A_81] : memref<50000x128xf32, #tpu.memory_space<hbm>> -> memref<112x128xf32, #tpu.memory_space<hbm>>
    tpu.enqueue_dma source(%arg24 : memref<112x128xf32, #tpu.memory_space<vmem>>) target(%dma_start3A_82 : memref<112x128xf32, #tpu.memory_space<hbm>>) target_semaphore(%dma_start3A_80 : memref<!tpu.dma_semaphore, #tpu.memory_space<semaphore_mem>>)
    %add3A_83 = arith.constant 224 : i32
    %add3A_84 = arith.addi %select_n3A, %add3A_83 : i32
    %dma_start3A_85 = arith.constant 2 : i32
    %dma_start3A_86 = arith.constant 0 : i32
    %dma_start3A_87 = tpu.memref_slice %arg2[%add3A_84, %dma_start3A_86] : memref<50000x128xf32, #tpu.memory_space<hbm>> -> memref<112x128xf32, #tpu.memory_space<hbm>>
    %dma_start3A_88 = tpu.memref_slice %arg27[%dma_start3A_85] : memref<3x!tpu.dma_semaphore, #tpu.memory_space<semaphore_mem>> -> memref<1x!tpu.dma_semaphore, #tpu.memory_space<semaphore_mem>>
    %dma_start3A_89 = tpu.memref_squeeze %dma_start3A_88 : memref<1x!tpu.dma_semaphore, #tpu.memory_space<semaphore_mem>> -> memref<!tpu.dma_semaphore, #tpu.memory_space<semaphore_mem>>
    %dma_start3A_90 = arith.constant 0 : i32
    %dma_start3A_91 = tpu.memref_slice %arg2[%add3A_84, %dma_start3A_90] : memref<50000x128xf32, #tpu.memory_space<hbm>> -> memref<112x128xf32, #tpu.memory_space<hbm>>
    tpu.enqueue_dma source(%dma_start3A_91 : memref<112x128xf32, #tpu.memory_space<hbm>>) target(%arg26 : memref<112x128xf32, #tpu.memory_space<vmem>>) target_semaphore(%dma_start3A_89 : memref<!tpu.dma_semaphore, #tpu.memory_space<semaphore_mem>>)
    %dma_wait3A_92 = arith.constant 1 : i32
    %dma_wait3A_93 = arith.constant 0 : i32
    %dma_wait3A_94 = tpu.memref_slice %arg2[%add3A_29, %dma_wait3A_93] : memref<50000x128xf32, #tpu.memory_space<hbm>> -> memref<112x128xf32, #tpu.memory_space<hbm>>
    %dma_wait3A_95 = tpu.memref_slice %arg27[%dma_wait3A_92] : memref<3x!tpu.dma_semaphore, #tpu.memory_space<semaphore_mem>> -> memref<1x!tpu.dma_semaphore, #tpu.memory_space<semaphore_mem>>
    %dma_wait3A_96 = tpu.memref_squeeze %dma_wait3A_95 : memref<1x!tpu.dma_semaphore, #tpu.memory_space<semaphore_mem>> -> memref<!tpu.dma_semaphore, #tpu.memory_space<semaphore_mem>>
    %dma_wait3A_97 = arith.constant 0 : i32
    %dma_wait3A_98 = tpu.memref_slice %arg2[%add3A_29, %dma_wait3A_97] : memref<50000x128xf32, #tpu.memory_space<hbm>> -> memref<112x128xf32, #tpu.memory_space<hbm>>
    tpu.wait_dma2 semaphore(%dma_wait3A_96 : memref<!tpu.dma_semaphore, #tpu.memory_space<semaphore_mem>>) src(%dma_wait3A_98 : memref<112x128xf32, #tpu.memory_space<hbm>>) dst(%arg25 : memref<112x128xf32, #tpu.memory_space<vmem>>)
    %add3A_99 = arith.constant 112 : i32
    %add3A_100 = arith.addi %select_n3A, %add3A_99 : i32
    %dma_start3A_101 = arith.constant 1 : i32
    %dma_start3A_102 = arith.constant 0 : i32
    %dma_start3A_103 = tpu.memref_slice %arg6[%add3A_100, %dma_start3A_102] : memref<50000x128xf32, #tpu.memory_space<hbm>> -> memref<112x128xf32, #tpu.memory_space<hbm>>
    %dma_start3A_104 = tpu.memref_slice %arg28[%dma_start3A_101] : memref<3x!tpu.dma_semaphore, #tpu.memory_space<semaphore_mem>> -> memref<1x!tpu.dma_semaphore, #tpu.memory_space<semaphore_mem>>
    %dma_start3A_105 = tpu.memref_squeeze %dma_start3A_104 : memref<1x!tpu.dma_semaphore, #tpu.memory_space<semaphore_mem>> -> memref<!tpu.dma_semaphore, #tpu.memory_space<semaphore_mem>>
    %dma_start3A_106 = arith.constant 0 : i32
    %dma_start3A_107 = tpu.memref_slice %arg6[%add3A_100, %dma_start3A_106] : memref<50000x128xf32, #tpu.memory_space<hbm>> -> memref<112x128xf32, #tpu.memory_space<hbm>>
    tpu.enqueue_dma source(%arg25 : memref<112x128xf32, #tpu.memory_space<vmem>>) target(%dma_start3A_107 : memref<112x128xf32, #tpu.memory_space<hbm>>) target_semaphore(%dma_start3A_105 : memref<!tpu.dma_semaphore, #tpu.memory_space<semaphore_mem>>)
    %dma_wait3A_108 = arith.constant 0 : i32
    %dma_wait3A_109 = arith.constant 0 : i32
    %dma_wait3A_110 = tpu.memref_slice %arg6[%add3A_75, %dma_wait3A_109] : memref<50000x128xf32, #tpu.memory_space<hbm>> -> memref<112x128xf32, #tpu.memory_space<hbm>>
    %dma_wait3A_111 = tpu.memref_slice %arg28[%dma_wait3A_108] : memref<3x!tpu.dma_semaphore, #tpu.memory_space<semaphore_mem>> -> memref<1x!tpu.dma_semaphore, #tpu.memory_space<semaphore_mem>>
    %dma_wait3A_112 = tpu.memref_squeeze %dma_wait3A_111 : memref<1x!tpu.dma_semaphore, #tpu.memory_space<semaphore_mem>> -> memref<!tpu.dma_semaphore, #tpu.memory_space<semaphore_mem>>
    %dma_wait3A_113 = arith.constant 0 : i32
    %dma_wait3A_114 = tpu.memref_slice %arg6[%add3A_75, %dma_wait3A_113] : memref<50000x128xf32, #tpu.memory_space<hbm>> -> memref<112x128xf32, #tpu.memory_space<hbm>>
    tpu.wait_dma2 semaphore(%dma_wait3A_112 : memref<!tpu.dma_semaphore, #tpu.memory_space<semaphore_mem>>) src(%arg24 : memref<112x128xf32, #tpu.memory_space<vmem>>) dst(%dma_wait3A_114 : memref<112x128xf32, #tpu.memory_space<hbm>>)
    %add3A_115 = arith.constant 336 : i32
    %add3A_116 = arith.addi %select_n3A, %add3A_115 : i32
    %dma_start3A_117 = arith.constant 0 : i32
    %dma_start3A_118 = arith.constant 0 : i32
    %dma_start3A_119 = tpu.memref_slice %arg2[%add3A_116, %dma_start3A_118] : memref<50000x128xf32, #tpu.memory_space<hbm>> -> memref<112x128xf32, #tpu.memory_space<hbm>>
    %dma_start3A_120 = tpu.memref_slice %arg27[%dma_start3A_117] : memref<3x!tpu.dma_semaphore, #tpu.memory_space<semaphore_mem>> -> memref<1x!tpu.dma_semaphore, #tpu.memory_space<semaphore_mem>>
    %dma_start3A_121 = tpu.memref_squeeze %dma_start3A_120 : memref<1x!tpu.dma_semaphore, #tpu.memory_space<semaphore_mem>> -> memref<!tpu.dma_semaphore, #tpu.memory_space<semaphore_mem>>
    %dma_start3A_122 = arith.constant 0 : i32
    %dma_start3A_123 = tpu.memref_slice %arg2[%add3A_116, %dma_start3A_122] : memref<50000x128xf32, #tpu.memory_space<hbm>> -> memref<112x128xf32, #tpu.memory_space<hbm>>
    tpu.enqueue_dma source(%dma_start3A_123 : memref<112x128xf32, #tpu.memory_space<hbm>>) target(%arg24 : memref<112x128xf32, #tpu.memory_space<vmem>>) target_semaphore(%dma_start3A_121 : memref<!tpu.dma_semaphore, #tpu.memory_space<semaphore_mem>>)
    %dma_wait3A_124 = arith.constant 2048 : i32
    %dma_wait3A_125 = tpu.memref_slice %arg4[%dma_wait3A_124] : memref<16384xi32, #tpu.memory_space<hbm>> -> memref<2048xi32, #tpu.memory_space<hbm>>
    %dma_wait3A_126 = arith.constant 2048 : i32
    %dma_wait3A_127 = tpu.memref_slice %arg4[%dma_wait3A_126] : memref<16384xi32, #tpu.memory_space<hbm>> -> memref<2048xi32, #tpu.memory_space<hbm>>
    tpu.wait_dma2 semaphore(%arg33 : memref<!tpu.dma_semaphore, #tpu.memory_space<semaphore_mem>>) src(%dma_wait3A_127 : memref<2048xi32, #tpu.memory_space<hbm>>) dst(%arg9 : memref<2048xi32, #tpu.memory_space<vmem>>)
    "tpu.trace_start"() <{level = 10 : i32, message = "scan_ids"}> : () -> ()
    %scan3A_128 = arith.constant 0 : i32
    %scan3A_129 = arith.constant 0 : i32
    %scan3A_130 = arith.constant 128 : i32
    %scan3A_131 = arith.addi %scan3A_129, %scan3A_130 : i32
    %scan3A_132 = arith.constant 1 : i32
    scf.for %scan3A_723 = %scan3A_129 to %scan3A_131 step %scan3A_132  : i32 {
      %mul3A_724 = arith.constant 16 : i32
      %mul3A_725 = arith.muli %scan3A_723, %mul3A_724 : i32
      %get3A_726 = arith.index_cast %mul3A_725 : i32 to index
      %get3A_727 = tpu.vector_load %arg9[%get3A_726] {strides = array<i32>} : memref<2048xi32, #tpu.memory_space<vmem>>, vector<16xi32>,
      %mul3A_728 = arith.constant 16 : i32
      %mul3A_729 = arith.muli %scan3A_723, %mul3A_728 : i32
      %add3A_730 = arith.constant 2048 : i32
      %add3A_731 = arith.addi %add3A_730, %mul3A_729 : i32
      %add3A_732 = vector.broadcast %add3A_731 : i32 to vector<16xi32>
      %add3A_733 = arith.addi %add3A_732, %iota3A : vector<16xi32>
      %ge3A = vector.broadcast %mul3A_2 : i32 to vector<16xi32>
      %ge3A_734 = arith.cmpi sge, %get3A_727, %ge3A : vector<16xi32>
      %add3A_735 = arith.addi %mul3A_2, %min3A_4 : i32
      %lt3A_736 = vector.broadcast %add3A_735 : i32 to vector<16xi32>
      %lt3A_737 = arith.cmpi slt, %get3A_727, %lt3A_736 : vector<16xi32>
      %and3A_738 = arith.andi %ge3A_734, %lt3A_737 : vector<16xi1>
      %sub3A_739 = vector.broadcast %mul3A_2 : i32 to vector<16xi32>
      %sub3A_740 = arith.subi %get3A_727, %sub3A_739 : vector<16xi32>
      %jit3A_741 = arith.constant 0 : i32
      %broadcast_in_dim3A = vector.broadcast %jit3A_741 : i32 to vector<16xi32>
      %select_n3A_742 = arith.select %and3A_738, %sub3A_740, %broadcast_in_dim3A : vector<16xi1>, vector<16xi32>
      tpu.vector_store_idx %arg7[%select_n3A_742], %add3A_733 masked %and3A_738 : memref<3136xi32, #tpu.memory_space<vmem>>[vector<16xi32>], vector<16xi32>, vector<16xi1>
      %gather3A_743 = tpu.vector_load_idx %arg7[%select_n3A_742] masked %and3A_738 : memref<3136xi32, #tpu.memory_space<vmem>>[vector<16xi32>], vector<16xi32>, vector<16xi1>
      %gt3A = arith.cmpi sgt, %add3A_733, %gather3A_743 : vector<16xi32>
      %and3A_744 = arith.andi %and3A_738, %gt3A : vector<16xi1>
      tpu.vector_store_idx %arg7[%select_n3A_742], %add3A_733 masked %and3A_744 : memref<3136xi32, #tpu.memory_space<vmem>>[vector<16xi32>], vector<16xi32>, vector<16xi1>
    }
    %scan3A_133 = arith.constant 128 : i32
    "tpu.trace_stop"() : () -> ()
    %dma_start3A_134 = arith.constant 6144 : i32
    %dma_start3A_135 = tpu.memref_slice %arg4[%dma_start3A_134] : memref<16384xi32, #tpu.memory_space<hbm>> -> memref<2048xi32, #tpu.memory_space<hbm>>
    %dma_start3A_136 = arith.constant 6144 : i32
    %dma_start3A_137 = tpu.memref_slice %arg4[%dma_start3A_136] : memref<16384xi32, #tpu.memory_space<hbm>> -> memref<2048xi32, #tpu.memory_space<hbm>>
    tpu.enqueue_dma source(%dma_start3A_137 : memref<2048xi32, #tpu.memory_space<hbm>>) target(%arg9 : memref<2048xi32, #tpu.memory_space<vmem>>) target_semaphore(%arg33 : memref<!tpu.dma_semaphore, #tpu.memory_space<semaphore_mem>>)
    %dma_wait3A_138 = arith.constant 2 : i32
    %dma_wait3A_139 = arith.constant 0 : i32
    %dma_wait3A_140 = tpu.memref_slice %arg2[%add3A_84, %dma_wait3A_139] : memref<50000x128xf32, #tpu.memory_space<hbm>> -> memref<112x128xf32, #tpu.memory_space<hbm>>
    %dma_wait3A_141 = tpu.memref_slice %arg27[%dma_wait3A_138] : memref<3x!tpu.dma_semaphore, #tpu.memory_space<semaphore_mem>> -> memref<1x!tpu.dma_semaphore, #tpu.memory_space<semaphore_mem>>
    %dma_wait3A_142 = tpu.memref_squeeze %dma_wait3A_141 : memref<1x!tpu.dma_semaphore, #tpu.memory_space<semaphore_mem>> -> memref<!tpu.dma_semaphore, #tpu.memory_space<semaphore_mem>>
    %dma_wait3A_143 = arith.constant 0 : i32
    %dma_wait3A_144 = tpu.memref_slice %arg2[%add3A_84, %dma_wait3A_143] : memref<50000x128xf32, #tpu.memory_space<hbm>> -> memref<112x128xf32, #tpu.memory_space<hbm>>
    tpu.wait_dma2 semaphore(%dma_wait3A_142 : memref<!tpu.dma_semaphore, #tpu.memory_space<semaphore_mem>>) src(%dma_wait3A_144 : memref<112x128xf32, #tpu.memory_space<hbm>>) dst(%arg26 : memref<112x128xf32, #tpu.memory_space<vmem>>)
    %add3A_145 = arith.constant 224 : i32
    %add3A_146 = arith.addi %select_n3A, %add3A_145 : i32
    %dma_start3A_147 = arith.constant 2 : i32
    %dma_start3A_148 = arith.constant 0 : i32
    %dma_start3A_149 = tpu.memref_slice %arg6[%add3A_146, %dma_start3A_148] : memref<50000x128xf32, #tpu.memory_space<hbm>> -> memref<112x128xf32, #tpu.memory_space<hbm>>
    %dma_start3A_150 = tpu.memref_slice %arg28[%dma_start3A_147] : memref<3x!tpu.dma_semaphore, #tpu.memory_space<semaphore_mem>> -> memref<1x!tpu.dma_semaphore, #tpu.memory_space<semaphore_mem>>
    %dma_start3A_151 = tpu.memref_squeeze %dma_start3A_150 : memref<1x!tpu.dma_semaphore, #tpu.memory_space<semaphore_mem>> -> memref<!tpu.dma_semaphore, #tpu.memory_space<semaphore_mem>>
    %dma_start3A_152 = arith.constant 0 : i32
    %dma_start3A_153 = tpu.memref_slice %arg6[%add3A_146, %dma_start3A_152] : memref<50000x128xf32, #tpu.memory_space<hbm>> -> memref<112x128xf32, #tpu.memory_space<hbm>>
    tpu.enqueue_dma source(%arg26 : memref<112x128xf32, #tpu.memory_space<vmem>>) target(%dma_start3A_153 : memref<112x128xf32, #tpu.memory_space<hbm>>) target_semaphore(%dma_start3A_151 : memref<!tpu.dma_semaphore, #tpu.memory_space<semaphore_mem>>)
    %dma_wait3A_154 = arith.constant 1 : i32
    %dma_wait3A_155 = arith.constant 0 : i32
    %dma_wait3A_156 = tpu.memref_slice %arg6[%add3A_100, %dma_wait3A_155] : memref<50000x128xf32, #tpu.memory_space<hbm>> -> memref<112x128xf32, #tpu.memory_space<hbm>>
    %dma_wait3A_157 = tpu.memref_slice %arg28[%dma_wait3A_154] : memref<3x!tpu.dma_semaphore, #tpu.memory_space<semaphore_mem>> -> memref<1x!tpu.dma_semaphore, #tpu.memory_space<semaphore_mem>>
    %dma_wait3A_158 = tpu.memref_squeeze %dma_wait3A_157 : memref<1x!tpu.dma_semaphore, #tpu.memory_space<semaphore_mem>> -> memref<!tpu.dma_semaphore, #tpu.memory_space<semaphore_mem>>
    %dma_wait3A_159 = arith.constant 0 : i32
    %dma_wait3A_160 = tpu.memref_slice %arg6[%add3A_100, %dma_wait3A_159] : memref<50000x128xf32, #tpu.memory_space<hbm>> -> memref<112x128xf32, #tpu.memory_space<hbm>>
    tpu.wait_dma2 semaphore(%dma_wait3A_158 : memref<!tpu.dma_semaphore, #tpu.memory_space<semaphore_mem>>) src(%arg25 : memref<112x128xf32, #tpu.memory_space<vmem>>) dst(%dma_wait3A_160 : memref<112x128xf32, #tpu.memory_space<hbm>>)
    %add3A_161 = arith.constant 448 : i32
    %add3A_162 = arith.addi %select_n3A, %add3A_161 : i32
    %dma_start3A_163 = arith.constant 1 : i32
    %dma_start3A_164 = arith.constant 0 : i32
    %dma_start3A_165 = tpu.memref_slice %arg2[%add3A_162, %dma_start3A_164] : memref<50000x128xf32, #tpu.memory_space<hbm>> -> memref<112x128xf32, #tpu.memory_space<hbm>>
    %dma_start3A_166 = tpu.memref_slice %arg27[%dma_start3A_163] : memref<3x!tpu.dma_semaphore, #tpu.memory_space<semaphore_mem>> -> memref<1x!tpu.dma_semaphore, #tpu.memory_space<semaphore_mem>>
    %dma_start3A_167 = tpu.memref_squeeze %dma_start3A_166 : memref<1x!tpu.dma_semaphore, #tpu.memory_space<semaphore_mem>> -> memref<!tpu.dma_semaphore, #tpu.memory_space<semaphore_mem>>
    %dma_start3A_168 = arith.constant 0 : i32
    %dma_start3A_169 = tpu.memref_slice %arg2[%add3A_162, %dma_start3A_168] : memref<50000x128xf32, #tpu.memory_space<hbm>> -> memref<112x128xf32, #tpu.memory_space<hbm>>
    tpu.enqueue_dma source(%dma_start3A_169 : memref<112x128xf32, #tpu.memory_space<hbm>>) target(%arg25 : memref<112x128xf32, #tpu.memory_space<vmem>>) target_semaphore(%dma_start3A_167 : memref<!tpu.dma_semaphore, #tpu.memory_space<semaphore_mem>>)
    %dma_wait3A_170 = arith.constant 0 : i32
    %dma_wait3A_171 = arith.constant 0 : i32
    %dma_wait3A_172 = tpu.memref_slice %arg2[%add3A_116, %dma_wait3A_171] : memref<50000x128xf32, #tpu.memory_space<hbm>> -> memref<112x128xf32, #tpu.memory_space<hbm>>
    %dma_wait3A_173 = tpu.memref_slice %arg27[%dma_wait3A_170] : memref<3x!tpu.dma_semaphore, #tpu.memory_space<semaphore_mem>> -> memref<1x!tpu.dma_semaphore, #tpu.memory_space<semaphore_mem>>
    %dma_wait3A_174 = tpu.memref_squeeze %dma_wait3A_173 : memref<1x!tpu.dma_semaphore, #tpu.memory_space<semaphore_mem>> -> memref<!tpu.dma_semaphore, #tpu.memory_space<semaphore_mem>>
    %dma_wait3A_175 = arith.constant 0 : i32
    %dma_wait3A_176 = tpu.memref_slice %arg2[%add3A_116, %dma_wait3A_175] : memref<50000x128xf32, #tpu.memory_space<hbm>> -> memref<112x128xf32, #tpu.memory_space<hbm>>
    tpu.wait_dma2 semaphore(%dma_wait3A_174 : memref<!tpu.dma_semaphore, #tpu.memory_space<semaphore_mem>>) src(%dma_wait3A_176 : memref<112x128xf32, #tpu.memory_space<hbm>>) dst(%arg24 : memref<112x128xf32, #tpu.memory_space<vmem>>)
    %add3A_177 = arith.constant 336 : i32
    %add3A_178 = arith.addi %select_n3A, %add3A_177 : i32
    %dma_start3A_179 = arith.constant 0 : i32
    %dma_start3A_180 = arith.constant 0 : i32
    %dma_start3A_181 = tpu.memref_slice %arg6[%add3A_178, %dma_start3A_180] : memref<50000x128xf32, #tpu.memory_space<hbm>> -> memref<112x128xf32, #tpu.memory_space<hbm>>
    %dma_start3A_182 = tpu.memref_slice %arg28[%dma_start3A_179] : memref<3x!tpu.dma_semaphore, #tpu.memory_space<semaphore_mem>> -> memref<1x!tpu.dma_semaphore, #tpu.memory_space<semaphore_mem>>
    %dma_start3A_183 = tpu.memref_squeeze %dma_start3A_182 : memref<1x!tpu.dma_semaphore, #tpu.memory_space<semaphore_mem>> -> memref<!tpu.dma_semaphore, #tpu.memory_space<semaphore_mem>>
    %dma_start3A_184 = arith.constant 0 : i32
    %dma_start3A_185 = tpu.memref_slice %arg6[%add3A_178, %dma_start3A_184] : memref<50000x128xf32, #tpu.memory_space<hbm>> -> memref<112x128xf32, #tpu.memory_space<hbm>>
    tpu.enqueue_dma source(%arg24 : memref<112x128xf32, #tpu.memory_space<vmem>>) target(%dma_start3A_185 : memref<112x128xf32, #tpu.memory_space<hbm>>) target_semaphore(%dma_start3A_183 : memref<!tpu.dma_semaphore, #tpu.memory_space<semaphore_mem>>)
    %dma_wait3A_186 = arith.constant 2 : i32
    %dma_wait3A_187 = arith.constant 0 : i32
    %dma_wait3A_188 = tpu.memref_slice %arg6[%add3A_146, %dma_wait3A_187] : memref<50000x128xf32, #tpu.memory_space<hbm>> -> memref<112x128xf32, #tpu.memory_space<hbm>>
    %dma_wait3A_189 = tpu.memref_slice %arg28[%dma_wait3A_186] : memref<3x!tpu.dma_semaphore, #tpu.memory_space<semaphore_mem>> -> memref<1x!tpu.dma_semaphore, #tpu.memory_space<semaphore_mem>>
    %dma_wait3A_190 = tpu.memref_squeeze %dma_wait3A_189 : memref<1x!tpu.dma_semaphore, #tpu.memory_space<semaphore_mem>> -> memref<!tpu.dma_semaphore, #tpu.memory_space<semaphore_mem>>
    %dma_wait3A_191 = arith.constant 0 : i32
    %dma_wait3A_192 = tpu.memref_slice %arg6[%add3A_146, %dma_wait3A_191] : memref<50000x128xf32, #tpu.memory_space<hbm>> -> memref<112x128xf32, #tpu.memory_space<hbm>>
    tpu.wait_dma2 semaphore(%dma_wait3A_190 : memref<!tpu.dma_semaphore, #tpu.memory_space<semaphore_mem>>) src(%arg26 : memref<112x128xf32, #tpu.memory_space<vmem>>) dst(%dma_wait3A_192 : memref<112x128xf32, #tpu.memory_space<hbm>>)
    %add3A_193 = arith.constant 560 : i32
    %add3A_194 = arith.addi %select_n3A, %add3A_193 : i32
    %dma_start3A_195 = arith.constant 2 : i32
    %dma_start3A_196 = arith.constant 0 : i32
    %dma_start3A_197 = tpu.memref_slice %arg2[%add3A_194, %dma_start3A_196] : memref<50000x128xf32, #tpu.memory_space<hbm>> -> memref<112x128xf32, #tpu.memory_space<hbm>>
    %dma_start3A_198 = tpu.memref_slice %arg27[%dma_start3A_195] : memref<3x!tpu.dma_semaphore, #tpu.memory_space<semaphore_mem>> -> memref<1x!tpu.dma_semaphore, #tpu.memory_space<semaphore_mem>>
    %dma_start3A_199 = tpu.memref_squeeze %dma_start3A_198 : memref<1x!tpu.dma_semaphore, #tpu.memory_space<semaphore_mem>> -> memref<!tpu.dma_semaphore, #tpu.memory_space<semaphore_mem>>
    %dma_start3A_200 = arith.constant 0 : i32
    %dma_start3A_201 = tpu.memref_slice %arg2[%add3A_194, %dma_start3A_200] : memref<50000x128xf32, #tpu.memory_space<hbm>> -> memref<112x128xf32, #tpu.memory_space<hbm>>
    tpu.enqueue_dma source(%dma_start3A_201 : memref<112x128xf32, #tpu.memory_space<hbm>>) target(%arg26 : memref<112x128xf32, #tpu.memory_space<vmem>>) target_semaphore(%dma_start3A_199 : memref<!tpu.dma_semaphore, #tpu.memory_space<semaphore_mem>>)
    %dma_wait3A_202 = arith.constant 4096 : i32
    %dma_wait3A_203 = tpu.memref_slice %arg4[%dma_wait3A_202] : memref<16384xi32, #tpu.memory_space<hbm>> -> memref<2048xi32, #tpu.memory_space<hbm>>
    %dma_wait3A_204 = arith.constant 4096 : i32
    %dma_wait3A_205 = tpu.memref_slice %arg4[%dma_wait3A_204] : memref<16384xi32, #tpu.memory_space<hbm>> -> memref<2048xi32, #tpu.memory_space<hbm>>
    tpu.wait_dma2 semaphore(%arg32 : memref<!tpu.dma_semaphore, #tpu.memory_space<semaphore_mem>>) src(%dma_wait3A_205 : memref<2048xi32, #tpu.memory_space<hbm>>) dst(%arg8 : memref<2048xi32, #tpu.memory_space<vmem>>)
    "tpu.trace_start"() <{level = 10 : i32, message = "scan_ids"}> : () -> ()
    %scan3A_206 = arith.constant 0 : i32
    %scan3A_207 = arith.constant 0 : i32
    %scan3A_208 = arith.constant 128 : i32
    %scan3A_209 = arith.addi %scan3A_207, %scan3A_208 : i32
    %scan3A_210 = arith.constant 1 : i32
    scf.for %scan3A_723 = %scan3A_207 to %scan3A_209 step %scan3A_210  : i32 {
      %mul3A_724 = arith.constant 16 : i32
      %mul3A_725 = arith.muli %scan3A_723, %mul3A_724 : i32
      %get3A_726 = arith.index_cast %mul3A_725 : i32 to index
      %get3A_727 = tpu.vector_load %arg8[%get3A_726] {strides = array<i32>} : memref<2048xi32, #tpu.memory_space<vmem>>, vector<16xi32>,
      %mul3A_728 = arith.constant 16 : i32
      %mul3A_729 = arith.muli %scan3A_723, %mul3A_728 : i32
      %add3A_730 = arith.constant 4096 : i32
      %add3A_731 = arith.addi %add3A_730, %mul3A_729 : i32
      %add3A_732 = vector.broadcast %add3A_731 : i32 to vector<16xi32>
      %add3A_733 = arith.addi %add3A_732, %iota3A : vector<16xi32>
      %ge3A = vector.broadcast %mul3A_2 : i32 to vector<16xi32>
      %ge3A_734 = arith.cmpi sge, %get3A_727, %ge3A : vector<16xi32>
      %add3A_735 = arith.addi %mul3A_2, %min3A_4 : i32
      %lt3A_736 = vector.broadcast %add3A_735 : i32 to vector<16xi32>
      %lt3A_737 = arith.cmpi slt, %get3A_727, %lt3A_736 : vector<16xi32>
      %and3A_738 = arith.andi %ge3A_734, %lt3A_737 : vector<16xi1>
      %sub3A_739 = vector.broadcast %mul3A_2 : i32 to vector<16xi32>
      %sub3A_740 = arith.subi %get3A_727, %sub3A_739 : vector<16xi32>
      %jit3A_741 = arith.constant 0 : i32
      %broadcast_in_dim3A = vector.broadcast %jit3A_741 : i32 to vector<16xi32>
      %select_n3A_742 = arith.select %and3A_738, %sub3A_740, %broadcast_in_dim3A : vector<16xi1>, vector<16xi32>
      tpu.vector_store_idx %arg7[%select_n3A_742], %add3A_733 masked %and3A_738 : memref<3136xi32, #tpu.memory_space<vmem>>[vector<16xi32>], vector<16xi32>, vector<16xi1>
      %gather3A_743 = tpu.vector_load_idx %arg7[%select_n3A_742] masked %and3A_738 : memref<3136xi32, #tpu.memory_space<vmem>>[vector<16xi32>], vector<16xi32>, vector<16xi1>
      %gt3A = arith.cmpi sgt, %add3A_733, %gather3A_743 : vector<16xi32>
      %and3A_744 = arith.andi %and3A_738, %gt3A : vector<16xi1>
      tpu.vector_store_idx %arg7[%select_n3A_742], %add3A_733 masked %and3A_744 : memref<3136xi32, #tpu.memory_space<vmem>>[vector<16xi32>], vector<16xi32>, vector<16xi1>
    }
    %scan3A_211 = arith.constant 128 : i32
    "tpu.trace_stop"() : () -> ()
    %dma_start3A_212 = arith.constant 8192 : i32
    %dma_start3A_213 = tpu.memref_slice %arg4[%dma_start3A_212] : memref<16384xi32, #tpu.memory_space<hbm>> -> memref<2048xi32, #tpu.memory_space<hbm>>
    %dma_start3A_214 = arith.constant 8192 : i32
    %dma_start3A_215 = tpu.memref_slice %arg4[%dma_start3A_214] : memref<16384xi32, #tpu.memory_space<hbm>> -> memref<2048xi32, #tpu.memory_space<hbm>>
    tpu.enqueue_dma source(%dma_start3A_215 : memref<2048xi32, #tpu.memory_space<hbm>>) target(%arg8 : memref<2048xi32, #tpu.memory_space<vmem>>) target_semaphore(%arg32 : memref<!tpu.dma_semaphore, #tpu.memory_space<semaphore_mem>>)
    %dma_wait3A_216 = arith.constant 1 : i32
    %dma_wait3A_217 = arith.constant 0 : i32
    %dma_wait3A_218 = tpu.memref_slice %arg2[%add3A_162, %dma_wait3A_217] : memref<50000x128xf32, #tpu.memory_space<hbm>> -> memref<112x128xf32, #tpu.memory_space<hbm>>
    %dma_wait3A_219 = tpu.memref_slice %arg27[%dma_wait3A_216] : memref<3x!tpu.dma_semaphore, #tpu.memory_space<semaphore_mem>> -> memref<1x!tpu.dma_semaphore, #tpu.memory_space<semaphore_mem>>
    %dma_wait3A_220 = tpu.memref_squeeze %dma_wait3A_219 : memref<1x!tpu.dma_semaphore, #tpu.memory_space<semaphore_mem>> -> memref<!tpu.dma_semaphore, #tpu.memory_space<semaphore_mem>>
    %dma_wait3A_221 = arith.constant 0 : i32
    %dma_wait3A_222 = tpu.memref_slice %arg2[%add3A_162, %dma_wait3A_221] : memref<50000x128xf32, #tpu.memory_space<hbm>> -> memref<112x128xf32, #tpu.memory_space<hbm>>
    tpu.wait_dma2 semaphore(%dma_wait3A_220 : memref<!tpu.dma_semaphore, #tpu.memory_space<semaphore_mem>>) src(%dma_wait3A_222 : memref<112x128xf32, #tpu.memory_space<hbm>>) dst(%arg25 : memref<112x128xf32, #tpu.memory_space<vmem>>)
    %add3A_223 = arith.constant 448 : i32
    %add3A_224 = arith.addi %select_n3A, %add3A_223 : i32
    %dma_start3A_225 = arith.constant 1 : i32
    %dma_start3A_226 = arith.constant 0 : i32
    %dma_start3A_227 = tpu.memref_slice %arg6[%add3A_224, %dma_start3A_226] : memref<50000x128xf32, #tpu.memory_space<hbm>> -> memref<112x128xf32, #tpu.memory_space<hbm>>
    %dma_start3A_228 = tpu.memref_slice %arg28[%dma_start3A_225] : memref<3x!tpu.dma_semaphore, #tpu.memory_space<semaphore_mem>> -> memref<1x!tpu.dma_semaphore, #tpu.memory_space<semaphore_mem>>
    %dma_start3A_229 = tpu.memref_squeeze %dma_start3A_228 : memref<1x!tpu.dma_semaphore, #tpu.memory_space<semaphore_mem>> -> memref<!tpu.dma_semaphore, #tpu.memory_space<semaphore_mem>>
    %dma_start3A_230 = arith.constant 0 : i32
    %dma_start3A_231 = tpu.memref_slice %arg6[%add3A_224, %dma_start3A_230] : memref<50000x128xf32, #tpu.memory_space<hbm>> -> memref<112x128xf32, #tpu.memory_space<hbm>>
    tpu.enqueue_dma source(%arg25 : memref<112x128xf32, #tpu.memory_space<vmem>>) target(%dma_start3A_231 : memref<112x128xf32, #tpu.memory_space<hbm>>) target_semaphore(%dma_start3A_229 : memref<!tpu.dma_semaphore, #tpu.memory_space<semaphore_mem>>)
    %dma_wait3A_232 = arith.constant 0 : i32
    %dma_wait3A_233 = arith.constant 0 : i32
    %dma_wait3A_234 = tpu.memref_slice %arg6[%add3A_178, %dma_wait3A_233] : memref<50000x128xf32, #tpu.memory_space<hbm>> -> memref<112x128xf32, #tpu.memory_space<hbm>>
    %dma_wait3A_235 = tpu.memref_slice %arg28[%dma_wait3A_232] : memref<3x!tpu.dma_semaphore, #tpu.memory_space<semaphore_mem>> -> memref<1x!tpu.dma_semaphore, #tpu.memory_space<semaphore_mem>>
    %dma_wait3A_236 = tpu.memref_squeeze %dma_wait3A_235 : memref<1x!tpu.dma_semaphore, #tpu.memory_space<semaphore_mem>> -> memref<!tpu.dma_semaphore, #tpu.memory_space<semaphore_mem>>
    %dma_wait3A_237 = arith.constant 0 : i32
    %dma_wait3A_238 = tpu.memref_slice %arg6[%add3A_178, %dma_wait3A_237] : memref<50000x128xf32, #tpu.memory_space<hbm>> -> memref<112x128xf32, #tpu.memory_space<hbm>>
    tpu.wait_dma2 semaphore(%dma_wait3A_236 : memref<!tpu.dma_semaphore, #tpu.memory_space<semaphore_mem>>) src(%arg24 : memref<112x128xf32, #tpu.memory_space<vmem>>) dst(%dma_wait3A_238 : memref<112x128xf32, #tpu.memory_space<hbm>>)
    %add3A_239 = arith.constant 672 : i32
    %add3A_240 = arith.addi %select_n3A, %add3A_239 : i32
    %dma_start3A_241 = arith.constant 0 : i32
    %dma_start3A_242 = arith.constant 0 : i32
    %dma_start3A_243 = tpu.memref_slice %arg2[%add3A_240, %dma_start3A_242] : memref<50000x128xf32, #tpu.memory_space<hbm>> -> memref<112x128xf32, #tpu.memory_space<hbm>>
    %dma_start3A_244 = tpu.memref_slice %arg27[%dma_start3A_241] : memref<3x!tpu.dma_semaphore, #tpu.memory_space<semaphore_mem>> -> memref<1x!tpu.dma_semaphore, #tpu.memory_space<semaphore_mem>>
    %dma_start3A_245 = tpu.memref_squeeze %dma_start3A_244 : memref<1x!tpu.dma_semaphore, #tpu.memory_space<semaphore_mem>> -> memref<!tpu.dma_semaphore, #tpu.memory_space<semaphore_mem>>
    %dma_start3A_246 = arith.constant 0 : i32
    %dma_start3A_247 = tpu.memref_slice %arg2[%add3A_240, %dma_start3A_246] : memref<50000x128xf32, #tpu.memory_space<hbm>> -> memref<112x128xf32, #tpu.memory_space<hbm>>
    tpu.enqueue_dma source(%dma_start3A_247 : memref<112x128xf32, #tpu.memory_space<hbm>>) target(%arg24 : memref<112x128xf32, #tpu.memory_space<vmem>>) target_semaphore(%dma_start3A_245 : memref<!tpu.dma_semaphore, #tpu.memory_space<semaphore_mem>>)
    %dma_wait3A_248 = arith.constant 2 : i32
    %dma_wait3A_249 = arith.constant 0 : i32
    %dma_wait3A_250 = tpu.memref_slice %arg2[%add3A_194, %dma_wait3A_249] : memref<50000x128xf32, #tpu.memory_space<hbm>> -> memref<112x128xf32, #tpu.memory_space<hbm>>
    %dma_wait3A_251 = tpu.memref_slice %arg27[%dma_wait3A_248] : memref<3x!tpu.dma_semaphore, #tpu.memory_space<semaphore_mem>> -> memref<1x!tpu.dma_semaphore, #tpu.memory_space<semaphore_mem>>
    %dma_wait3A_252 = tpu.memref_squeeze %dma_wait3A_251 : memref<1x!tpu.dma_semaphore, #tpu.memory_space<semaphore_mem>> -> memref<!tpu.dma_semaphore, #tpu.memory_space<semaphore_mem>>
    %dma_wait3A_253 = arith.constant 0 : i32
    %dma_wait3A_254 = tpu.memref_slice %arg2[%add3A_194, %dma_wait3A_253] : memref<50000x128xf32, #tpu.memory_space<hbm>> -> memref<112x128xf32, #tpu.memory_space<hbm>>
    tpu.wait_dma2 semaphore(%dma_wait3A_252 : memref<!tpu.dma_semaphore, #tpu.memory_space<semaphore_mem>>) src(%dma_wait3A_254 : memref<112x128xf32, #tpu.memory_space<hbm>>) dst(%arg26 : memref<112x128xf32, #tpu.memory_space<vmem>>)
    %add3A_255 = arith.constant 560 : i32
    %add3A_256 = arith.addi %select_n3A, %add3A_255 : i32
    %dma_start3A_257 = arith.constant 2 : i32
    %dma_start3A_258 = arith.constant 0 : i32
    %dma_start3A_259 = tpu.memref_slice %arg6[%add3A_256, %dma_start3A_258] : memref<50000x128xf32, #tpu.memory_space<hbm>> -> memref<112x128xf32, #tpu.memory_space<hbm>>
    %dma_start3A_260 = tpu.memref_slice %arg28[%dma_start3A_257] : memref<3x!tpu.dma_semaphore, #tpu.memory_space<semaphore_mem>> -> memref<1x!tpu.dma_semaphore, #tpu.memory_space<semaphore_mem>>
    %dma_start3A_261 = tpu.memref_squeeze %dma_start3A_260 : memref<1x!tpu.dma_semaphore, #tpu.memory_space<semaphore_mem>> -> memref<!tpu.dma_semaphore, #tpu.memory_space<semaphore_mem>>
    %dma_start3A_262 = arith.constant 0 : i32
    %dma_start3A_263 = tpu.memref_slice %arg6[%add3A_256, %dma_start3A_262] : memref<50000x128xf32, #tpu.memory_space<hbm>> -> memref<112x128xf32, #tpu.memory_space<hbm>>
    tpu.enqueue_dma source(%arg26 : memref<112x128xf32, #tpu.memory_space<vmem>>) target(%dma_start3A_263 : memref<112x128xf32, #tpu.memory_space<hbm>>) target_semaphore(%dma_start3A_261 : memref<!tpu.dma_semaphore, #tpu.memory_space<semaphore_mem>>)
    %dma_wait3A_264 = arith.constant 1 : i32
    %dma_wait3A_265 = arith.constant 0 : i32
    %dma_wait3A_266 = tpu.memref_slice %arg6[%add3A_224, %dma_wait3A_265] : memref<50000x128xf32, #tpu.memory_space<hbm>> -> memref<112x128xf32, #tpu.memory_space<hbm>>
    %dma_wait3A_267 = tpu.memref_slice %arg28[%dma_wait3A_264] : memref<3x!tpu.dma_semaphore, #tpu.memory_space<semaphore_mem>> -> memref<1x!tpu.dma_semaphore, #tpu.memory_space<semaphore_mem>>
    %dma_wait3A_268 = tpu.memref_squeeze %dma_wait3A_267 : memref<1x!tpu.dma_semaphore, #tpu.memory_space<semaphore_mem>> -> memref<!tpu.dma_semaphore, #tpu.memory_space<semaphore_mem>>
    %dma_wait3A_269 = arith.constant 0 : i32
    %dma_wait3A_270 = tpu.memref_slice %arg6[%add3A_224, %dma_wait3A_269] : memref<50000x128xf32, #tpu.memory_space<hbm>> -> memref<112x128xf32, #tpu.memory_space<hbm>>
    tpu.wait_dma2 semaphore(%dma_wait3A_268 : memref<!tpu.dma_semaphore, #tpu.memory_space<semaphore_mem>>) src(%arg25 : memref<112x128xf32, #tpu.memory_space<vmem>>) dst(%dma_wait3A_270 : memref<112x128xf32, #tpu.memory_space<hbm>>)
    %add3A_271 = arith.constant 784 : i32
    %add3A_272 = arith.addi %select_n3A, %add3A_271 : i32
    %dma_start3A_273 = arith.constant 1 : i32
    %dma_start3A_274 = arith.constant 0 : i32
    %dma_start3A_275 = tpu.memref_slice %arg2[%add3A_272, %dma_start3A_274] : memref<50000x128xf32, #tpu.memory_space<hbm>> -> memref<112x128xf32, #tpu.memory_space<hbm>>
    %dma_start3A_276 = tpu.memref_slice %arg27[%dma_start3A_273] : memref<3x!tpu.dma_semaphore, #tpu.memory_space<semaphore_mem>> -> memref<1x!tpu.dma_semaphore, #tpu.memory_space<semaphore_mem>>
    %dma_start3A_277 = tpu.memref_squeeze %dma_start3A_276 : memref<1x!tpu.dma_semaphore, #tpu.memory_space<semaphore_mem>> -> memref<!tpu.dma_semaphore, #tpu.memory_space<semaphore_mem>>
    %dma_start3A_278 = arith.constant 0 : i32
    %dma_start3A_279 = tpu.memref_slice %arg2[%add3A_272, %dma_start3A_278] : memref<50000x128xf32, #tpu.memory_space<hbm>> -> memref<112x128xf32, #tpu.memory_space<hbm>>
    tpu.enqueue_dma source(%dma_start3A_279 : memref<112x128xf32, #tpu.memory_space<hbm>>) target(%arg25 : memref<112x128xf32, #tpu.memory_space<vmem>>) target_semaphore(%dma_start3A_277 : memref<!tpu.dma_semaphore, #tpu.memory_space<semaphore_mem>>)
    %dma_wait3A_280 = arith.constant 6144 : i32
    %dma_wait3A_281 = tpu.memref_slice %arg4[%dma_wait3A_280] : memref<16384xi32, #tpu.memory_space<hbm>> -> memref<2048xi32, #tpu.memory_space<hbm>>
    %dma_wait3A_282 = arith.constant 6144 : i32
    %dma_wait3A_283 = tpu.memref_slice %arg4[%dma_wait3A_282] : memref<16384xi32, #tpu.memory_space<hbm>> -> memref<2048xi32, #tpu.memory_space<hbm>>
    tpu.wait_dma2 semaphore(%arg33 : memref<!tpu.dma_semaphore, #tpu.memory_space<semaphore_mem>>) src(%dma_wait3A_283 : memref<2048xi32, #tpu.memory_space<hbm>>) dst(%arg9 : memref<2048xi32, #tpu.memory_space<vmem>>)
    "tpu.trace_start"() <{level = 10 : i32, message = "scan_ids"}> : () -> ()
    %scan3A_284 = arith.constant 0 : i32
    %scan3A_285 = arith.constant 0 : i32
    %scan3A_286 = arith.constant 128 : i32
    %scan3A_287 = arith.addi %scan3A_285, %scan3A_286 : i32
    %scan3A_288 = arith.constant 1 : i32
    scf.for %scan3A_723 = %scan3A_285 to %scan3A_287 step %scan3A_288  : i32 {
      %mul3A_724 = arith.constant 16 : i32
      %mul3A_725 = arith.muli %scan3A_723, %mul3A_724 : i32
      %get3A_726 = arith.index_cast %mul3A_725 : i32 to index
      %get3A_727 = tpu.vector_load %arg9[%get3A_726] {strides = array<i32>} : memref<2048xi32, #tpu.memory_space<vmem>>, vector<16xi32>,
      %mul3A_728 = arith.constant 16 : i32
      %mul3A_729 = arith.muli %scan3A_723, %mul3A_728 : i32
      %add3A_730 = arith.constant 6144 : i32
      %add3A_731 = arith.addi %add3A_730, %mul3A_729 : i32
      %add3A_732 = vector.broadcast %add3A_731 : i32 to vector<16xi32>
      %add3A_733 = arith.addi %add3A_732, %iota3A : vector<16xi32>
      %ge3A = vector.broadcast %mul3A_2 : i32 to vector<16xi32>
      %ge3A_734 = arith.cmpi sge, %get3A_727, %ge3A : vector<16xi32>
      %add3A_735 = arith.addi %mul3A_2, %min3A_4 : i32
      %lt3A_736 = vector.broadcast %add3A_735 : i32 to vector<16xi32>
      %lt3A_737 = arith.cmpi slt, %get3A_727, %lt3A_736 : vector<16xi32>
      %and3A_738 = arith.andi %ge3A_734, %lt3A_737 : vector<16xi1>
      %sub3A_739 = vector.broadcast %mul3A_2 : i32 to vector<16xi32>
      %sub3A_740 = arith.subi %get3A_727, %sub3A_739 : vector<16xi32>
      %jit3A_741 = arith.constant 0 : i32
      %broadcast_in_dim3A = vector.broadcast %jit3A_741 : i32 to vector<16xi32>
      %select_n3A_742 = arith.select %and3A_738, %sub3A_740, %broadcast_in_dim3A : vector<16xi1>, vector<16xi32>
      tpu.vector_store_idx %arg7[%select_n3A_742], %add3A_733 masked %and3A_738 : memref<3136xi32, #tpu.memory_space<vmem>>[vector<16xi32>], vector<16xi32>, vector<16xi1>
      %gather3A_743 = tpu.vector_load_idx %arg7[%select_n3A_742] masked %and3A_738 : memref<3136xi32, #tpu.memory_space<vmem>>[vector<16xi32>], vector<16xi32>, vector<16xi1>
      %gt3A = arith.cmpi sgt, %add3A_733, %gather3A_743 : vector<16xi32>
      %and3A_744 = arith.andi %and3A_738, %gt3A : vector<16xi1>
      tpu.vector_store_idx %arg7[%select_n3A_742], %add3A_733 masked %and3A_744 : memref<3136xi32, #tpu.memory_space<vmem>>[vector<16xi32>], vector<16xi32>, vector<16xi1>
    }
    %scan3A_289 = arith.constant 128 : i32
    "tpu.trace_stop"() : () -> ()
    %dma_start3A_290 = arith.constant 10240 : i32
    %dma_start3A_291 = tpu.memref_slice %arg4[%dma_start3A_290] : memref<16384xi32, #tpu.memory_space<hbm>> -> memref<2048xi32, #tpu.memory_space<hbm>>
    %dma_start3A_292 = arith.constant 10240 : i32
    %dma_start3A_293 = tpu.memref_slice %arg4[%dma_start3A_292] : memref<16384xi32, #tpu.memory_space<hbm>> -> memref<2048xi32, #tpu.memory_space<hbm>>
    tpu.enqueue_dma source(%dma_start3A_293 : memref<2048xi32, #tpu.memory_space<hbm>>) target(%arg9 : memref<2048xi32, #tpu.memory_space<vmem>>) target_semaphore(%arg33 : memref<!tpu.dma_semaphore, #tpu.memory_space<semaphore_mem>>)
    %dma_wait3A_294 = arith.constant 0 : i32
    %dma_wait3A_295 = arith.constant 0 : i32
    %dma_wait3A_296 = tpu.memref_slice %arg2[%add3A_240, %dma_wait3A_295] : memref<50000x128xf32, #tpu.memory_space<hbm>> -> memref<112x128xf32, #tpu.memory_space<hbm>>
    %dma_wait3A_297 = tpu.memref_slice %arg27[%dma_wait3A_294] : memref<3x!tpu.dma_semaphore, #tpu.memory_space<semaphore_mem>> -> memref<1x!tpu.dma_semaphore, #tpu.memory_space<semaphore_mem>>
    %dma_wait3A_298 = tpu.memref_squeeze %dma_wait3A_297 : memref<1x!tpu.dma_semaphore, #tpu.memory_space<semaphore_mem>> -> memref<!tpu.dma_semaphore, #tpu.memory_space<semaphore_mem>>
    %dma_wait3A_299 = arith.constant 0 : i32
    %dma_wait3A_300 = tpu.memref_slice %arg2[%add3A_240, %dma_wait3A_299] : memref<50000x128xf32, #tpu.memory_space<hbm>> -> memref<112x128xf32, #tpu.memory_space<hbm>>
    tpu.wait_dma2 semaphore(%dma_wait3A_298 : memref<!tpu.dma_semaphore, #tpu.memory_space<semaphore_mem>>) src(%dma_wait3A_300 : memref<112x128xf32, #tpu.memory_space<hbm>>) dst(%arg24 : memref<112x128xf32, #tpu.memory_space<vmem>>)
    %add3A_301 = arith.constant 672 : i32
    %add3A_302 = arith.addi %select_n3A, %add3A_301 : i32
    %dma_start3A_303 = arith.constant 0 : i32
    %dma_start3A_304 = arith.constant 0 : i32
    %dma_start3A_305 = tpu.memref_slice %arg6[%add3A_302, %dma_start3A_304] : memref<50000x128xf32, #tpu.memory_space<hbm>> -> memref<112x128xf32, #tpu.memory_space<hbm>>
    %dma_start3A_306 = tpu.memref_slice %arg28[%dma_start3A_303] : memref<3x!tpu.dma_semaphore, #tpu.memory_space<semaphore_mem>> -> memref<1x!tpu.dma_semaphore, #tpu.memory_space<semaphore_mem>>
    %dma_start3A_307 = tpu.memref_squeeze %dma_start3A_306 : memref<1x!tpu.dma_semaphore, #tpu.memory_space<semaphore_mem>> -> memref<!tpu.dma_semaphore, #tpu.memory_space<semaphore_mem>>
    %dma_start3A_308 = arith.constant 0 : i32
    %dma_start3A_309 = tpu.memref_slice %arg6[%add3A_302, %dma_start3A_308] : memref<50000x128xf32, #tpu.memory_space<hbm>> -> memref<112x128xf32, #tpu.memory_space<hbm>>
    tpu.enqueue_dma source(%arg24 : memref<112x128xf32, #tpu.memory_space<vmem>>) target(%dma_start3A_309 : memref<112x128xf32, #tpu.memory_space<hbm>>) target_semaphore(%dma_start3A_307 : memref<!tpu.dma_semaphore, #tpu.memory_space<semaphore_mem>>)
    %dma_wait3A_310 = arith.constant 2 : i32
    %dma_wait3A_311 = arith.constant 0 : i32
    %dma_wait3A_312 = tpu.memref_slice %arg6[%add3A_256, %dma_wait3A_311] : memref<50000x128xf32, #tpu.memory_space<hbm>> -> memref<112x128xf32, #tpu.memory_space<hbm>>
    %dma_wait3A_313 = tpu.memref_slice %arg28[%dma_wait3A_310] : memref<3x!tpu.dma_semaphore, #tpu.memory_space<semaphore_mem>> -> memref<1x!tpu.dma_semaphore, #tpu.memory_space<semaphore_mem>>
    %dma_wait3A_314 = tpu.memref_squeeze %dma_wait3A_313 : memref<1x!tpu.dma_semaphore, #tpu.memory_space<semaphore_mem>> -> memref<!tpu.dma_semaphore, #tpu.memory_space<semaphore_mem>>
    %dma_wait3A_315 = arith.constant 0 : i32
    %dma_wait3A_316 = tpu.memref_slice %arg6[%add3A_256, %dma_wait3A_315] : memref<50000x128xf32, #tpu.memory_space<hbm>> -> memref<112x128xf32, #tpu.memory_space<hbm>>
    tpu.wait_dma2 semaphore(%dma_wait3A_314 : memref<!tpu.dma_semaphore, #tpu.memory_space<semaphore_mem>>) src(%arg26 : memref<112x128xf32, #tpu.memory_space<vmem>>) dst(%dma_wait3A_316 : memref<112x128xf32, #tpu.memory_space<hbm>>)
    %add3A_317 = arith.constant 896 : i32
    %add3A_318 = arith.addi %select_n3A, %add3A_317 : i32
    %dma_start3A_319 = arith.constant 2 : i32
    %dma_start3A_320 = arith.constant 0 : i32
    %dma_start3A_321 = tpu.memref_slice %arg2[%add3A_318, %dma_start3A_320] : memref<50000x128xf32, #tpu.memory_space<hbm>> -> memref<112x128xf32, #tpu.memory_space<hbm>>
    %dma_start3A_322 = tpu.memref_slice %arg27[%dma_start3A_319] : memref<3x!tpu.dma_semaphore, #tpu.memory_space<semaphore_mem>> -> memref<1x!tpu.dma_semaphore, #tpu.memory_space<semaphore_mem>>
    %dma_start3A_323 = tpu.memref_squeeze %dma_start3A_322 : memref<1x!tpu.dma_semaphore, #tpu.memory_space<semaphore_mem>> -> memref<!tpu.dma_semaphore, #tpu.memory_space<semaphore_mem>>
    %dma_start3A_324 = arith.constant 0 : i32
    %dma_start3A_325 = tpu.memref_slice %arg2[%add3A_318, %dma_start3A_324] : memref<50000x128xf32, #tpu.memory_space<hbm>> -> memref<112x128xf32, #tpu.memory_space<hbm>>
    tpu.enqueue_dma source(%dma_start3A_325 : memref<112x128xf32, #tpu.memory_space<hbm>>) target(%arg26 : memref<112x128xf32, #tpu.memory_space<vmem>>) target_semaphore(%dma_start3A_323 : memref<!tpu.dma_semaphore, #tpu.memory_space<semaphore_mem>>)
    %dma_wait3A_326 = arith.constant 1 : i32
    %dma_wait3A_327 = arith.constant 0 : i32
    %dma_wait3A_328 = tpu.memref_slice %arg2[%add3A_272, %dma_wait3A_327] : memref<50000x128xf32, #tpu.memory_space<hbm>> -> memref<112x128xf32, #tpu.memory_space<hbm>>
    %dma_wait3A_329 = tpu.memref_slice %arg27[%dma_wait3A_326] : memref<3x!tpu.dma_semaphore, #tpu.memory_space<semaphore_mem>> -> memref<1x!tpu.dma_semaphore, #tpu.memory_space<semaphore_mem>>
    %dma_wait3A_330 = tpu.memref_squeeze %dma_wait3A_329 : memref<1x!tpu.dma_semaphore, #tpu.memory_space<semaphore_mem>> -> memref<!tpu.dma_semaphore, #tpu.memory_space<semaphore_mem>>
    %dma_wait3A_331 = arith.constant 0 : i32
    %dma_wait3A_332 = tpu.memref_slice %arg2[%add3A_272, %dma_wait3A_331] : memref<50000x128xf32, #tpu.memory_space<hbm>> -> memref<112x128xf32, #tpu.memory_space<hbm>>
    tpu.wait_dma2 semaphore(%dma_wait3A_330 : memref<!tpu.dma_semaphore, #tpu.memory_space<semaphore_mem>>) src(%dma_wait3A_332 : memref<112x128xf32, #tpu.memory_space<hbm>>) dst(%arg25 : memref<112x128xf32, #tpu.memory_space<vmem>>)
    %add3A_333 = arith.constant 784 : i32
    %add3A_334 = arith.addi %select_n3A, %add3A_333 : i32
    %dma_start3A_335 = arith.constant 1 : i32
    %dma_start3A_336 = arith.constant 0 : i32
    %dma_start3A_337 = tpu.memref_slice %arg6[%add3A_334, %dma_start3A_336] : memref<50000x128xf32, #tpu.memory_space<hbm>> -> memref<112x128xf32, #tpu.memory_space<hbm>>
    %dma_start3A_338 = tpu.memref_slice %arg28[%dma_start3A_335] : memref<3x!tpu.dma_semaphore, #tpu.memory_space<semaphore_mem>> -> memref<1x!tpu.dma_semaphore, #tpu.memory_space<semaphore_mem>>
    %dma_start3A_339 = tpu.memref_squeeze %dma_start3A_338 : memref<1x!tpu.dma_semaphore, #tpu.memory_space<semaphore_mem>> -> memref<!tpu.dma_semaphore, #tpu.memory_space<semaphore_mem>>
    %dma_start3A_340 = arith.constant 0 : i32
    %dma_start3A_341 = tpu.memref_slice %arg6[%add3A_334, %dma_start3A_340] : memref<50000x128xf32, #tpu.memory_space<hbm>> -> memref<112x128xf32, #tpu.memory_space<hbm>>
    tpu.enqueue_dma source(%arg25 : memref<112x128xf32, #tpu.memory_space<vmem>>) target(%dma_start3A_341 : memref<112x128xf32, #tpu.memory_space<hbm>>) target_semaphore(%dma_start3A_339 : memref<!tpu.dma_semaphore, #tpu.memory_space<semaphore_mem>>)
    %dma_wait3A_342 = arith.constant 0 : i32
    %dma_wait3A_343 = arith.constant 0 : i32
    %dma_wait3A_344 = tpu.memref_slice %arg6[%add3A_302, %dma_wait3A_343] : memref<50000x128xf32, #tpu.memory_space<hbm>> -> memref<112x128xf32, #tpu.memory_space<hbm>>
    %dma_wait3A_345 = tpu.memref_slice %arg28[%dma_wait3A_342] : memref<3x!tpu.dma_semaphore, #tpu.memory_space<semaphore_mem>> -> memref<1x!tpu.dma_semaphore, #tpu.memory_space<semaphore_mem>>
    %dma_wait3A_346 = tpu.memref_squeeze %dma_wait3A_345 : memref<1x!tpu.dma_semaphore, #tpu.memory_space<semaphore_mem>> -> memref<!tpu.dma_semaphore, #tpu.memory_space<semaphore_mem>>
    %dma_wait3A_347 = arith.constant 0 : i32
    %dma_wait3A_348 = tpu.memref_slice %arg6[%add3A_302, %dma_wait3A_347] : memref<50000x128xf32, #tpu.memory_space<hbm>> -> memref<112x128xf32, #tpu.memory_space<hbm>>
    tpu.wait_dma2 semaphore(%dma_wait3A_346 : memref<!tpu.dma_semaphore, #tpu.memory_space<semaphore_mem>>) src(%arg24 : memref<112x128xf32, #tpu.memory_space<vmem>>) dst(%dma_wait3A_348 : memref<112x128xf32, #tpu.memory_space<hbm>>)
    %add3A_349 = arith.constant 1008 : i32
    %add3A_350 = arith.addi %select_n3A, %add3A_349 : i32
    %dma_start3A_351 = arith.constant 0 : i32
    %dma_start3A_352 = arith.constant 0 : i32
    %dma_start3A_353 = tpu.memref_slice %arg2[%add3A_350, %dma_start3A_352] : memref<50000x128xf32, #tpu.memory_space<hbm>> -> memref<112x128xf32, #tpu.memory_space<hbm>>
    %dma_start3A_354 = tpu.memref_slice %arg27[%dma_start3A_351] : memref<3x!tpu.dma_semaphore, #tpu.memory_space<semaphore_mem>> -> memref<1x!tpu.dma_semaphore, #tpu.memory_space<semaphore_mem>>
    %dma_start3A_355 = tpu.memref_squeeze %dma_start3A_354 : memref<1x!tpu.dma_semaphore, #tpu.memory_space<semaphore_mem>> -> memref<!tpu.dma_semaphore, #tpu.memory_space<semaphore_mem>>
    %dma_start3A_356 = arith.constant 0 : i32
    %dma_start3A_357 = tpu.memref_slice %arg2[%add3A_350, %dma_start3A_356] : memref<50000x128xf32, #tpu.memory_space<hbm>> -> memref<112x128xf32, #tpu.memory_space<hbm>>
    tpu.enqueue_dma source(%dma_start3A_357 : memref<112x128xf32, #tpu.memory_space<hbm>>) target(%arg24 : memref<112x128xf32, #tpu.memory_space<vmem>>) target_semaphore(%dma_start3A_355 : memref<!tpu.dma_semaphore, #tpu.memory_space<semaphore_mem>>)
    %dma_wait3A_358 = arith.constant 8192 : i32
    %dma_wait3A_359 = tpu.memref_slice %arg4[%dma_wait3A_358] : memref<16384xi32, #tpu.memory_space<hbm>> -> memref<2048xi32, #tpu.memory_space<hbm>>
    %dma_wait3A_360 = arith.constant 8192 : i32
    %dma_wait3A_361 = tpu.memref_slice %arg4[%dma_wait3A_360] : memref<16384xi32, #tpu.memory_space<hbm>> -> memref<2048xi32, #tpu.memory_space<hbm>>
    tpu.wait_dma2 semaphore(%arg32 : memref<!tpu.dma_semaphore, #tpu.memory_space<semaphore_mem>>) src(%dma_wait3A_361 : memref<2048xi32, #tpu.memory_space<hbm>>) dst(%arg8 : memref<2048xi32, #tpu.memory_space<vmem>>)
    "tpu.trace_start"() <{level = 10 : i32, message = "scan_ids"}> : () -> ()
    %scan3A_362 = arith.constant 0 : i32
    %scan3A_363 = arith.constant 0 : i32
    %scan3A_364 = arith.constant 128 : i32
    %scan3A_365 = arith.addi %scan3A_363, %scan3A_364 : i32
    %scan3A_366 = arith.constant 1 : i32
    scf.for %scan3A_723 = %scan3A_363 to %scan3A_365 step %scan3A_366  : i32 {
      %mul3A_724 = arith.constant 16 : i32
      %mul3A_725 = arith.muli %scan3A_723, %mul3A_724 : i32
      %get3A_726 = arith.index_cast %mul3A_725 : i32 to index
      %get3A_727 = tpu.vector_load %arg8[%get3A_726] {strides = array<i32>} : memref<2048xi32, #tpu.memory_space<vmem>>, vector<16xi32>,
      %mul3A_728 = arith.constant 16 : i32
      %mul3A_729 = arith.muli %scan3A_723, %mul3A_728 : i32
      %add3A_730 = arith.constant 8192 : i32
      %add3A_731 = arith.addi %add3A_730, %mul3A_729 : i32
      %add3A_732 = vector.broadcast %add3A_731 : i32 to vector<16xi32>
      %add3A_733 = arith.addi %add3A_732, %iota3A : vector<16xi32>
      %ge3A = vector.broadcast %mul3A_2 : i32 to vector<16xi32>
      %ge3A_734 = arith.cmpi sge, %get3A_727, %ge3A : vector<16xi32>
      %add3A_735 = arith.addi %mul3A_2, %min3A_4 : i32
      %lt3A_736 = vector.broadcast %add3A_735 : i32 to vector<16xi32>
      %lt3A_737 = arith.cmpi slt, %get3A_727, %lt3A_736 : vector<16xi32>
      %and3A_738 = arith.andi %ge3A_734, %lt3A_737 : vector<16xi1>
      %sub3A_739 = vector.broadcast %mul3A_2 : i32 to vector<16xi32>
      %sub3A_740 = arith.subi %get3A_727, %sub3A_739 : vector<16xi32>
      %jit3A_741 = arith.constant 0 : i32
      %broadcast_in_dim3A = vector.broadcast %jit3A_741 : i32 to vector<16xi32>
      %select_n3A_742 = arith.select %and3A_738, %sub3A_740, %broadcast_in_dim3A : vector<16xi1>, vector<16xi32>
      tpu.vector_store_idx %arg7[%select_n3A_742], %add3A_733 masked %and3A_738 : memref<3136xi32, #tpu.memory_space<vmem>>[vector<16xi32>], vector<16xi32>, vector<16xi1>
      %gather3A_743 = tpu.vector_load_idx %arg7[%select_n3A_742] masked %and3A_738 : memref<3136xi32, #tpu.memory_space<vmem>>[vector<16xi32>], vector<16xi32>, vector<16xi1>
      %gt3A = arith.cmpi sgt, %add3A_733, %gather3A_743 : vector<16xi32>
      %and3A_744 = arith.andi %and3A_738, %gt3A : vector<16xi1>
      tpu.vector_store_idx %arg7[%select_n3A_742], %add3A_733 masked %and3A_744 : memref<3136xi32, #tpu.memory_space<vmem>>[vector<16xi32>], vector<16xi32>, vector<16xi1>
    }
    %scan3A_367 = arith.constant 128 : i32
    "tpu.trace_stop"() : () -> ()
    %dma_start3A_368 = arith.constant 12288 : i32
    %dma_start3A_369 = tpu.memref_slice %arg4[%dma_start3A_368] : memref<16384xi32, #tpu.memory_space<hbm>> -> memref<2048xi32, #tpu.memory_space<hbm>>
    %dma_start3A_370 = arith.constant 12288 : i32
    %dma_start3A_371 = tpu.memref_slice %arg4[%dma_start3A_370] : memref<16384xi32, #tpu.memory_space<hbm>> -> memref<2048xi32, #tpu.memory_space<hbm>>
    tpu.enqueue_dma source(%dma_start3A_371 : memref<2048xi32, #tpu.memory_space<hbm>>) target(%arg8 : memref<2048xi32, #tpu.memory_space<vmem>>) target_semaphore(%arg32 : memref<!tpu.dma_semaphore, #tpu.memory_space<semaphore_mem>>)
    %dma_wait3A_372 = arith.constant 2 : i32
    %dma_wait3A_373 = arith.constant 0 : i32
    %dma_wait3A_374 = tpu.memref_slice %arg2[%add3A_318, %dma_wait3A_373] : memref<50000x128xf32, #tpu.memory_space<hbm>> -> memref<112x128xf32, #tpu.memory_space<hbm>>
    %dma_wait3A_375 = tpu.memref_slice %arg27[%dma_wait3A_372] : memref<3x!tpu.dma_semaphore, #tpu.memory_space<semaphore_mem>> -> memref<1x!tpu.dma_semaphore, #tpu.memory_space<semaphore_mem>>
    %dma_wait3A_376 = tpu.memref_squeeze %dma_wait3A_375 : memref<1x!tpu.dma_semaphore, #tpu.memory_space<semaphore_mem>> -> memref<!tpu.dma_semaphore, #tpu.memory_space<semaphore_mem>>
    %dma_wait3A_377 = arith.constant 0 : i32
    %dma_wait3A_378 = tpu.memref_slice %arg2[%add3A_318, %dma_wait3A_377] : memref<50000x128xf32, #tpu.memory_space<hbm>> -> memref<112x128xf32, #tpu.memory_space<hbm>>
    tpu.wait_dma2 semaphore(%dma_wait3A_376 : memref<!tpu.dma_semaphore, #tpu.memory_space<semaphore_mem>>) src(%dma_wait3A_378 : memref<112x128xf32, #tpu.memory_space<hbm>>) dst(%arg26 : memref<112x128xf32, #tpu.memory_space<vmem>>)
    %add3A_379 = arith.constant 896 : i32
    %add3A_380 = arith.addi %select_n3A, %add3A_379 : i32
    %dma_start3A_381 = arith.constant 2 : i32
    %dma_start3A_382 = arith.constant 0 : i32
    %dma_start3A_383 = tpu.memref_slice %arg6[%add3A_380, %dma_start3A_382] : memref<50000x128xf32, #tpu.memory_space<hbm>> -> memref<112x128xf32, #tpu.memory_space<hbm>>
    %dma_start3A_384 = tpu.memref_slice %arg28[%dma_start3A_381] : memref<3x!tpu.dma_semaphore, #tpu.memory_space<semaphore_mem>> -> memref<1x!tpu.dma_semaphore, #tpu.memory_space<semaphore_mem>>
    %dma_start3A_385 = tpu.memref_squeeze %dma_start3A_384 : memref<1x!tpu.dma_semaphore, #tpu.memory_space<semaphore_mem>> -> memref<!tpu.dma_semaphore, #tpu.memory_space<semaphore_mem>>
    %dma_start3A_386 = arith.constant 0 : i32
    %dma_start3A_387 = tpu.memref_slice %arg6[%add3A_380, %dma_start3A_386] : memref<50000x128xf32, #tpu.memory_space<hbm>> -> memref<112x128xf32, #tpu.memory_space<hbm>>
    tpu.enqueue_dma source(%arg26 : memref<112x128xf32, #tpu.memory_space<vmem>>) target(%dma_start3A_387 : memref<112x128xf32, #tpu.memory_space<hbm>>) target_semaphore(%dma_start3A_385 : memref<!tpu.dma_semaphore, #tpu.memory_space<semaphore_mem>>)
    %dma_wait3A_388 = arith.constant 1 : i32
    %dma_wait3A_389 = arith.constant 0 : i32
    %dma_wait3A_390 = tpu.memref_slice %arg6[%add3A_334, %dma_wait3A_389] : memref<50000x128xf32, #tpu.memory_space<hbm>> -> memref<112x128xf32, #tpu.memory_space<hbm>>
    %dma_wait3A_391 = tpu.memref_slice %arg28[%dma_wait3A_388] : memref<3x!tpu.dma_semaphore, #tpu.memory_space<semaphore_mem>> -> memref<1x!tpu.dma_semaphore, #tpu.memory_space<semaphore_mem>>
    %dma_wait3A_392 = tpu.memref_squeeze %dma_wait3A_391 : memref<1x!tpu.dma_semaphore, #tpu.memory_space<semaphore_mem>> -> memref<!tpu.dma_semaphore, #tpu.memory_space<semaphore_mem>>
    %dma_wait3A_393 = arith.constant 0 : i32
    %dma_wait3A_394 = tpu.memref_slice %arg6[%add3A_334, %dma_wait3A_393] : memref<50000x128xf32, #tpu.memory_space<hbm>> -> memref<112x128xf32, #tpu.memory_space<hbm>>
    tpu.wait_dma2 semaphore(%dma_wait3A_392 : memref<!tpu.dma_semaphore, #tpu.memory_space<semaphore_mem>>) src(%arg25 : memref<112x128xf32, #tpu.memory_space<vmem>>) dst(%dma_wait3A_394 : memref<112x128xf32, #tpu.memory_space<hbm>>)
    %add3A_395 = arith.constant 1120 : i32
    %add3A_396 = arith.addi %select_n3A, %add3A_395 : i32
    %dma_start3A_397 = arith.constant 1 : i32
    %dma_start3A_398 = arith.constant 0 : i32
    %dma_start3A_399 = tpu.memref_slice %arg2[%add3A_396, %dma_start3A_398] : memref<50000x128xf32, #tpu.memory_space<hbm>> -> memref<112x128xf32, #tpu.memory_space<hbm>>
    %dma_start3A_400 = tpu.memref_slice %arg27[%dma_start3A_397] : memref<3x!tpu.dma_semaphore, #tpu.memory_space<semaphore_mem>> -> memref<1x!tpu.dma_semaphore, #tpu.memory_space<semaphore_mem>>
    %dma_start3A_401 = tpu.memref_squeeze %dma_start3A_400 : memref<1x!tpu.dma_semaphore, #tpu.memory_space<semaphore_mem>> -> memref<!tpu.dma_semaphore, #tpu.memory_space<semaphore_mem>>
    %dma_start3A_402 = arith.constant 0 : i32
    %dma_start3A_403 = tpu.memref_slice %arg2[%add3A_396, %dma_start3A_402] : memref<50000x128xf32, #tpu.memory_space<hbm>> -> memref<112x128xf32, #tpu.memory_space<hbm>>
    tpu.enqueue_dma source(%dma_start3A_403 : memref<112x128xf32, #tpu.memory_space<hbm>>) target(%arg25 : memref<112x128xf32, #tpu.memory_space<vmem>>) target_semaphore(%dma_start3A_401 : memref<!tpu.dma_semaphore, #tpu.memory_space<semaphore_mem>>)
    %dma_wait3A_404 = arith.constant 0 : i32
    %dma_wait3A_405 = arith.constant 0 : i32
    %dma_wait3A_406 = tpu.memref_slice %arg2[%add3A_350, %dma_wait3A_405] : memref<50000x128xf32, #tpu.memory_space<hbm>> -> memref<112x128xf32, #tpu.memory_space<hbm>>
    %dma_wait3A_407 = tpu.memref_slice %arg27[%dma_wait3A_404] : memref<3x!tpu.dma_semaphore, #tpu.memory_space<semaphore_mem>> -> memref<1x!tpu.dma_semaphore, #tpu.memory_space<semaphore_mem>>
    %dma_wait3A_408 = tpu.memref_squeeze %dma_wait3A_407 : memref<1x!tpu.dma_semaphore, #tpu.memory_space<semaphore_mem>> -> memref<!tpu.dma_semaphore, #tpu.memory_space<semaphore_mem>>
    %dma_wait3A_409 = arith.constant 0 : i32
    %dma_wait3A_410 = tpu.memref_slice %arg2[%add3A_350, %dma_wait3A_409] : memref<50000x128xf32, #tpu.memory_space<hbm>> -> memref<112x128xf32, #tpu.memory_space<hbm>>
    tpu.wait_dma2 semaphore(%dma_wait3A_408 : memref<!tpu.dma_semaphore, #tpu.memory_space<semaphore_mem>>) src(%dma_wait3A_410 : memref<112x128xf32, #tpu.memory_space<hbm>>) dst(%arg24 : memref<112x128xf32, #tpu.memory_space<vmem>>)
    %add3A_411 = arith.constant 1008 : i32
    %add3A_412 = arith.addi %select_n3A, %add3A_411 : i32
    %dma_start3A_413 = arith.constant 0 : i32
    %dma_start3A_414 = arith.constant 0 : i32
    %dma_start3A_415 = tpu.memref_slice %arg6[%add3A_412, %dma_start3A_414] : memref<50000x128xf32, #tpu.memory_space<hbm>> -> memref<112x128xf32, #tpu.memory_space<hbm>>
    %dma_start3A_416 = tpu.memref_slice %arg28[%dma_start3A_413] : memref<3x!tpu.dma_semaphore, #tpu.memory_space<semaphore_mem>> -> memref<1x!tpu.dma_semaphore, #tpu.memory_space<semaphore_mem>>
    %dma_start3A_417 = tpu.memref_squeeze %dma_start3A_416 : memref<1x!tpu.dma_semaphore, #tpu.memory_space<semaphore_mem>> -> memref<!tpu.dma_semaphore, #tpu.memory_space<semaphore_mem>>
    %dma_start3A_418 = arith.constant 0 : i32
    %dma_start3A_419 = tpu.memref_slice %arg6[%add3A_412, %dma_start3A_418] : memref<50000x128xf32, #tpu.memory_space<hbm>> -> memref<112x128xf32, #tpu.memory_space<hbm>>
    tpu.enqueue_dma source(%arg24 : memref<112x128xf32, #tpu.memory_space<vmem>>) target(%dma_start3A_419 : memref<112x128xf32, #tpu.memory_space<hbm>>) target_semaphore(%dma_start3A_417 : memref<!tpu.dma_semaphore, #tpu.memory_space<semaphore_mem>>)
    %dma_wait3A_420 = arith.constant 2 : i32
    %dma_wait3A_421 = arith.constant 0 : i32
    %dma_wait3A_422 = tpu.memref_slice %arg6[%add3A_380, %dma_wait3A_421] : memref<50000x128xf32, #tpu.memory_space<hbm>> -> memref<112x128xf32, #tpu.memory_space<hbm>>
    %dma_wait3A_423 = tpu.memref_slice %arg28[%dma_wait3A_420] : memref<3x!tpu.dma_semaphore, #tpu.memory_space<semaphore_mem>> -> memref<1x!tpu.dma_semaphore, #tpu.memory_space<semaphore_mem>>
    %dma_wait3A_424 = tpu.memref_squeeze %dma_wait3A_423 : memref<1x!tpu.dma_semaphore, #tpu.memory_space<semaphore_mem>> -> memref<!tpu.dma_semaphore, #tpu.memory_space<semaphore_mem>>
    %dma_wait3A_425 = arith.constant 0 : i32
    %dma_wait3A_426 = tpu.memref_slice %arg6[%add3A_380, %dma_wait3A_425] : memref<50000x128xf32, #tpu.memory_space<hbm>> -> memref<112x128xf32, #tpu.memory_space<hbm>>
    tpu.wait_dma2 semaphore(%dma_wait3A_424 : memref<!tpu.dma_semaphore, #tpu.memory_space<semaphore_mem>>) src(%arg26 : memref<112x128xf32, #tpu.memory_space<vmem>>) dst(%dma_wait3A_426 : memref<112x128xf32, #tpu.memory_space<hbm>>)
    %add3A_427 = arith.constant 1232 : i32
    %add3A_428 = arith.addi %select_n3A, %add3A_427 : i32
    %dma_start3A_429 = arith.constant 2 : i32
    %dma_start3A_430 = arith.constant 0 : i32
    %dma_start3A_431 = tpu.memref_slice %arg2[%add3A_428, %dma_start3A_430] : memref<50000x128xf32, #tpu.memory_space<hbm>> -> memref<112x128xf32, #tpu.memory_space<hbm>>
    %dma_start3A_432 = tpu.memref_slice %arg27[%dma_start3A_429] : memref<3x!tpu.dma_semaphore, #tpu.memory_space<semaphore_mem>> -> memref<1x!tpu.dma_semaphore, #tpu.memory_space<semaphore_mem>>
    %dma_start3A_433 = tpu.memref_squeeze %dma_start3A_432 : memref<1x!tpu.dma_semaphore, #tpu.memory_space<semaphore_mem>> -> memref<!tpu.dma_semaphore, #tpu.memory_space<semaphore_mem>>
    %dma_start3A_434 = arith.constant 0 : i32
    %dma_start3A_435 = tpu.memref_slice %arg2[%add3A_428, %dma_start3A_434] : memref<50000x128xf32, #tpu.memory_space<hbm>> -> memref<112x128xf32, #tpu.memory_space<hbm>>
    tpu.enqueue_dma source(%dma_start3A_435 : memref<112x128xf32, #tpu.memory_space<hbm>>) target(%arg26 : memref<112x128xf32, #tpu.memory_space<vmem>>) target_semaphore(%dma_start3A_433 : memref<!tpu.dma_semaphore, #tpu.memory_space<semaphore_mem>>)
    %dma_wait3A_436 = arith.constant 10240 : i32
    %dma_wait3A_437 = tpu.memref_slice %arg4[%dma_wait3A_436] : memref<16384xi32, #tpu.memory_space<hbm>> -> memref<2048xi32, #tpu.memory_space<hbm>>
    %dma_wait3A_438 = arith.constant 10240 : i32
    %dma_wait3A_439 = tpu.memref_slice %arg4[%dma_wait3A_438] : memref<16384xi32, #tpu.memory_space<hbm>> -> memref<2048xi32, #tpu.memory_space<hbm>>
    tpu.wait_dma2 semaphore(%arg33 : memref<!tpu.dma_semaphore, #tpu.memory_space<semaphore_mem>>) src(%dma_wait3A_439 : memref<2048xi32, #tpu.memory_space<hbm>>) dst(%arg9 : memref<2048xi32, #tpu.memory_space<vmem>>)
    "tpu.trace_start"() <{level = 10 : i32, message = "scan_ids"}> : () -> ()
    %scan3A_440 = arith.constant 0 : i32
    %scan3A_441 = arith.constant 0 : i32
    %scan3A_442 = arith.constant 128 : i32
    %scan3A_443 = arith.addi %scan3A_441, %scan3A_442 : i32
    %scan3A_444 = arith.constant 1 : i32
    scf.for %scan3A_723 = %scan3A_441 to %scan3A_443 step %scan3A_444  : i32 {
      %mul3A_724 = arith.constant 16 : i32
      %mul3A_725 = arith.muli %scan3A_723, %mul3A_724 : i32
      %get3A_726 = arith.index_cast %mul3A_725 : i32 to index
      %get3A_727 = tpu.vector_load %arg9[%get3A_726] {strides = array<i32>} : memref<2048xi32, #tpu.memory_space<vmem>>, vector<16xi32>,
      %mul3A_728 = arith.constant 16 : i32
      %mul3A_729 = arith.muli %scan3A_723, %mul3A_728 : i32
      %add3A_730 = arith.constant 10240 : i32
      %add3A_731 = arith.addi %add3A_730, %mul3A_729 : i32
      %add3A_732 = vector.broadcast %add3A_731 : i32 to vector<16xi32>
      %add3A_733 = arith.addi %add3A_732, %iota3A : vector<16xi32>
      %ge3A = vector.broadcast %mul3A_2 : i32 to vector<16xi32>
      %ge3A_734 = arith.cmpi sge, %get3A_727, %ge3A : vector<16xi32>
      %add3A_735 = arith.addi %mul3A_2, %min3A_4 : i32
      %lt3A_736 = vector.broadcast %add3A_735 : i32 to vector<16xi32>
      %lt3A_737 = arith.cmpi slt, %get3A_727, %lt3A_736 : vector<16xi32>
      %and3A_738 = arith.andi %ge3A_734, %lt3A_737 : vector<16xi1>
      %sub3A_739 = vector.broadcast %mul3A_2 : i32 to vector<16xi32>
      %sub3A_740 = arith.subi %get3A_727, %sub3A_739 : vector<16xi32>
      %jit3A_741 = arith.constant 0 : i32
      %broadcast_in_dim3A = vector.broadcast %jit3A_741 : i32 to vector<16xi32>
      %select_n3A_742 = arith.select %and3A_738, %sub3A_740, %broadcast_in_dim3A : vector<16xi1>, vector<16xi32>
      tpu.vector_store_idx %arg7[%select_n3A_742], %add3A_733 masked %and3A_738 : memref<3136xi32, #tpu.memory_space<vmem>>[vector<16xi32>], vector<16xi32>, vector<16xi1>
      %gather3A_743 = tpu.vector_load_idx %arg7[%select_n3A_742] masked %and3A_738 : memref<3136xi32, #tpu.memory_space<vmem>>[vector<16xi32>], vector<16xi32>, vector<16xi1>
      %gt3A = arith.cmpi sgt, %add3A_733, %gather3A_743 : vector<16xi32>
      %and3A_744 = arith.andi %and3A_738, %gt3A : vector<16xi1>
      tpu.vector_store_idx %arg7[%select_n3A_742], %add3A_733 masked %and3A_744 : memref<3136xi32, #tpu.memory_space<vmem>>[vector<16xi32>], vector<16xi32>, vector<16xi1>
    }
    %scan3A_445 = arith.constant 128 : i32
    "tpu.trace_stop"() : () -> ()
    %dma_start3A_446 = arith.constant 14336 : i32
    %dma_start3A_447 = tpu.memref_slice %arg4[%dma_start3A_446] : memref<16384xi32, #tpu.memory_space<hbm>> -> memref<2048xi32, #tpu.memory_space<hbm>>
    %dma_start3A_448 = arith.constant 14336 : i32
    %dma_start3A_449 = tpu.memref_slice %arg4[%dma_start3A_448] : memref<16384xi32, #tpu.memory_space<hbm>> -> memref<2048xi32, #tpu.memory_space<hbm>>
    tpu.enqueue_dma source(%dma_start3A_449 : memref<2048xi32, #tpu.memory_space<hbm>>) target(%arg9 : memref<2048xi32, #tpu.memory_space<vmem>>) target_semaphore(%arg33 : memref<!tpu.dma_semaphore, #tpu.memory_space<semaphore_mem>>)
    %dma_wait3A_450 = arith.constant 1 : i32
    %dma_wait3A_451 = arith.constant 0 : i32
    %dma_wait3A_452 = tpu.memref_slice %arg2[%add3A_396, %dma_wait3A_451] : memref<50000x128xf32, #tpu.memory_space<hbm>> -> memref<112x128xf32, #tpu.memory_space<hbm>>
    %dma_wait3A_453 = tpu.memref_slice %arg27[%dma_wait3A_450] : memref<3x!tpu.dma_semaphore, #tpu.memory_space<semaphore_mem>> -> memref<1x!tpu.dma_semaphore, #tpu.memory_space<semaphore_mem>>
    %dma_wait3A_454 = tpu.memref_squeeze %dma_wait3A_453 : memref<1x!tpu.dma_semaphore, #tpu.memory_space<semaphore_mem>> -> memref<!tpu.dma_semaphore, #tpu.memory_space<semaphore_mem>>
    %dma_wait3A_455 = arith.constant 0 : i32
    %dma_wait3A_456 = tpu.memref_slice %arg2[%add3A_396, %dma_wait3A_455] : memref<50000x128xf32, #tpu.memory_space<hbm>> -> memref<112x128xf32, #tpu.memory_space<hbm>>
    tpu.wait_dma2 semaphore(%dma_wait3A_454 : memref<!tpu.dma_semaphore, #tpu.memory_space<semaphore_mem>>) src(%dma_wait3A_456 : memref<112x128xf32, #tpu.memory_space<hbm>>) dst(%arg25 : memref<112x128xf32, #tpu.memory_space<vmem>>)
    %add3A_457 = arith.constant 1120 : i32
    %add3A_458 = arith.addi %select_n3A, %add3A_457 : i32
    %dma_start3A_459 = arith.constant 1 : i32
    %dma_start3A_460 = arith.constant 0 : i32
    %dma_start3A_461 = tpu.memref_slice %arg6[%add3A_458, %dma_start3A_460] : memref<50000x128xf32, #tpu.memory_space<hbm>> -> memref<112x128xf32, #tpu.memory_space<hbm>>
    %dma_start3A_462 = tpu.memref_slice %arg28[%dma_start3A_459] : memref<3x!tpu.dma_semaphore, #tpu.memory_space<semaphore_mem>> -> memref<1x!tpu.dma_semaphore, #tpu.memory_space<semaphore_mem>>
    %dma_start3A_463 = tpu.memref_squeeze %dma_start3A_462 : memref<1x!tpu.dma_semaphore, #tpu.memory_space<semaphore_mem>> -> memref<!tpu.dma_semaphore, #tpu.memory_space<semaphore_mem>>
    %dma_start3A_464 = arith.constant 0 : i32
    %dma_start3A_465 = tpu.memref_slice %arg6[%add3A_458, %dma_start3A_464] : memref<50000x128xf32, #tpu.memory_space<hbm>> -> memref<112x128xf32, #tpu.memory_space<hbm>>
    tpu.enqueue_dma source(%arg25 : memref<112x128xf32, #tpu.memory_space<vmem>>) target(%dma_start3A_465 : memref<112x128xf32, #tpu.memory_space<hbm>>) target_semaphore(%dma_start3A_463 : memref<!tpu.dma_semaphore, #tpu.memory_space<semaphore_mem>>)
    %dma_wait3A_466 = arith.constant 0 : i32
    %dma_wait3A_467 = arith.constant 0 : i32
    %dma_wait3A_468 = tpu.memref_slice %arg6[%add3A_412, %dma_wait3A_467] : memref<50000x128xf32, #tpu.memory_space<hbm>> -> memref<112x128xf32, #tpu.memory_space<hbm>>
    %dma_wait3A_469 = tpu.memref_slice %arg28[%dma_wait3A_466] : memref<3x!tpu.dma_semaphore, #tpu.memory_space<semaphore_mem>> -> memref<1x!tpu.dma_semaphore, #tpu.memory_space<semaphore_mem>>
    %dma_wait3A_470 = tpu.memref_squeeze %dma_wait3A_469 : memref<1x!tpu.dma_semaphore, #tpu.memory_space<semaphore_mem>> -> memref<!tpu.dma_semaphore, #tpu.memory_space<semaphore_mem>>
    %dma_wait3A_471 = arith.constant 0 : i32
    %dma_wait3A_472 = tpu.memref_slice %arg6[%add3A_412, %dma_wait3A_471] : memref<50000x128xf32, #tpu.memory_space<hbm>> -> memref<112x128xf32, #tpu.memory_space<hbm>>
    tpu.wait_dma2 semaphore(%dma_wait3A_470 : memref<!tpu.dma_semaphore, #tpu.memory_space<semaphore_mem>>) src(%arg24 : memref<112x128xf32, #tpu.memory_space<vmem>>) dst(%dma_wait3A_472 : memref<112x128xf32, #tpu.memory_space<hbm>>)
    %add3A_473 = arith.constant 1344 : i32
    %add3A_474 = arith.addi %select_n3A, %add3A_473 : i32
    %dma_start3A_475 = arith.constant 0 : i32
    %dma_start3A_476 = arith.constant 0 : i32
    %dma_start3A_477 = tpu.memref_slice %arg2[%add3A_474, %dma_start3A_476] : memref<50000x128xf32, #tpu.memory_space<hbm>> -> memref<112x128xf32, #tpu.memory_space<hbm>>
    %dma_start3A_478 = tpu.memref_slice %arg27[%dma_start3A_475] : memref<3x!tpu.dma_semaphore, #tpu.memory_space<semaphore_mem>> -> memref<1x!tpu.dma_semaphore, #tpu.memory_space<semaphore_mem>>
    %dma_start3A_479 = tpu.memref_squeeze %dma_start3A_478 : memref<1x!tpu.dma_semaphore, #tpu.memory_space<semaphore_mem>> -> memref<!tpu.dma_semaphore, #tpu.memory_space<semaphore_mem>>
    %dma_start3A_480 = arith.constant 0 : i32
    %dma_start3A_481 = tpu.memref_slice %arg2[%add3A_474, %dma_start3A_480] : memref<50000x128xf32, #tpu.memory_space<hbm>> -> memref<112x128xf32, #tpu.memory_space<hbm>>
    tpu.enqueue_dma source(%dma_start3A_481 : memref<112x128xf32, #tpu.memory_space<hbm>>) target(%arg24 : memref<112x128xf32, #tpu.memory_space<vmem>>) target_semaphore(%dma_start3A_479 : memref<!tpu.dma_semaphore, #tpu.memory_space<semaphore_mem>>)
    %dma_wait3A_482 = arith.constant 2 : i32
    %dma_wait3A_483 = arith.constant 0 : i32
    %dma_wait3A_484 = tpu.memref_slice %arg2[%add3A_428, %dma_wait3A_483] : memref<50000x128xf32, #tpu.memory_space<hbm>> -> memref<112x128xf32, #tpu.memory_space<hbm>>
    %dma_wait3A_485 = tpu.memref_slice %arg27[%dma_wait3A_482] : memref<3x!tpu.dma_semaphore, #tpu.memory_space<semaphore_mem>> -> memref<1x!tpu.dma_semaphore, #tpu.memory_space<semaphore_mem>>
    %dma_wait3A_486 = tpu.memref_squeeze %dma_wait3A_485 : memref<1x!tpu.dma_semaphore, #tpu.memory_space<semaphore_mem>> -> memref<!tpu.dma_semaphore, #tpu.memory_space<semaphore_mem>>
    %dma_wait3A_487 = arith.constant 0 : i32
    %dma_wait3A_488 = tpu.memref_slice %arg2[%add3A_428, %dma_wait3A_487] : memref<50000x128xf32, #tpu.memory_space<hbm>> -> memref<112x128xf32, #tpu.memory_space<hbm>>
    tpu.wait_dma2 semaphore(%dma_wait3A_486 : memref<!tpu.dma_semaphore, #tpu.memory_space<semaphore_mem>>) src(%dma_wait3A_488 : memref<112x128xf32, #tpu.memory_space<hbm>>) dst(%arg26 : memref<112x128xf32, #tpu.memory_space<vmem>>)
    %add3A_489 = arith.constant 1232 : i32
    %add3A_490 = arith.addi %select_n3A, %add3A_489 : i32
    %dma_start3A_491 = arith.constant 2 : i32
    %dma_start3A_492 = arith.constant 0 : i32
    %dma_start3A_493 = tpu.memref_slice %arg6[%add3A_490, %dma_start3A_492] : memref<50000x128xf32, #tpu.memory_space<hbm>> -> memref<112x128xf32, #tpu.memory_space<hbm>>
    %dma_start3A_494 = tpu.memref_slice %arg28[%dma_start3A_491] : memref<3x!tpu.dma_semaphore, #tpu.memory_space<semaphore_mem>> -> memref<1x!tpu.dma_semaphore, #tpu.memory_space<semaphore_mem>>
    %dma_start3A_495 = tpu.memref_squeeze %dma_start3A_494 : memref<1x!tpu.dma_semaphore, #tpu.memory_space<semaphore_mem>> -> memref<!tpu.dma_semaphore, #tpu.memory_space<semaphore_mem>>
    %dma_start3A_496 = arith.constant 0 : i32
    %dma_start3A_497 = tpu.memref_slice %arg6[%add3A_490, %dma_start3A_496] : memref<50000x128xf32, #tpu.memory_space<hbm>> -> memref<112x128xf32, #tpu.memory_space<hbm>>
    tpu.enqueue_dma source(%arg26 : memref<112x128xf32, #tpu.memory_space<vmem>>) target(%dma_start3A_497 : memref<112x128xf32, #tpu.memory_space<hbm>>) target_semaphore(%dma_start3A_495 : memref<!tpu.dma_semaphore, #tpu.memory_space<semaphore_mem>>)
    %dma_wait3A_498 = arith.constant 1 : i32
    %dma_wait3A_499 = arith.constant 0 : i32
    %dma_wait3A_500 = tpu.memref_slice %arg6[%add3A_458, %dma_wait3A_499] : memref<50000x128xf32, #tpu.memory_space<hbm>> -> memref<112x128xf32, #tpu.memory_space<hbm>>
    %dma_wait3A_501 = tpu.memref_slice %arg28[%dma_wait3A_498] : memref<3x!tpu.dma_semaphore, #tpu.memory_space<semaphore_mem>> -> memref<1x!tpu.dma_semaphore, #tpu.memory_space<semaphore_mem>>
    %dma_wait3A_502 = tpu.memref_squeeze %dma_wait3A_501 : memref<1x!tpu.dma_semaphore, #tpu.memory_space<semaphore_mem>> -> memref<!tpu.dma_semaphore, #tpu.memory_space<semaphore_mem>>
    %dma_wait3A_503 = arith.constant 0 : i32
    %dma_wait3A_504 = tpu.memref_slice %arg6[%add3A_458, %dma_wait3A_503] : memref<50000x128xf32, #tpu.memory_space<hbm>> -> memref<112x128xf32, #tpu.memory_space<hbm>>
    tpu.wait_dma2 semaphore(%dma_wait3A_502 : memref<!tpu.dma_semaphore, #tpu.memory_space<semaphore_mem>>) src(%arg25 : memref<112x128xf32, #tpu.memory_space<vmem>>) dst(%dma_wait3A_504 : memref<112x128xf32, #tpu.memory_space<hbm>>)
    %add3A_505 = arith.constant 1456 : i32
    %add3A_506 = arith.addi %select_n3A, %add3A_505 : i32
    %dma_start3A_507 = arith.constant 1 : i32
    %dma_start3A_508 = arith.constant 0 : i32
    %dma_start3A_509 = tpu.memref_slice %arg2[%add3A_506, %dma_start3A_508] : memref<50000x128xf32, #tpu.memory_space<hbm>> -> memref<112x128xf32, #tpu.memory_space<hbm>>
    %dma_start3A_510 = tpu.memref_slice %arg27[%dma_start3A_507] : memref<3x!tpu.dma_semaphore, #tpu.memory_space<semaphore_mem>> -> memref<1x!tpu.dma_semaphore, #tpu.memory_space<semaphore_mem>>
    %dma_start3A_511 = tpu.memref_squeeze %dma_start3A_510 : memref<1x!tpu.dma_semaphore, #tpu.memory_space<semaphore_mem>> -> memref<!tpu.dma_semaphore, #tpu.memory_space<semaphore_mem>>
    %dma_start3A_512 = arith.constant 0 : i32
    %dma_start3A_513 = tpu.memref_slice %arg2[%add3A_506, %dma_start3A_512] : memref<50000x128xf32, #tpu.memory_space<hbm>> -> memref<112x128xf32, #tpu.memory_space<hbm>>
    tpu.enqueue_dma source(%dma_start3A_513 : memref<112x128xf32, #tpu.memory_space<hbm>>) target(%arg25 : memref<112x128xf32, #tpu.memory_space<vmem>>) target_semaphore(%dma_start3A_511 : memref<!tpu.dma_semaphore, #tpu.memory_space<semaphore_mem>>)
    %dma_wait3A_514 = arith.constant 12288 : i32
    %dma_wait3A_515 = tpu.memref_slice %arg4[%dma_wait3A_514] : memref<16384xi32, #tpu.memory_space<hbm>> -> memref<2048xi32, #tpu.memory_space<hbm>>
    %dma_wait3A_516 = arith.constant 12288 : i32
    %dma_wait3A_517 = tpu.memref_slice %arg4[%dma_wait3A_516] : memref<16384xi32, #tpu.memory_space<hbm>> -> memref<2048xi32, #tpu.memory_space<hbm>>
    tpu.wait_dma2 semaphore(%arg32 : memref<!tpu.dma_semaphore, #tpu.memory_space<semaphore_mem>>) src(%dma_wait3A_517 : memref<2048xi32, #tpu.memory_space<hbm>>) dst(%arg8 : memref<2048xi32, #tpu.memory_space<vmem>>)
    "tpu.trace_start"() <{level = 10 : i32, message = "scan_ids"}> : () -> ()
    %scan3A_518 = arith.constant 0 : i32
    %scan3A_519 = arith.constant 0 : i32
    %scan3A_520 = arith.constant 128 : i32
    %scan3A_521 = arith.addi %scan3A_519, %scan3A_520 : i32
    %scan3A_522 = arith.constant 1 : i32
    scf.for %scan3A_723 = %scan3A_519 to %scan3A_521 step %scan3A_522  : i32 {
      %mul3A_724 = arith.constant 16 : i32
      %mul3A_725 = arith.muli %scan3A_723, %mul3A_724 : i32
      %get3A_726 = arith.index_cast %mul3A_725 : i32 to index
      %get3A_727 = tpu.vector_load %arg8[%get3A_726] {strides = array<i32>} : memref<2048xi32, #tpu.memory_space<vmem>>, vector<16xi32>,
      %mul3A_728 = arith.constant 16 : i32
      %mul3A_729 = arith.muli %scan3A_723, %mul3A_728 : i32
      %add3A_730 = arith.constant 12288 : i32
      %add3A_731 = arith.addi %add3A_730, %mul3A_729 : i32
      %add3A_732 = vector.broadcast %add3A_731 : i32 to vector<16xi32>
      %add3A_733 = arith.addi %add3A_732, %iota3A : vector<16xi32>
      %ge3A = vector.broadcast %mul3A_2 : i32 to vector<16xi32>
      %ge3A_734 = arith.cmpi sge, %get3A_727, %ge3A : vector<16xi32>
      %add3A_735 = arith.addi %mul3A_2, %min3A_4 : i32
      %lt3A_736 = vector.broadcast %add3A_735 : i32 to vector<16xi32>
      %lt3A_737 = arith.cmpi slt, %get3A_727, %lt3A_736 : vector<16xi32>
      %and3A_738 = arith.andi %ge3A_734, %lt3A_737 : vector<16xi1>
      %sub3A_739 = vector.broadcast %mul3A_2 : i32 to vector<16xi32>
      %sub3A_740 = arith.subi %get3A_727, %sub3A_739 : vector<16xi32>
      %jit3A_741 = arith.constant 0 : i32
      %broadcast_in_dim3A = vector.broadcast %jit3A_741 : i32 to vector<16xi32>
      %select_n3A_742 = arith.select %and3A_738, %sub3A_740, %broadcast_in_dim3A : vector<16xi1>, vector<16xi32>
      tpu.vector_store_idx %arg7[%select_n3A_742], %add3A_733 masked %and3A_738 : memref<3136xi32, #tpu.memory_space<vmem>>[vector<16xi32>], vector<16xi32>, vector<16xi1>
      %gather3A_743 = tpu.vector_load_idx %arg7[%select_n3A_742] masked %and3A_738 : memref<3136xi32, #tpu.memory_space<vmem>>[vector<16xi32>], vector<16xi32>, vector<16xi1>
      %gt3A = arith.cmpi sgt, %add3A_733, %gather3A_743 : vector<16xi32>
      %and3A_744 = arith.andi %and3A_738, %gt3A : vector<16xi1>
      tpu.vector_store_idx %arg7[%select_n3A_742], %add3A_733 masked %and3A_744 : memref<3136xi32, #tpu.memory_space<vmem>>[vector<16xi32>], vector<16xi32>, vector<16xi1>
    }
    %scan3A_523 = arith.constant 128 : i32
    %dma_wait3A_524 = arith.constant 0 : i32
    "tpu.trace_stop"() : () -> ()
    %dma_wait3A_525 = arith.constant 0 : i32
    %dma_wait3A_526 = tpu.memref_slice %arg2[%add3A_474, %dma_wait3A_525] : memref<50000x128xf32, #tpu.memory_space<hbm>> -> memref<112x128xf32, #tpu.memory_space<hbm>>
    %dma_wait3A_527 = tpu.memref_slice %arg27[%dma_wait3A_524] : memref<3x!tpu.dma_semaphore, #tpu.memory_space<semaphore_mem>> -> memref<1x!tpu.dma_semaphore, #tpu.memory_space<semaphore_mem>>
    %dma_wait3A_528 = tpu.memref_squeeze %dma_wait3A_527 : memref<1x!tpu.dma_semaphore, #tpu.memory_space<semaphore_mem>> -> memref<!tpu.dma_semaphore, #tpu.memory_space<semaphore_mem>>
    %dma_wait3A_529 = arith.constant 0 : i32
    %dma_wait3A_530 = tpu.memref_slice %arg2[%add3A_474, %dma_wait3A_529] : memref<50000x128xf32, #tpu.memory_space<hbm>> -> memref<112x128xf32, #tpu.memory_space<hbm>>
    tpu.wait_dma2 semaphore(%dma_wait3A_528 : memref<!tpu.dma_semaphore, #tpu.memory_space<semaphore_mem>>) src(%dma_wait3A_530 : memref<112x128xf32, #tpu.memory_space<hbm>>) dst(%arg24 : memref<112x128xf32, #tpu.memory_space<vmem>>)
    %add3A_531 = arith.constant 1344 : i32
    %add3A_532 = arith.addi %select_n3A, %add3A_531 : i32
    %dma_start3A_533 = arith.constant 0 : i32
    %dma_start3A_534 = arith.constant 0 : i32
    %dma_start3A_535 = tpu.memref_slice %arg6[%add3A_532, %dma_start3A_534] : memref<50000x128xf32, #tpu.memory_space<hbm>> -> memref<112x128xf32, #tpu.memory_space<hbm>>
    %dma_start3A_536 = tpu.memref_slice %arg28[%dma_start3A_533] : memref<3x!tpu.dma_semaphore, #tpu.memory_space<semaphore_mem>> -> memref<1x!tpu.dma_semaphore, #tpu.memory_space<semaphore_mem>>
    %dma_start3A_537 = tpu.memref_squeeze %dma_start3A_536 : memref<1x!tpu.dma_semaphore, #tpu.memory_space<semaphore_mem>> -> memref<!tpu.dma_semaphore, #tpu.memory_space<semaphore_mem>>
    %dma_start3A_538 = arith.constant 0 : i32
    %dma_start3A_539 = tpu.memref_slice %arg6[%add3A_532, %dma_start3A_538] : memref<50000x128xf32, #tpu.memory_space<hbm>> -> memref<112x128xf32, #tpu.memory_space<hbm>>
    tpu.enqueue_dma source(%arg24 : memref<112x128xf32, #tpu.memory_space<vmem>>) target(%dma_start3A_539 : memref<112x128xf32, #tpu.memory_space<hbm>>) target_semaphore(%dma_start3A_537 : memref<!tpu.dma_semaphore, #tpu.memory_space<semaphore_mem>>)
    %dma_wait3A_540 = arith.constant 1 : i32
    %dma_wait3A_541 = arith.constant 0 : i32
    %dma_wait3A_542 = tpu.memref_slice %arg2[%add3A_506, %dma_wait3A_541] : memref<50000x128xf32, #tpu.memory_space<hbm>> -> memref<112x128xf32, #tpu.memory_space<hbm>>
    %dma_wait3A_543 = tpu.memref_slice %arg27[%dma_wait3A_540] : memref<3x!tpu.dma_semaphore, #tpu.memory_space<semaphore_mem>> -> memref<1x!tpu.dma_semaphore, #tpu.memory_space<semaphore_mem>>
    %dma_wait3A_544 = tpu.memref_squeeze %dma_wait3A_543 : memref<1x!tpu.dma_semaphore, #tpu.memory_space<semaphore_mem>> -> memref<!tpu.dma_semaphore, #tpu.memory_space<semaphore_mem>>
    %dma_wait3A_545 = arith.constant 0 : i32
    %dma_wait3A_546 = tpu.memref_slice %arg2[%add3A_506, %dma_wait3A_545] : memref<50000x128xf32, #tpu.memory_space<hbm>> -> memref<112x128xf32, #tpu.memory_space<hbm>>
    tpu.wait_dma2 semaphore(%dma_wait3A_544 : memref<!tpu.dma_semaphore, #tpu.memory_space<semaphore_mem>>) src(%dma_wait3A_546 : memref<112x128xf32, #tpu.memory_space<hbm>>) dst(%arg25 : memref<112x128xf32, #tpu.memory_space<vmem>>)
    %add3A_547 = arith.constant 1456 : i32
    %add3A_548 = arith.addi %select_n3A, %add3A_547 : i32
    %dma_start3A_549 = arith.constant 1 : i32
    %dma_start3A_550 = arith.constant 0 : i32
    %dma_start3A_551 = tpu.memref_slice %arg6[%add3A_548, %dma_start3A_550] : memref<50000x128xf32, #tpu.memory_space<hbm>> -> memref<112x128xf32, #tpu.memory_space<hbm>>
    %dma_start3A_552 = tpu.memref_slice %arg28[%dma_start3A_549] : memref<3x!tpu.dma_semaphore, #tpu.memory_space<semaphore_mem>> -> memref<1x!tpu.dma_semaphore, #tpu.memory_space<semaphore_mem>>
    %dma_start3A_553 = tpu.memref_squeeze %dma_start3A_552 : memref<1x!tpu.dma_semaphore, #tpu.memory_space<semaphore_mem>> -> memref<!tpu.dma_semaphore, #tpu.memory_space<semaphore_mem>>
    %dma_start3A_554 = arith.constant 0 : i32
    %dma_start3A_555 = tpu.memref_slice %arg6[%add3A_548, %dma_start3A_554] : memref<50000x128xf32, #tpu.memory_space<hbm>> -> memref<112x128xf32, #tpu.memory_space<hbm>>
    tpu.enqueue_dma source(%arg25 : memref<112x128xf32, #tpu.memory_space<vmem>>) target(%dma_start3A_555 : memref<112x128xf32, #tpu.memory_space<hbm>>) target_semaphore(%dma_start3A_553 : memref<!tpu.dma_semaphore, #tpu.memory_space<semaphore_mem>>)
    %dma_wait3A_556 = arith.constant 14336 : i32
    %dma_wait3A_557 = tpu.memref_slice %arg4[%dma_wait3A_556] : memref<16384xi32, #tpu.memory_space<hbm>> -> memref<2048xi32, #tpu.memory_space<hbm>>
    %dma_wait3A_558 = arith.constant 14336 : i32
    %dma_wait3A_559 = tpu.memref_slice %arg4[%dma_wait3A_558] : memref<16384xi32, #tpu.memory_space<hbm>> -> memref<2048xi32, #tpu.memory_space<hbm>>
    tpu.wait_dma2 semaphore(%arg33 : memref<!tpu.dma_semaphore, #tpu.memory_space<semaphore_mem>>) src(%dma_wait3A_559 : memref<2048xi32, #tpu.memory_space<hbm>>) dst(%arg9 : memref<2048xi32, #tpu.memory_space<vmem>>)
    "tpu.trace_start"() <{level = 10 : i32, message = "scan_ids"}> : () -> ()
    %scan3A_560 = arith.constant 0 : i32
    %scan3A_561 = arith.constant 0 : i32
    %scan3A_562 = arith.constant 128 : i32
    %scan3A_563 = arith.addi %scan3A_561, %scan3A_562 : i32
    %scan3A_564 = arith.constant 1 : i32
    scf.for %scan3A_723 = %scan3A_561 to %scan3A_563 step %scan3A_564  : i32 {
      %mul3A_724 = arith.constant 16 : i32
      %mul3A_725 = arith.muli %scan3A_723, %mul3A_724 : i32
      %get3A_726 = arith.index_cast %mul3A_725 : i32 to index
      %get3A_727 = tpu.vector_load %arg9[%get3A_726] {strides = array<i32>} : memref<2048xi32, #tpu.memory_space<vmem>>, vector<16xi32>,
      %mul3A_728 = arith.constant 16 : i32
      %mul3A_729 = arith.muli %scan3A_723, %mul3A_728 : i32
      %add3A_730 = arith.constant 14336 : i32
      %add3A_731 = arith.addi %add3A_730, %mul3A_729 : i32
      %add3A_732 = vector.broadcast %add3A_731 : i32 to vector<16xi32>
      %add3A_733 = arith.addi %add3A_732, %iota3A : vector<16xi32>
      %ge3A = vector.broadcast %mul3A_2 : i32 to vector<16xi32>
      %ge3A_734 = arith.cmpi sge, %get3A_727, %ge3A : vector<16xi32>
      %add3A_735 = arith.addi %mul3A_2, %min3A_4 : i32
      %lt3A_736 = vector.broadcast %add3A_735 : i32 to vector<16xi32>
      %lt3A_737 = arith.cmpi slt, %get3A_727, %lt3A_736 : vector<16xi32>
      %and3A_738 = arith.andi %ge3A_734, %lt3A_737 : vector<16xi1>
      %sub3A_739 = vector.broadcast %mul3A_2 : i32 to vector<16xi32>
      %sub3A_740 = arith.subi %get3A_727, %sub3A_739 : vector<16xi32>
      %jit3A_741 = arith.constant 0 : i32
      %broadcast_in_dim3A = vector.broadcast %jit3A_741 : i32 to vector<16xi32>
      %select_n3A_742 = arith.select %and3A_738, %sub3A_740, %broadcast_in_dim3A : vector<16xi1>, vector<16xi32>
      tpu.vector_store_idx %arg7[%select_n3A_742], %add3A_733 masked %and3A_738 : memref<3136xi32, #tpu.memory_space<vmem>>[vector<16xi32>], vector<16xi32>, vector<16xi1>
      %gather3A_743 = tpu.vector_load_idx %arg7[%select_n3A_742] masked %and3A_738 : memref<3136xi32, #tpu.memory_space<vmem>>[vector<16xi32>], vector<16xi32>, vector<16xi1>
      %gt3A = arith.cmpi sgt, %add3A_733, %gather3A_743 : vector<16xi32>
      %and3A_744 = arith.andi %and3A_738, %gt3A : vector<16xi1>
      tpu.vector_store_idx %arg7[%select_n3A_742], %add3A_733 masked %and3A_744 : memref<3136xi32, #tpu.memory_space<vmem>>[vector<16xi32>], vector<16xi32>, vector<16xi1>
    }
    %scan3A_565 = arith.constant 128 : i32
    "tpu.trace_stop"() : () -> ()
    "tpu.trace_start"() <{level = 10 : i32, message = "compact"}> : () -> ()
    %scan3A_566 = arith.constant 0 : i32
    %scan3A_567 = arith.constant 0 : i32
    %scan3A_568 = arith.constant 0 : i32
    %scan3A_569 = arith.constant 0 : i32
    %scan3A_570 = arith.constant 98 : i32
    %scan3A_571 = arith.addi %scan3A_569, %scan3A_570 : i32
    %scan3A_572 = arith.constant 1 : i32
    %scan3A_573:3 = scf.for %scan3A_723 = %scan3A_569 to %scan3A_571 step %scan3A_572 iter_args(%scan3A_724 = %scan3A_566, %scan3A_725 = %scan3A_567, %scan3A_726 = %scan3A_568) -> (i32, i32, i32)  : i32 {
      %mul3A_727 = arith.constant 16 : i32
      %mul3A_728 = arith.muli %scan3A_723, %mul3A_727 : i32
      %add3A_729 = vector.broadcast %mul3A_728 : i32 to vector<16xi32>
      %add3A_730 = arith.addi %add3A_729, %iota3A : vector<16xi32>
      %mul3A_731 = arith.constant 2 : i32
      %mul3A_732 = vector.broadcast %mul3A_731 : i32 to vector<16xi32>
      %mul3A_733 = arith.muli %add3A_730, %mul3A_732 : vector<16xi32>
      %gather3A_734 = tpu.vector_load_idx %arg7[%mul3A_733] : memref<3136xi32, #tpu.memory_space<vmem>>[vector<16xi32>], vector<16xi32>,
      %add3A_735 = arith.constant 1 : i32
      %add3A_736 = vector.broadcast %add3A_735 : i32 to vector<16xi32>
      %add3A_737 = arith.addi %mul3A_733, %add3A_736 : vector<16xi32>
      %gather3A_738 = tpu.vector_load_idx %arg7[%add3A_737] : memref<3136xi32, #tpu.memory_space<vmem>>[vector<16xi32>], vector<16xi32>,
      %ge3A = arith.constant 0 : i32
      %ge3A_739 = vector.broadcast %ge3A : i32 to vector<16xi32>
      %ge3A_740 = arith.cmpi sge, %gather3A_734, %ge3A_739 : vector<16xi32>
      %ge3A_741 = arith.constant 0 : i32
      %ge3A_742 = vector.broadcast %ge3A_741 : i32 to vector<16xi32>
      %ge3A_743 = arith.cmpi sge, %gather3A_738, %ge3A_742 : vector<16xi32>
      %jit3A_744 = arith.constant 2 : i32
      %div3A_745 = arith.divsi %mul3A_2, %jit3A_744 : i32
      %sign3A_746 = arith.constant 0 : i32
      %sign3A_747 = arith.cmpi sgt, %mul3A_2, %sign3A_746 : i32
      %sign3A_748 = arith.extui %sign3A_747 : i1 to i32
      %sign3A_749 = arith.constant 0 : i32
      %sign3A_750 = arith.cmpi slt, %mul3A_2, %sign3A_749 : i32
      %sign3A_751 = arith.extui %sign3A_750 : i1 to i32
      %sign3A_752 = arith.subi %sign3A_748, %sign3A_751 : i32
      %sign3A_753 = arith.constant 0 : i32
      %sign3A_754 = arith.cmpi sgt, %jit3A_744, %sign3A_753 : i32
      %sign3A_755 = arith.extui %sign3A_754 : i1 to i32
      %sign3A_756 = arith.constant 0 : i32
      %sign3A_757 = arith.cmpi slt, %jit3A_744, %sign3A_756 : i32
      %sign3A_758 = arith.extui %sign3A_757 : i1 to i32
      %sign3A_759 = arith.subi %sign3A_755, %sign3A_758 : i32
      %ne3A_760 = arith.cmpi ne, %sign3A_752, %sign3A_759 : i32
      %rem3A_761 = arith.remsi %mul3A_2, %jit3A_744 : i32
      %ne3A_762 = arith.constant 0 : i32
      %ne3A_763 = arith.cmpi ne, %rem3A_761, %ne3A_762 : i32
      %and3A_764 = arith.andi %ne3A_760, %ne3A_763 : i1
      %sub3A_765 = arith.constant 1 : i32
      %sub3A_766 = arith.subi %div3A_745, %sub3A_765 : i32
      %select_n3A_767 = arith.select %and3A_764, %sub3A_766, %div3A_745 : i32
      %mul3A_768 = arith.constant 16 : i32
      %mul3A_769 = arith.muli %scan3A_723, %mul3A_768 : i32
      %add3A_770 = arith.addi %select_n3A_767, %mul3A_769 : i32
      %add3A_771 = vector.broadcast %add3A_770 : i32 to vector<16xi32>
      %add3A_772 = arith.addi %add3A_771, %iota3A : vector<16xi32>
      %and3A_773 = arith.andi %ge3A_740, %ge3A_743 : vector<16xi1>
      %not3A = arith.constant dense<true> : vector<16xi1>
      %not3A_774 = arith.xori %ge3A_743, %not3A : vector<16xi1>
      %and3A_775 = arith.andi %ge3A_740, %not3A_774 : vector<16xi1>
      %not3A_776 = arith.constant dense<true> : vector<16xi1>
      %not3A_777 = arith.xori %ge3A_740, %not3A_776 : vector<16xi1>
      %and3A_778 = arith.andi %not3A_777, %ge3A_743 : vector<16xi1>
      %swap3A = arith.index_cast %scan3A_724 : i32 to index
      %swap3A_779 = tpu.vector_load %arg10[%swap3A] masked %and3A_773 {strides = array<i32>} : memref<1728xi32, #tpu.memory_space<vmem>>, vector<16xi32>, vector<16xi1>
      tpu.vector_store %arg10[%swap3A], %add3A_772 masked %and3A_773 {strides = array<i32>} : memref<1728xi32, #tpu.memory_space<vmem>>, vector<16xi32>, vector<16xi1>
      %swap3A_780 = arith.index_cast %scan3A_724 : i32 to index
      %swap3A_781 = tpu.vector_load %arg11[%swap3A_780] masked %and3A_773 {strides = array<i32>} : memref<1728xi32, #tpu.memory_space<vmem>>, vector<16xi32>, vector<16xi1>
      tpu.vector_store %arg11[%swap3A_780], %gather3A_734 masked %and3A_773 {strides = array<i32>} : memref<1728xi32, #tpu.memory_space<vmem>>, vector<16xi32>, vector<16xi1>
      %swap3A_782 = arith.index_cast %scan3A_724 : i32 to index
      %swap3A_783 = tpu.vector_load %arg12[%swap3A_782] masked %and3A_773 {strides = array<i32>} : memref<1728xi32, #tpu.memory_space<vmem>>, vector<16xi32>, vector<16xi1>
      tpu.vector_store %arg12[%swap3A_782], %gather3A_738 masked %and3A_773 {strides = array<i32>} : memref<1728xi32, #tpu.memory_space<vmem>>, vector<16xi32>, vector<16xi1>
      %swap3A_784 = arith.index_cast %scan3A_725 : i32 to index
      %swap3A_785 = tpu.vector_load %arg13[%swap3A_784] masked %and3A_775 {strides = array<i32>} : memref<1728xi32, #tpu.memory_space<vmem>>, vector<16xi32>, vector<16xi1>
      tpu.vector_store %arg13[%swap3A_784], %add3A_772 masked %and3A_775 {strides = array<i32>} : memref<1728xi32, #tpu.memory_space<vmem>>, vector<16xi32>, vector<16xi1>
      %swap3A_786 = arith.index_cast %scan3A_725 : i32 to index
      %swap3A_787 = tpu.vector_load %arg14[%swap3A_786] masked %and3A_775 {strides = array<i32>} : memref<1728xi32, #tpu.memory_space<vmem>>, vector<16xi32>, vector<16xi1>
      tpu.vector_store %arg14[%swap3A_786], %gather3A_734 masked %and3A_775 {strides = array<i32>} : memref<1728xi32, #tpu.memory_space<vmem>>, vector<16xi32>, vector<16xi1>
      %swap3A_788 = arith.index_cast %scan3A_726 : i32 to index
      %swap3A_789 = tpu.vector_load %arg15[%swap3A_788] masked %and3A_778 {strides = array<i32>} : memref<1728xi32, #tpu.memory_space<vmem>>, vector<16xi32>, vector<16xi1>
      tpu.vector_store %arg15[%swap3A_788], %add3A_772 masked %and3A_778 {strides = array<i32>} : memref<1728xi32, #tpu.memory_space<vmem>>, vector<16xi32>, vector<16xi1>
      %swap3A_790 = arith.index_cast %scan3A_726 : i32 to index
      %swap3A_791 = tpu.vector_load %arg16[%swap3A_790] masked %and3A_778 {strides = array<i32>} : memref<1728xi32, #tpu.memory_space<vmem>>, vector<16xi32>, vector<16xi1>
      tpu.vector_store %arg16[%swap3A_790], %gather3A_738 masked %and3A_778 {strides = array<i32>} : memref<1728xi32, #tpu.memory_space<vmem>>, vector<16xi32>, vector<16xi1>
      %convert_element_type3A = arith.extui %and3A_773 : vector<16xi1> to vector<16xi32>
      %reduce_sum3A = arith.constant true
      %reduce_sum3A_792 = vector.broadcast %reduce_sum3A : i1 to vector<16xi1>
      %reduce_sum3A_793 = tpu.scan <sum>, %convert_element_type3A masked %reduce_sum3A_792 : vector<16xi32>, vector<16xi1> -> vector<16xi32>
      %reduce_sum3A_794 = vector.extract %reduce_sum3A_793[15] : i32 from vector<16xi32>
      %add3A_795 = arith.addi %scan3A_724, %reduce_sum3A_794 : i32
      %convert_element_type3A_796 = arith.extui %and3A_775 : vector<16xi1> to vector<16xi32>
      %reduce_sum3A_797 = arith.constant true
      %reduce_sum3A_798 = vector.broadcast %reduce_sum3A_797 : i1 to vector<16xi1>
      %reduce_sum3A_799 = tpu.scan <sum>, %convert_element_type3A_796 masked %reduce_sum3A_798 : vector<16xi32>, vector<16xi1> -> vector<16xi32>
      %reduce_sum3A_800 = vector.extract %reduce_sum3A_799[15] : i32 from vector<16xi32>
      %add3A_801 = arith.addi %scan3A_725, %reduce_sum3A_800 : i32
      %convert_element_type3A_802 = arith.extui %and3A_778 : vector<16xi1> to vector<16xi32>
      %reduce_sum3A_803 = arith.constant true
      %reduce_sum3A_804 = vector.broadcast %reduce_sum3A_803 : i1 to vector<16xi1>
      %reduce_sum3A_805 = tpu.scan <sum>, %convert_element_type3A_802 masked %reduce_sum3A_804 : vector<16xi32>, vector<16xi1> -> vector<16xi32>
      %reduce_sum3A_806 = vector.extract %reduce_sum3A_805[15] : i32 from vector<16xi32>
      %add3A_807 = arith.addi %scan3A_726, %reduce_sum3A_806 : i32
      scf.yield %add3A_795, %add3A_801, %add3A_807 : i32, i32, i32
    }
    %scan3A_574 = arith.constant 98 : i32
    "tpu.trace_stop"() : () -> ()
    %mul3A_575 = arith.constant 0 : i32
    %mul3A_576 = vector.broadcast %mul3A_575 : i32 to vector<16xi32>
    %mul3A_577 = arith.muli %iota3A, %mul3A_576 : vector<16xi32>
    %gather3A = tpu.vector_load_idx %arg10[%mul3A_577] : memref<1728xi32, #tpu.memory_space<vmem>>[vector<16xi32>], vector<16xi32>,
    %gather3A_578 = tpu.vector_load_idx %arg11[%mul3A_577] : memref<1728xi32, #tpu.memory_space<vmem>>[vector<16xi32>], vector<16xi32>,
    %gather3A_579 = tpu.vector_load_idx %arg12[%mul3A_577] : memref<1728xi32, #tpu.memory_space<vmem>>[vector<16xi32>], vector<16xi32>,
    %scan3A_580 = arith.constant 0 : i32
    %scan3A_581 = arith.constant 0 : i32
    %scan3A_582 = arith.constant 10 : i32
    %scan3A_583 = arith.addi %scan3A_581, %scan3A_582 : i32
    %scan3A_584 = arith.constant 1 : i32
    scf.for %scan3A_723 = %scan3A_581 to %scan3A_583 step %scan3A_584  : i32 {
      %mul3A_724 = arith.constant 16 : i32
      %mul3A_725 = arith.muli %scan3A_723, %mul3A_724 : i32
      %add3A_726 = arith.addi %scan3A_573#0, %mul3A_725 : i32
      %swap3A = arith.index_cast %add3A_726 : i32 to index
      %swap3A_727 = tpu.vector_load %arg10[%swap3A] {strides = array<i32>} : memref<1728xi32, #tpu.memory_space<vmem>>, vector<16xi32>,
      tpu.vector_store %arg10[%swap3A], %gather3A {strides = array<i32>} : memref<1728xi32, #tpu.memory_space<vmem>>, vector<16xi32>,
      %mul3A_728 = arith.constant 16 : i32
      %mul3A_729 = arith.muli %scan3A_723, %mul3A_728 : i32
      %add3A_730 = arith.addi %scan3A_573#0, %mul3A_729 : i32
      %swap3A_731 = arith.index_cast %add3A_730 : i32 to index
      %swap3A_732 = tpu.vector_load %arg11[%swap3A_731] {strides = array<i32>} : memref<1728xi32, #tpu.memory_space<vmem>>, vector<16xi32>,
      tpu.vector_store %arg11[%swap3A_731], %gather3A_578 {strides = array<i32>} : memref<1728xi32, #tpu.memory_space<vmem>>, vector<16xi32>,
      %mul3A_733 = arith.constant 16 : i32
      %mul3A_734 = arith.muli %scan3A_723, %mul3A_733 : i32
      %add3A_735 = arith.addi %scan3A_573#0, %mul3A_734 : i32
      %swap3A_736 = arith.index_cast %add3A_735 : i32 to index
      %swap3A_737 = tpu.vector_load %arg12[%swap3A_736] {strides = array<i32>} : memref<1728xi32, #tpu.memory_space<vmem>>, vector<16xi32>,
      tpu.vector_store %arg12[%swap3A_736], %gather3A_579 {strides = array<i32>} : memref<1728xi32, #tpu.memory_space<vmem>>, vector<16xi32>,
    }
    %scan3A_585 = arith.constant 10 : i32
    %gather3A_586 = tpu.vector_load_idx %arg13[%mul3A_577] : memref<1728xi32, #tpu.memory_space<vmem>>[vector<16xi32>], vector<16xi32>,
    %gather3A_587 = tpu.vector_load_idx %arg14[%mul3A_577] : memref<1728xi32, #tpu.memory_space<vmem>>[vector<16xi32>], vector<16xi32>,
    %scan3A_588 = arith.constant 0 : i32
    %scan3A_589 = arith.constant 0 : i32
    %scan3A_590 = arith.constant 10 : i32
    %scan3A_591 = arith.addi %scan3A_589, %scan3A_590 : i32
    %scan3A_592 = arith.constant 1 : i32
    scf.for %scan3A_723 = %scan3A_589 to %scan3A_591 step %scan3A_592  : i32 {
      %mul3A_724 = arith.constant 16 : i32
      %mul3A_725 = arith.muli %scan3A_723, %mul3A_724 : i32
      %add3A_726 = arith.addi %scan3A_573#1, %mul3A_725 : i32
      %swap3A = arith.index_cast %add3A_726 : i32 to index
      %swap3A_727 = tpu.vector_load %arg13[%swap3A] {strides = array<i32>} : memref<1728xi32, #tpu.memory_space<vmem>>, vector<16xi32>,
      tpu.vector_store %arg13[%swap3A], %gather3A_586 {strides = array<i32>} : memref<1728xi32, #tpu.memory_space<vmem>>, vector<16xi32>,
      %mul3A_728 = arith.constant 16 : i32
      %mul3A_729 = arith.muli %scan3A_723, %mul3A_728 : i32
      %add3A_730 = arith.addi %scan3A_573#1, %mul3A_729 : i32
      %swap3A_731 = arith.index_cast %add3A_730 : i32 to index
      %swap3A_732 = tpu.vector_load %arg14[%swap3A_731] {strides = array<i32>} : memref<1728xi32, #tpu.memory_space<vmem>>, vector<16xi32>,
      tpu.vector_store %arg14[%swap3A_731], %gather3A_587 {strides = array<i32>} : memref<1728xi32, #tpu.memory_space<vmem>>, vector<16xi32>,
    }
    %scan3A_593 = arith.constant 10 : i32
    %gather3A_594 = tpu.vector_load_idx %arg15[%mul3A_577] : memref<1728xi32, #tpu.memory_space<vmem>>[vector<16xi32>], vector<16xi32>,
    %gather3A_595 = tpu.vector_load_idx %arg16[%mul3A_577] : memref<1728xi32, #tpu.memory_space<vmem>>[vector<16xi32>], vector<16xi32>,
    %scan3A_596 = arith.constant 0 : i32
    %scan3A_597 = arith.constant 0 : i32
    %scan3A_598 = arith.constant 10 : i32
    %scan3A_599 = arith.addi %scan3A_597, %scan3A_598 : i32
    %scan3A_600 = arith.constant 1 : i32
    scf.for %scan3A_723 = %scan3A_597 to %scan3A_599 step %scan3A_600  : i32 {
      %mul3A_724 = arith.constant 16 : i32
      %mul3A_725 = arith.muli %scan3A_723, %mul3A_724 : i32
      %add3A_726 = arith.addi %scan3A_573#2, %mul3A_725 : i32
      %swap3A = arith.index_cast %add3A_726 : i32 to index
      %swap3A_727 = tpu.vector_load %arg15[%swap3A] {strides = array<i32>} : memref<1728xi32, #tpu.memory_space<vmem>>, vector<16xi32>,
      tpu.vector_store %arg15[%swap3A], %gather3A_594 {strides = array<i32>} : memref<1728xi32, #tpu.memory_space<vmem>>, vector<16xi32>,
      %mul3A_728 = arith.constant 16 : i32
      %mul3A_729 = arith.muli %scan3A_723, %mul3A_728 : i32
      %add3A_730 = arith.addi %scan3A_573#2, %mul3A_729 : i32
      %swap3A_731 = arith.index_cast %add3A_730 : i32 to index
      %swap3A_732 = tpu.vector_load %arg16[%swap3A_731] {strides = array<i32>} : memref<1728xi32, #tpu.memory_space<vmem>>, vector<16xi32>,
      tpu.vector_store %arg16[%swap3A_731], %gather3A_595 {strides = array<i32>} : memref<1728xi32, #tpu.memory_space<vmem>>, vector<16xi32>,
    }
    %scan3A_601 = arith.constant 10 : i32
    %dma_wait3A_602 = arith.constant 0 : i32
    %dma_wait3A_603 = arith.constant 0 : i32
    %dma_wait3A_604 = tpu.memref_slice %arg6[%add3A_532, %dma_wait3A_603] : memref<50000x128xf32, #tpu.memory_space<hbm>> -> memref<112x128xf32, #tpu.memory_space<hbm>>
    %dma_wait3A_605 = tpu.memref_slice %arg28[%dma_wait3A_602] : memref<3x!tpu.dma_semaphore, #tpu.memory_space<semaphore_mem>> -> memref<1x!tpu.dma_semaphore, #tpu.memory_space<semaphore_mem>>
    %dma_wait3A_606 = tpu.memref_squeeze %dma_wait3A_605 : memref<1x!tpu.dma_semaphore, #tpu.memory_space<semaphore_mem>> -> memref<!tpu.dma_semaphore, #tpu.memory_space<semaphore_mem>>
    %dma_wait3A_607 = arith.constant 0 : i32
    %dma_wait3A_608 = tpu.memref_slice %arg6[%add3A_532, %dma_wait3A_607] : memref<50000x128xf32, #tpu.memory_space<hbm>> -> memref<112x128xf32, #tpu.memory_space<hbm>>
    tpu.wait_dma2 semaphore(%dma_wait3A_606 : memref<!tpu.dma_semaphore, #tpu.memory_space<semaphore_mem>>) src(%arg24 : memref<112x128xf32, #tpu.memory_space<vmem>>) dst(%dma_wait3A_608 : memref<112x128xf32, #tpu.memory_space<hbm>>)
    %dma_wait3A_609 = arith.constant 1 : i32
    %dma_wait3A_610 = arith.constant 0 : i32
    %dma_wait3A_611 = tpu.memref_slice %arg6[%add3A_548, %dma_wait3A_610] : memref<50000x128xf32, #tpu.memory_space<hbm>> -> memref<112x128xf32, #tpu.memory_space<hbm>>
    %dma_wait3A_612 = tpu.memref_slice %arg28[%dma_wait3A_609] : memref<3x!tpu.dma_semaphore, #tpu.memory_space<semaphore_mem>> -> memref<1x!tpu.dma_semaphore, #tpu.memory_space<semaphore_mem>>
    %dma_wait3A_613 = tpu.memref_squeeze %dma_wait3A_612 : memref<1x!tpu.dma_semaphore, #tpu.memory_space<semaphore_mem>> -> memref<!tpu.dma_semaphore, #tpu.memory_space<semaphore_mem>>
    %dma_wait3A_614 = arith.constant 0 : i32
    %dma_wait3A_615 = tpu.memref_slice %arg6[%add3A_548, %dma_wait3A_614] : memref<50000x128xf32, #tpu.memory_space<hbm>> -> memref<112x128xf32, #tpu.memory_space<hbm>>
    tpu.wait_dma2 semaphore(%dma_wait3A_613 : memref<!tpu.dma_semaphore, #tpu.memory_space<semaphore_mem>>) src(%arg25 : memref<112x128xf32, #tpu.memory_space<vmem>>) dst(%dma_wait3A_615 : memref<112x128xf32, #tpu.memory_space<hbm>>)
    %add3A_616 = arith.constant 160 : i32
    %add3A_617 = arith.addi %scan3A_573#1, %add3A_616 : i32
    %sub3A_618 = arith.constant 1 : i32
    %sub3A_619 = arith.subi %add3A_617, %sub3A_618 : i32
    %jit3A = arith.constant 160 : i32
    %div3A = arith.divsi %sub3A_619, %jit3A : i32
    %sign3A = arith.constant 0 : i32
    %sign3A_620 = arith.cmpi sgt, %sub3A_619, %sign3A : i32
    %sign3A_621 = arith.extui %sign3A_620 : i1 to i32
    %sign3A_622 = arith.constant 0 : i32
    %sign3A_623 = arith.cmpi slt, %sub3A_619, %sign3A_622 : i32
    %sign3A_624 = arith.extui %sign3A_623 : i1 to i32
    %sign3A_625 = arith.subi %sign3A_621, %sign3A_624 : i32
    %sign3A_626 = arith.constant 0 : i32
    %sign3A_627 = arith.cmpi sgt, %jit3A, %sign3A_626 : i32
    %sign3A_628 = arith.extui %sign3A_627 : i1 to i32
    %sign3A_629 = arith.constant 0 : i32
    %sign3A_630 = arith.cmpi slt, %jit3A, %sign3A_629 : i32
    %sign3A_631 = arith.extui %sign3A_630 : i1 to i32
    %sign3A_632 = arith.subi %sign3A_628, %sign3A_631 : i32
    %ne3A = arith.cmpi ne, %sign3A_625, %sign3A_632 : i32
    %rem3A = arith.remsi %sub3A_619, %jit3A : i32
    %ne3A_633 = arith.constant 0 : i32
    %ne3A_634 = arith.cmpi ne, %rem3A, %ne3A_633 : i32
    %and3A = arith.andi %ne3A, %ne3A_634 : i1
    %sub3A_635 = arith.constant 1 : i32
    %sub3A_636 = arith.subi %div3A, %sub3A_635 : i32
    %select_n3A_637 = arith.select %and3A, %sub3A_636, %div3A : i32
    %while3A = arith.constant 0 : i32
    %while3A_638 = arith.constant 0 : i32
    "tpu.trace_start"() <{level = 10 : i32, message = "upd_even"}> : () -> ()
    %while3A_639 = arith.subi %select_n3A_637, %while3A_638 : i32
    %while3A_640 = arith.addi %while3A_638, %while3A_639 : i32
    %while3A_641 = arith.constant 1 : i32
    %while3A_642 = arith.divsi %while3A_639, %while3A_641 : i32
    %while3A_643 = arith.muli %while3A_642, %while3A_641 : i32
    %while3A_644 = arith.addi %while3A_638, %while3A_643 : i32
    %while3A_645 = arith.constant 1 : i32
    scf.for %while3A_723 = %while3A_638 to %while3A_644 step %while3A_645  : i32 {
      %mul3A_724 = arith.constant 160 : i32
      %mul3A_725 = arith.muli %while3A_723, %mul3A_724 : i32
      %scan3A_726 = arith.constant 0 : i32
      %scan3A_727 = arith.constant 0 : i32
      %scan3A_728 = arith.constant 10 : i32
      %scan3A_729 = arith.addi %scan3A_727, %scan3A_728 : i32
      %scan3A_730 = arith.constant 1 : i32
      scf.for %scan3A_756 = %scan3A_727 to %scan3A_729 step %scan3A_730  : i32 {
        %mul3A_757 = arith.constant 16 : i32
        %mul3A_758 = arith.muli %scan3A_756, %mul3A_757 : i32
        %add3A_759 = arith.addi %mul3A_725, %mul3A_758 : i32
        %get3A_760 = arith.index_cast %add3A_759 : i32 to index
        %get3A_761 = tpu.vector_load %arg13[%get3A_760] {strides = array<i32>} : memref<1728xi32, #tpu.memory_space<vmem>>, vector<16xi32>,
        %mul3A_762 = arith.constant 16 : i32
        %mul3A_763 = arith.muli %scan3A_756, %mul3A_762 : i32
        %swap3A = arith.index_cast %mul3A_763 : i32 to index
        %swap3A_764 = tpu.vector_load %arg17[%swap3A] {strides = array<i32>} : memref<160xi32, #tpu.memory_space<vmem>>, vector<16xi32>,
        tpu.vector_store %arg17[%swap3A], %get3A_761 {strides = array<i32>} : memref<160xi32, #tpu.memory_space<vmem>>, vector<16xi32>,
        %mul3A_765 = arith.constant 16 : i32
        %mul3A_766 = arith.muli %scan3A_756, %mul3A_765 : i32
        %add3A_767 = arith.addi %mul3A_725, %mul3A_766 : i32
        %get3A_768 = arith.index_cast %add3A_767 : i32 to index
        %get3A_769 = tpu.vector_load %arg14[%get3A_768] {strides = array<i32>} : memref<1728xi32, #tpu.memory_space<vmem>>, vector<16xi32>,
        %mul3A_770 = arith.constant 16 : i32
        %mul3A_771 = arith.muli %scan3A_756, %mul3A_770 : i32
        %swap3A_772 = arith.index_cast %mul3A_771 : i32 to index
        %swap3A_773 = tpu.vector_load %arg18[%swap3A_772] {strides = array<i32>} : memref<160xi32, #tpu.memory_space<vmem>>, vector<16xi32>,
        tpu.vector_store %arg18[%swap3A_772], %get3A_769 {strides = array<i32>} : memref<160xi32, #tpu.memory_space<vmem>>, vector<16xi32>,
      }
      %scan3A_731 = arith.constant 10 : i32
      %dma_start3A_732 = arith.constant 0 : i32
      %dma_start3A_733 = arith.constant 0 : i32
      %dma_start3A_734 = tpu.memref_slice %arg2[%dma_start3A_732, %dma_start3A_733] : memref<50000x128xf32, #tpu.memory_space<hbm>> -> memref<50000x128xf32, #tpu.memory_space<hbm>>
      tpu.enqueue_indirect_dma source(%dma_start3A_734 : memref<50000x128xf32, #tpu.memory_space<hbm>>) target(%arg20 : memref<160x128xf32, #tpu.memory_space<vmem>>) offsets(%arg17 : memref<160xi32, #tpu.memory_space<vmem>>) semaphore(%arg29 : memref<!tpu.dma_semaphore, #tpu.memory_space<semaphore_mem>>)
      %dma_start3A_735 = arith.constant 0 : i32
      %dma_start3A_736 = arith.constant 0 : i32
      %dma_start3A_737 = tpu.memref_slice %arg3[%dma_start3A_735, %dma_start3A_736] : memref<16384x128xf32, #tpu.memory_space<hbm>> -> memref<16384x128xf32, #tpu.memory_space<hbm>>
      tpu.enqueue_indirect_dma source(%dma_start3A_737 : memref<16384x128xf32, #tpu.memory_space<hbm>>) target(%arg21 : memref<160x128xf32, #tpu.memory_space<vmem>>) offsets(%arg18 : memref<160xi32, #tpu.memory_space<vmem>>) semaphore(%arg30 : memref<!tpu.dma_semaphore, #tpu.memory_space<semaphore_mem>>)
      %dma_wait3A_738 = arith.constant 0 : i32
      %dma_wait3A_739 = arith.constant 0 : i32
      %dma_wait3A_740 = tpu.memref_slice %arg2[%dma_wait3A_738, %dma_wait3A_739] : memref<50000x128xf32, #tpu.memory_space<hbm>> -> memref<50000x128xf32, #tpu.memory_space<hbm>>
      tpu.wait_indirect_dma semaphore(%arg29 : memref<!tpu.dma_semaphore, #tpu.memory_space<semaphore_mem>>) src(%dma_wait3A_740 : memref<50000x128xf32, #tpu.memory_space<hbm>>) dst(%arg20 : memref<160x128xf32, #tpu.memory_space<vmem>>)
      %dma_wait3A_741 = arith.constant 0 : i32
      %dma_wait3A_742 = arith.constant 0 : i32
      %dma_wait3A_743 = tpu.memref_slice %arg3[%dma_wait3A_741, %dma_wait3A_742] : memref<16384x128xf32, #tpu.memory_space<hbm>> -> memref<16384x128xf32, #tpu.memory_space<hbm>>
      tpu.wait_indirect_dma semaphore(%arg30 : memref<!tpu.dma_semaphore, #tpu.memory_space<semaphore_mem>>) src(%dma_wait3A_743 : memref<16384x128xf32, #tpu.memory_space<hbm>>) dst(%arg21 : memref<160x128xf32, #tpu.memory_space<vmem>>)
      %scan3A_744 = arith.constant 0 : i32
      %scan3A_745 = arith.constant 0 : i32
      %scan3A_746 = arith.constant 160 : i32
      %scan3A_747 = arith.addi %scan3A_745, %scan3A_746 : i32
      %scan3A_748 = arith.constant 1 : i32
      scf.for %scan3A_756 = %scan3A_745 to %scan3A_747 step %scan3A_748  : i32 {
        %get3A_757 = arith.index_cast %scan3A_756 : i32 to index
        %get3A_758 = arith.constant 0 : index
        %get3A_759 = tpu.vector_load %arg20[%get3A_757, %get3A_758] {strides = array<i32>} : memref<160x128xf32, #tpu.memory_space<vmem>>, vector<16xf32>,
        %get3A_760 = arith.index_cast %scan3A_756 : i32 to index
        %get3A_761 = arith.constant 0 : index
        %get3A_762 = tpu.vector_load %arg21[%get3A_760, %get3A_761] {strides = array<i32>} : memref<160x128xf32, #tpu.memory_space<vmem>>, vector<16xf32>,
        %mul3A_763 = arith.mulf %get3A_759, %get3A_37 : vector<16xf32>
        %mul3A_764 = arith.mulf %get3A_762, %sub3A_40 : vector<16xf32>
        %add3A_765 = arith.addf %mul3A_763, %mul3A_764 : vector<16xf32>
        %swap3A = arith.index_cast %scan3A_756 : i32 to index
        %swap3A_766 = arith.constant 0 : index
        %swap3A_767 = tpu.vector_load %arg20[%swap3A, %swap3A_766] {strides = array<i32>} : memref<160x128xf32, #tpu.memory_space<vmem>>, vector<16xf32>,
        tpu.vector_store %arg20[%swap3A, %swap3A_766], %add3A_765 {strides = array<i32>} : memref<160x128xf32, #tpu.memory_space<vmem>>, vector<16xf32>,
        %get3A_768 = arith.index_cast %scan3A_756 : i32 to index
        %get3A_769 = arith.constant 16 : index
        %get3A_770 = tpu.vector_load %arg20[%get3A_768, %get3A_769] {strides = array<i32>} : memref<160x128xf32, #tpu.memory_space<vmem>>, vector<16xf32>,
        %get3A_771 = arith.index_cast %scan3A_756 : i32 to index
        %get3A_772 = arith.constant 16 : index
        %get3A_773 = tpu.vector_load %arg21[%get3A_771, %get3A_772] {strides = array<i32>} : memref<160x128xf32, #tpu.memory_space<vmem>>, vector<16xf32>,
        %mul3A_774 = arith.mulf %get3A_770, %get3A_37 : vector<16xf32>
        %mul3A_775 = arith.mulf %get3A_773, %sub3A_40 : vector<16xf32>
        %add3A_776 = arith.addf %mul3A_774, %mul3A_775 : vector<16xf32>
        %swap3A_777 = arith.index_cast %scan3A_756 : i32 to index
        %swap3A_778 = arith.constant 16 : index
        %swap3A_779 = tpu.vector_load %arg20[%swap3A_777, %swap3A_778] {strides = array<i32>} : memref<160x128xf32, #tpu.memory_space<vmem>>, vector<16xf32>,
        tpu.vector_store %arg20[%swap3A_777, %swap3A_778], %add3A_776 {strides = array<i32>} : memref<160x128xf32, #tpu.memory_space<vmem>>, vector<16xf32>,
        %get3A_780 = arith.index_cast %scan3A_756 : i32 to index
        %get3A_781 = arith.constant 32 : index
        %get3A_782 = tpu.vector_load %arg20[%get3A_780, %get3A_781] {strides = array<i32>} : memref<160x128xf32, #tpu.memory_space<vmem>>, vector<16xf32>,
        %get3A_783 = arith.index_cast %scan3A_756 : i32 to index
        %get3A_784 = arith.constant 32 : index
        %get3A_785 = tpu.vector_load %arg21[%get3A_783, %get3A_784] {strides = array<i32>} : memref<160x128xf32, #tpu.memory_space<vmem>>, vector<16xf32>,
        %mul3A_786 = arith.mulf %get3A_782, %get3A_37 : vector<16xf32>
        %mul3A_787 = arith.mulf %get3A_785, %sub3A_40 : vector<16xf32>
        %add3A_788 = arith.addf %mul3A_786, %mul3A_787 : vector<16xf32>
        %swap3A_789 = arith.index_cast %scan3A_756 : i32 to index
        %swap3A_790 = arith.constant 32 : index
        %swap3A_791 = tpu.vector_load %arg20[%swap3A_789, %swap3A_790] {strides = array<i32>} : memref<160x128xf32, #tpu.memory_space<vmem>>, vector<16xf32>,
        tpu.vector_store %arg20[%swap3A_789, %swap3A_790], %add3A_788 {strides = array<i32>} : memref<160x128xf32, #tpu.memory_space<vmem>>, vector<16xf32>,
        %get3A_792 = arith.index_cast %scan3A_756 : i32 to index
        %get3A_793 = arith.constant 48 : index
        %get3A_794 = tpu.vector_load %arg20[%get3A_792, %get3A_793] {strides = array<i32>} : memref<160x128xf32, #tpu.memory_space<vmem>>, vector<16xf32>,
        %get3A_795 = arith.index_cast %scan3A_756 : i32 to index
        %get3A_796 = arith.constant 48 : index
        %get3A_797 = tpu.vector_load %arg21[%get3A_795, %get3A_796] {strides = array<i32>} : memref<160x128xf32, #tpu.memory_space<vmem>>, vector<16xf32>,
        %mul3A_798 = arith.mulf %get3A_794, %get3A_37 : vector<16xf32>
        %mul3A_799 = arith.mulf %get3A_797, %sub3A_40 : vector<16xf32>
        %add3A_800 = arith.addf %mul3A_798, %mul3A_799 : vector<16xf32>
        %swap3A_801 = arith.index_cast %scan3A_756 : i32 to index
        %swap3A_802 = arith.constant 48 : index
        %swap3A_803 = tpu.vector_load %arg20[%swap3A_801, %swap3A_802] {strides = array<i32>} : memref<160x128xf32, #tpu.memory_space<vmem>>, vector<16xf32>,
        tpu.vector_store %arg20[%swap3A_801, %swap3A_802], %add3A_800 {strides = array<i32>} : memref<160x128xf32, #tpu.memory_space<vmem>>, vector<16xf32>,
      }
      %scan3A_749 = arith.constant 160 : i32
      %dma_start3A_750 = arith.constant 0 : i32
      %dma_start3A_751 = arith.constant 0 : i32
      %dma_start3A_752 = tpu.memref_slice %arg6[%dma_start3A_750, %dma_start3A_751] : memref<50000x128xf32, #tpu.memory_space<hbm>> -> memref<50000x128xf32, #tpu.memory_space<hbm>>
      tpu.enqueue_indirect_dma source(%arg20 : memref<160x128xf32, #tpu.memory_space<vmem>>) target(%dma_start3A_752 : memref<50000x128xf32, #tpu.memory_space<hbm>>) offsets(%arg17 : memref<160xi32, #tpu.memory_space<vmem>>) semaphore(%arg29 : memref<!tpu.dma_semaphore, #tpu.memory_space<semaphore_mem>>)
      %dma_wait3A_753 = arith.constant 0 : i32
      %dma_wait3A_754 = arith.constant 0 : i32
      %dma_wait3A_755 = tpu.memref_slice %arg6[%dma_wait3A_753, %dma_wait3A_754] : memref<50000x128xf32, #tpu.memory_space<hbm>> -> memref<50000x128xf32, #tpu.memory_space<hbm>>
      tpu.wait_indirect_dma semaphore(%arg29 : memref<!tpu.dma_semaphore, #tpu.memory_space<semaphore_mem>>) src(%arg20 : memref<160x128xf32, #tpu.memory_space<vmem>>) dst(%dma_wait3A_755 : memref<50000x128xf32, #tpu.memory_space<hbm>>)
    }
    %while3A_646 = arith.constant 1 : i32
    scf.for %while3A_723 = %while3A_644 to %while3A_640 step %while3A_646  : i32 {
      %mul3A_724 = arith.constant 160 : i32
      %mul3A_725 = arith.muli %while3A_723, %mul3A_724 : i32
      %scan3A_726 = arith.constant 0 : i32
      %scan3A_727 = arith.constant 0 : i32
      %scan3A_728 = arith.constant 10 : i32
      %scan3A_729 = arith.addi %scan3A_727, %scan3A_728 : i32
      %scan3A_730 = arith.constant 1 : i32
      scf.for %scan3A_756 = %scan3A_727 to %scan3A_729 step %scan3A_730  : i32 {
        %mul3A_757 = arith.constant 16 : i32
        %mul3A_758 = arith.muli %scan3A_756, %mul3A_757 : i32
        %add3A_759 = arith.addi %mul3A_725, %mul3A_758 : i32
        %get3A_760 = arith.index_cast %add3A_759 : i32 to index
        %get3A_761 = tpu.vector_load %arg13[%get3A_760] {strides = array<i32>} : memref<1728xi32, #tpu.memory_space<vmem>>, vector<16xi32>,
        %mul3A_762 = arith.constant 16 : i32
        %mul3A_763 = arith.muli %scan3A_756, %mul3A_762 : i32
        %swap3A = arith.index_cast %mul3A_763 : i32 to index
        %swap3A_764 = tpu.vector_load %arg17[%swap3A] {strides = array<i32>} : memref<160xi32, #tpu.memory_space<vmem>>, vector<16xi32>,
        tpu.vector_store %arg17[%swap3A], %get3A_761 {strides = array<i32>} : memref<160xi32, #tpu.memory_space<vmem>>, vector<16xi32>,
        %mul3A_765 = arith.constant 16 : i32
        %mul3A_766 = arith.muli %scan3A_756, %mul3A_765 : i32
        %add3A_767 = arith.addi %mul3A_725, %mul3A_766 : i32
        %get3A_768 = arith.index_cast %add3A_767 : i32 to index
        %get3A_769 = tpu.vector_load %arg14[%get3A_768] {strides = array<i32>} : memref<1728xi32, #tpu.memory_space<vmem>>, vector<16xi32>,
        %mul3A_770 = arith.constant 16 : i32
        %mul3A_771 = arith.muli %scan3A_756, %mul3A_770 : i32
        %swap3A_772 = arith.index_cast %mul3A_771 : i32 to index
        %swap3A_773 = tpu.vector_load %arg18[%swap3A_772] {strides = array<i32>} : memref<160xi32, #tpu.memory_space<vmem>>, vector<16xi32>,
        tpu.vector_store %arg18[%swap3A_772], %get3A_769 {strides = array<i32>} : memref<160xi32, #tpu.memory_space<vmem>>, vector<16xi32>,
      }
      %scan3A_731 = arith.constant 10 : i32
      %dma_start3A_732 = arith.constant 0 : i32
      %dma_start3A_733 = arith.constant 0 : i32
      %dma_start3A_734 = tpu.memref_slice %arg2[%dma_start3A_732, %dma_start3A_733] : memref<50000x128xf32, #tpu.memory_space<hbm>> -> memref<50000x128xf32, #tpu.memory_space<hbm>>
      tpu.enqueue_indirect_dma source(%dma_start3A_734 : memref<50000x128xf32, #tpu.memory_space<hbm>>) target(%arg20 : memref<160x128xf32, #tpu.memory_space<vmem>>) offsets(%arg17 : memref<160xi32, #tpu.memory_space<vmem>>) semaphore(%arg29 : memref<!tpu.dma_semaphore, #tpu.memory_space<semaphore_mem>>)
      %dma_start3A_735 = arith.constant 0 : i32
      %dma_start3A_736 = arith.constant 0 : i32
      %dma_start3A_737 = tpu.memref_slice %arg3[%dma_start3A_735, %dma_start3A_736] : memref<16384x128xf32, #tpu.memory_space<hbm>> -> memref<16384x128xf32, #tpu.memory_space<hbm>>
      tpu.enqueue_indirect_dma source(%dma_start3A_737 : memref<16384x128xf32, #tpu.memory_space<hbm>>) target(%arg21 : memref<160x128xf32, #tpu.memory_space<vmem>>) offsets(%arg18 : memref<160xi32, #tpu.memory_space<vmem>>) semaphore(%arg30 : memref<!tpu.dma_semaphore, #tpu.memory_space<semaphore_mem>>)
      %dma_wait3A_738 = arith.constant 0 : i32
      %dma_wait3A_739 = arith.constant 0 : i32
      %dma_wait3A_740 = tpu.memref_slice %arg2[%dma_wait3A_738, %dma_wait3A_739] : memref<50000x128xf32, #tpu.memory_space<hbm>> -> memref<50000x128xf32, #tpu.memory_space<hbm>>
      tpu.wait_indirect_dma semaphore(%arg29 : memref<!tpu.dma_semaphore, #tpu.memory_space<semaphore_mem>>) src(%dma_wait3A_740 : memref<50000x128xf32, #tpu.memory_space<hbm>>) dst(%arg20 : memref<160x128xf32, #tpu.memory_space<vmem>>)
      %dma_wait3A_741 = arith.constant 0 : i32
      %dma_wait3A_742 = arith.constant 0 : i32
      %dma_wait3A_743 = tpu.memref_slice %arg3[%dma_wait3A_741, %dma_wait3A_742] : memref<16384x128xf32, #tpu.memory_space<hbm>> -> memref<16384x128xf32, #tpu.memory_space<hbm>>
      tpu.wait_indirect_dma semaphore(%arg30 : memref<!tpu.dma_semaphore, #tpu.memory_space<semaphore_mem>>) src(%dma_wait3A_743 : memref<16384x128xf32, #tpu.memory_space<hbm>>) dst(%arg21 : memref<160x128xf32, #tpu.memory_space<vmem>>)
      %scan3A_744 = arith.constant 0 : i32
      %scan3A_745 = arith.constant 0 : i32
      %scan3A_746 = arith.constant 160 : i32
      %scan3A_747 = arith.addi %scan3A_745, %scan3A_746 : i32
      %scan3A_748 = arith.constant 1 : i32
      scf.for %scan3A_756 = %scan3A_745 to %scan3A_747 step %scan3A_748  : i32 {
        %get3A_757 = arith.index_cast %scan3A_756 : i32 to index
        %get3A_758 = arith.constant 0 : index
        %get3A_759 = tpu.vector_load %arg20[%get3A_757, %get3A_758] {strides = array<i32>} : memref<160x128xf32, #tpu.memory_space<vmem>>, vector<16xf32>,
        %get3A_760 = arith.index_cast %scan3A_756 : i32 to index
        %get3A_761 = arith.constant 0 : index
        %get3A_762 = tpu.vector_load %arg21[%get3A_760, %get3A_761] {strides = array<i32>} : memref<160x128xf32, #tpu.memory_space<vmem>>, vector<16xf32>,
        %mul3A_763 = arith.mulf %get3A_759, %get3A_37 : vector<16xf32>
        %mul3A_764 = arith.mulf %get3A_762, %sub3A_40 : vector<16xf32>
        %add3A_765 = arith.addf %mul3A_763, %mul3A_764 : vector<16xf32>
        %swap3A = arith.index_cast %scan3A_756 : i32 to index
        %swap3A_766 = arith.constant 0 : index
        %swap3A_767 = tpu.vector_load %arg20[%swap3A, %swap3A_766] {strides = array<i32>} : memref<160x128xf32, #tpu.memory_space<vmem>>, vector<16xf32>,
        tpu.vector_store %arg20[%swap3A, %swap3A_766], %add3A_765 {strides = array<i32>} : memref<160x128xf32, #tpu.memory_space<vmem>>, vector<16xf32>,
        %get3A_768 = arith.index_cast %scan3A_756 : i32 to index
        %get3A_769 = arith.constant 16 : index
        %get3A_770 = tpu.vector_load %arg20[%get3A_768, %get3A_769] {strides = array<i32>} : memref<160x128xf32, #tpu.memory_space<vmem>>, vector<16xf32>,
        %get3A_771 = arith.index_cast %scan3A_756 : i32 to index
        %get3A_772 = arith.constant 16 : index
        %get3A_773 = tpu.vector_load %arg21[%get3A_771, %get3A_772] {strides = array<i32>} : memref<160x128xf32, #tpu.memory_space<vmem>>, vector<16xf32>,
        %mul3A_774 = arith.mulf %get3A_770, %get3A_37 : vector<16xf32>
        %mul3A_775 = arith.mulf %get3A_773, %sub3A_40 : vector<16xf32>
        %add3A_776 = arith.addf %mul3A_774, %mul3A_775 : vector<16xf32>
        %swap3A_777 = arith.index_cast %scan3A_756 : i32 to index
        %swap3A_778 = arith.constant 16 : index
        %swap3A_779 = tpu.vector_load %arg20[%swap3A_777, %swap3A_778] {strides = array<i32>} : memref<160x128xf32, #tpu.memory_space<vmem>>, vector<16xf32>,
        tpu.vector_store %arg20[%swap3A_777, %swap3A_778], %add3A_776 {strides = array<i32>} : memref<160x128xf32, #tpu.memory_space<vmem>>, vector<16xf32>,
        %get3A_780 = arith.index_cast %scan3A_756 : i32 to index
        %get3A_781 = arith.constant 32 : index
        %get3A_782 = tpu.vector_load %arg20[%get3A_780, %get3A_781] {strides = array<i32>} : memref<160x128xf32, #tpu.memory_space<vmem>>, vector<16xf32>,
        %get3A_783 = arith.index_cast %scan3A_756 : i32 to index
        %get3A_784 = arith.constant 32 : index
        %get3A_785 = tpu.vector_load %arg21[%get3A_783, %get3A_784] {strides = array<i32>} : memref<160x128xf32, #tpu.memory_space<vmem>>, vector<16xf32>,
        %mul3A_786 = arith.mulf %get3A_782, %get3A_37 : vector<16xf32>
        %mul3A_787 = arith.mulf %get3A_785, %sub3A_40 : vector<16xf32>
        %add3A_788 = arith.addf %mul3A_786, %mul3A_787 : vector<16xf32>
        %swap3A_789 = arith.index_cast %scan3A_756 : i32 to index
        %swap3A_790 = arith.constant 32 : index
        %swap3A_791 = tpu.vector_load %arg20[%swap3A_789, %swap3A_790] {strides = array<i32>} : memref<160x128xf32, #tpu.memory_space<vmem>>, vector<16xf32>,
        tpu.vector_store %arg20[%swap3A_789, %swap3A_790], %add3A_788 {strides = array<i32>} : memref<160x128xf32, #tpu.memory_space<vmem>>, vector<16xf32>,
        %get3A_792 = arith.index_cast %scan3A_756 : i32 to index
        %get3A_793 = arith.constant 48 : index
        %get3A_794 = tpu.vector_load %arg20[%get3A_792, %get3A_793] {strides = array<i32>} : memref<160x128xf32, #tpu.memory_space<vmem>>, vector<16xf32>,
        %get3A_795 = arith.index_cast %scan3A_756 : i32 to index
        %get3A_796 = arith.constant 48 : index
        %get3A_797 = tpu.vector_load %arg21[%get3A_795, %get3A_796] {strides = array<i32>} : memref<160x128xf32, #tpu.memory_space<vmem>>, vector<16xf32>,
        %mul3A_798 = arith.mulf %get3A_794, %get3A_37 : vector<16xf32>
        %mul3A_799 = arith.mulf %get3A_797, %sub3A_40 : vector<16xf32>
        %add3A_800 = arith.addf %mul3A_798, %mul3A_799 : vector<16xf32>
        %swap3A_801 = arith.index_cast %scan3A_756 : i32 to index
        %swap3A_802 = arith.constant 48 : index
        %swap3A_803 = tpu.vector_load %arg20[%swap3A_801, %swap3A_802] {strides = array<i32>} : memref<160x128xf32, #tpu.memory_space<vmem>>, vector<16xf32>,
        tpu.vector_store %arg20[%swap3A_801, %swap3A_802], %add3A_800 {strides = array<i32>} : memref<160x128xf32, #tpu.memory_space<vmem>>, vector<16xf32>,
      }
      %scan3A_749 = arith.constant 160 : i32
      %dma_start3A_750 = arith.constant 0 : i32
      %dma_start3A_751 = arith.constant 0 : i32
      %dma_start3A_752 = tpu.memref_slice %arg6[%dma_start3A_750, %dma_start3A_751] : memref<50000x128xf32, #tpu.memory_space<hbm>> -> memref<50000x128xf32, #tpu.memory_space<hbm>>
      tpu.enqueue_indirect_dma source(%arg20 : memref<160x128xf32, #tpu.memory_space<vmem>>) target(%dma_start3A_752 : memref<50000x128xf32, #tpu.memory_space<hbm>>) offsets(%arg17 : memref<160xi32, #tpu.memory_space<vmem>>) semaphore(%arg29 : memref<!tpu.dma_semaphore, #tpu.memory_space<semaphore_mem>>)
      %dma_wait3A_753 = arith.constant 0 : i32
      %dma_wait3A_754 = arith.constant 0 : i32
      %dma_wait3A_755 = tpu.memref_slice %arg6[%dma_wait3A_753, %dma_wait3A_754] : memref<50000x128xf32, #tpu.memory_space<hbm>> -> memref<50000x128xf32, #tpu.memory_space<hbm>>
      tpu.wait_indirect_dma semaphore(%arg29 : memref<!tpu.dma_semaphore, #tpu.memory_space<semaphore_mem>>) src(%arg20 : memref<160x128xf32, #tpu.memory_space<vmem>>) dst(%dma_wait3A_755 : memref<50000x128xf32, #tpu.memory_space<hbm>>)
    }
    "tpu.trace_stop"() : () -> ()
    %add3A_647 = arith.constant 160 : i32
    %add3A_648 = arith.addi %scan3A_573#2, %add3A_647 : i32
    %sub3A_649 = arith.constant 1 : i32
    %sub3A_650 = arith.subi %add3A_648, %sub3A_649 : i32
    %jit3A_651 = arith.constant 160 : i32
    %div3A_652 = arith.divsi %sub3A_650, %jit3A_651 : i32
    %sign3A_653 = arith.constant 0 : i32
    %sign3A_654 = arith.cmpi sgt, %sub3A_650, %sign3A_653 : i32
    %sign3A_655 = arith.extui %sign3A_654 : i1 to i32
    %sign3A_656 = arith.constant 0 : i32
    %sign3A_657 = arith.cmpi slt, %sub3A_650, %sign3A_656 : i32
    %sign3A_658 = arith.extui %sign3A_657 : i1 to i32
    %sign3A_659 = arith.subi %sign3A_655, %sign3A_658 : i32
    %sign3A_660 = arith.constant 0 : i32
    %sign3A_661 = arith.cmpi sgt, %jit3A_651, %sign3A_660 : i32
    %sign3A_662 = arith.extui %sign3A_661 : i1 to i32
    %sign3A_663 = arith.constant 0 : i32
    %sign3A_664 = arith.cmpi slt, %jit3A_651, %sign3A_663 : i32
    %sign3A_665 = arith.extui %sign3A_664 : i1 to i32
    %sign3A_666 = arith.subi %sign3A_662, %sign3A_665 : i32
    %ne3A_667 = arith.cmpi ne, %sign3A_659, %sign3A_666 : i32
    %rem3A_668 = arith.remsi %sub3A_650, %jit3A_651 : i32
    %ne3A_669 = arith.constant 0 : i32
    %ne3A_670 = arith.cmpi ne, %rem3A_668, %ne3A_669 : i32
    %and3A_671 = arith.andi %ne3A_667, %ne3A_670 : i1
    %sub3A_672 = arith.constant 1 : i32
    %sub3A_673 = arith.subi %div3A_652, %sub3A_672 : i32
    %select_n3A_674 = arith.select %and3A_671, %sub3A_673, %div3A_652 : i32
    %while3A_675 = arith.constant 0 : i32
    %while3A_676 = arith.constant 0 : i32
    "tpu.trace_start"() <{level = 10 : i32, message = "upd_odd"}> : () -> ()
    %while3A_677 = arith.subi %select_n3A_674, %while3A_676 : i32
    %while3A_678 = arith.addi %while3A_676, %while3A_677 : i32
    %while3A_679 = arith.constant 1 : i32
    %while3A_680 = arith.divsi %while3A_677, %while3A_679 : i32
    %while3A_681 = arith.muli %while3A_680, %while3A_679 : i32
    %while3A_682 = arith.addi %while3A_676, %while3A_681 : i32
    %while3A_683 = arith.constant 1 : i32
    scf.for %while3A_723 = %while3A_676 to %while3A_682 step %while3A_683  : i32 {
      %mul3A_724 = arith.constant 160 : i32
      %mul3A_725 = arith.muli %while3A_723, %mul3A_724 : i32
      %scan3A_726 = arith.constant 0 : i32
      %scan3A_727 = arith.constant 0 : i32
      %scan3A_728 = arith.constant 10 : i32
      %scan3A_729 = arith.addi %scan3A_727, %scan3A_728 : i32
      %scan3A_730 = arith.constant 1 : i32
      scf.for %scan3A_756 = %scan3A_727 to %scan3A_729 step %scan3A_730  : i32 {
        %mul3A_757 = arith.constant 16 : i32
        %mul3A_758 = arith.muli %scan3A_756, %mul3A_757 : i32
        %add3A_759 = arith.addi %mul3A_725, %mul3A_758 : i32
        %get3A_760 = arith.index_cast %add3A_759 : i32 to index
        %get3A_761 = tpu.vector_load %arg15[%get3A_760] {strides = array<i32>} : memref<1728xi32, #tpu.memory_space<vmem>>, vector<16xi32>,
        %mul3A_762 = arith.constant 16 : i32
        %mul3A_763 = arith.muli %scan3A_756, %mul3A_762 : i32
        %swap3A = arith.index_cast %mul3A_763 : i32 to index
        %swap3A_764 = tpu.vector_load %arg17[%swap3A] {strides = array<i32>} : memref<160xi32, #tpu.memory_space<vmem>>, vector<16xi32>,
        tpu.vector_store %arg17[%swap3A], %get3A_761 {strides = array<i32>} : memref<160xi32, #tpu.memory_space<vmem>>, vector<16xi32>,
        %mul3A_765 = arith.constant 16 : i32
        %mul3A_766 = arith.muli %scan3A_756, %mul3A_765 : i32
        %add3A_767 = arith.addi %mul3A_725, %mul3A_766 : i32
        %get3A_768 = arith.index_cast %add3A_767 : i32 to index
        %get3A_769 = tpu.vector_load %arg16[%get3A_768] {strides = array<i32>} : memref<1728xi32, #tpu.memory_space<vmem>>, vector<16xi32>,
        %mul3A_770 = arith.constant 16 : i32
        %mul3A_771 = arith.muli %scan3A_756, %mul3A_770 : i32
        %swap3A_772 = arith.index_cast %mul3A_771 : i32 to index
        %swap3A_773 = tpu.vector_load %arg18[%swap3A_772] {strides = array<i32>} : memref<160xi32, #tpu.memory_space<vmem>>, vector<16xi32>,
        tpu.vector_store %arg18[%swap3A_772], %get3A_769 {strides = array<i32>} : memref<160xi32, #tpu.memory_space<vmem>>, vector<16xi32>,
      }
      %scan3A_731 = arith.constant 10 : i32
      %dma_start3A_732 = arith.constant 0 : i32
      %dma_start3A_733 = arith.constant 0 : i32
      %dma_start3A_734 = tpu.memref_slice %arg2[%dma_start3A_732, %dma_start3A_733] : memref<50000x128xf32, #tpu.memory_space<hbm>> -> memref<50000x128xf32, #tpu.memory_space<hbm>>
      tpu.enqueue_indirect_dma source(%dma_start3A_734 : memref<50000x128xf32, #tpu.memory_space<hbm>>) target(%arg20 : memref<160x128xf32, #tpu.memory_space<vmem>>) offsets(%arg17 : memref<160xi32, #tpu.memory_space<vmem>>) semaphore(%arg29 : memref<!tpu.dma_semaphore, #tpu.memory_space<semaphore_mem>>)
      %dma_start3A_735 = arith.constant 0 : i32
      %dma_start3A_736 = arith.constant 0 : i32
      %dma_start3A_737 = tpu.memref_slice %arg3[%dma_start3A_735, %dma_start3A_736] : memref<16384x128xf32, #tpu.memory_space<hbm>> -> memref<16384x128xf32, #tpu.memory_space<hbm>>
      tpu.enqueue_indirect_dma source(%dma_start3A_737 : memref<16384x128xf32, #tpu.memory_space<hbm>>) target(%arg21 : memref<160x128xf32, #tpu.memory_space<vmem>>) offsets(%arg18 : memref<160xi32, #tpu.memory_space<vmem>>) semaphore(%arg30 : memref<!tpu.dma_semaphore, #tpu.memory_space<semaphore_mem>>)
      %dma_wait3A_738 = arith.constant 0 : i32
      %dma_wait3A_739 = arith.constant 0 : i32
      %dma_wait3A_740 = tpu.memref_slice %arg2[%dma_wait3A_738, %dma_wait3A_739] : memref<50000x128xf32, #tpu.memory_space<hbm>> -> memref<50000x128xf32, #tpu.memory_space<hbm>>
      tpu.wait_indirect_dma semaphore(%arg29 : memref<!tpu.dma_semaphore, #tpu.memory_space<semaphore_mem>>) src(%dma_wait3A_740 : memref<50000x128xf32, #tpu.memory_space<hbm>>) dst(%arg20 : memref<160x128xf32, #tpu.memory_space<vmem>>)
      %dma_wait3A_741 = arith.constant 0 : i32
      %dma_wait3A_742 = arith.constant 0 : i32
      %dma_wait3A_743 = tpu.memref_slice %arg3[%dma_wait3A_741, %dma_wait3A_742] : memref<16384x128xf32, #tpu.memory_space<hbm>> -> memref<16384x128xf32, #tpu.memory_space<hbm>>
      tpu.wait_indirect_dma semaphore(%arg30 : memref<!tpu.dma_semaphore, #tpu.memory_space<semaphore_mem>>) src(%dma_wait3A_743 : memref<16384x128xf32, #tpu.memory_space<hbm>>) dst(%arg21 : memref<160x128xf32, #tpu.memory_space<vmem>>)
      %scan3A_744 = arith.constant 0 : i32
      %scan3A_745 = arith.constant 0 : i32
      %scan3A_746 = arith.constant 160 : i32
      %scan3A_747 = arith.addi %scan3A_745, %scan3A_746 : i32
      %scan3A_748 = arith.constant 1 : i32
      scf.for %scan3A_756 = %scan3A_745 to %scan3A_747 step %scan3A_748  : i32 {
        %get3A_757 = arith.index_cast %scan3A_756 : i32 to index
        %get3A_758 = arith.constant 64 : index
        %get3A_759 = tpu.vector_load %arg20[%get3A_757, %get3A_758] {strides = array<i32>} : memref<160x128xf32, #tpu.memory_space<vmem>>, vector<16xf32>,
        %get3A_760 = arith.index_cast %scan3A_756 : i32 to index
        %get3A_761 = arith.constant 64 : index
        %get3A_762 = tpu.vector_load %arg21[%get3A_760, %get3A_761] {strides = array<i32>} : memref<160x128xf32, #tpu.memory_space<vmem>>, vector<16xf32>,
        %mul3A_763 = arith.mulf %get3A_759, %get3A_37 : vector<16xf32>
        %mul3A_764 = arith.mulf %get3A_762, %sub3A_40 : vector<16xf32>
        %add3A_765 = arith.addf %mul3A_763, %mul3A_764 : vector<16xf32>
        %swap3A = arith.index_cast %scan3A_756 : i32 to index
        %swap3A_766 = arith.constant 64 : index
        %swap3A_767 = tpu.vector_load %arg20[%swap3A, %swap3A_766] {strides = array<i32>} : memref<160x128xf32, #tpu.memory_space<vmem>>, vector<16xf32>,
        tpu.vector_store %arg20[%swap3A, %swap3A_766], %add3A_765 {strides = array<i32>} : memref<160x128xf32, #tpu.memory_space<vmem>>, vector<16xf32>,
        %get3A_768 = arith.index_cast %scan3A_756 : i32 to index
        %get3A_769 = arith.constant 80 : index
        %get3A_770 = tpu.vector_load %arg20[%get3A_768, %get3A_769] {strides = array<i32>} : memref<160x128xf32, #tpu.memory_space<vmem>>, vector<16xf32>,
        %get3A_771 = arith.index_cast %scan3A_756 : i32 to index
        %get3A_772 = arith.constant 80 : index
        %get3A_773 = tpu.vector_load %arg21[%get3A_771, %get3A_772] {strides = array<i32>} : memref<160x128xf32, #tpu.memory_space<vmem>>, vector<16xf32>,
        %mul3A_774 = arith.mulf %get3A_770, %get3A_37 : vector<16xf32>
        %mul3A_775 = arith.mulf %get3A_773, %sub3A_40 : vector<16xf32>
        %add3A_776 = arith.addf %mul3A_774, %mul3A_775 : vector<16xf32>
        %swap3A_777 = arith.index_cast %scan3A_756 : i32 to index
        %swap3A_778 = arith.constant 80 : index
        %swap3A_779 = tpu.vector_load %arg20[%swap3A_777, %swap3A_778] {strides = array<i32>} : memref<160x128xf32, #tpu.memory_space<vmem>>, vector<16xf32>,
        tpu.vector_store %arg20[%swap3A_777, %swap3A_778], %add3A_776 {strides = array<i32>} : memref<160x128xf32, #tpu.memory_space<vmem>>, vector<16xf32>,
        %get3A_780 = arith.index_cast %scan3A_756 : i32 to index
        %get3A_781 = arith.constant 96 : index
        %get3A_782 = tpu.vector_load %arg20[%get3A_780, %get3A_781] {strides = array<i32>} : memref<160x128xf32, #tpu.memory_space<vmem>>, vector<16xf32>,
        %get3A_783 = arith.index_cast %scan3A_756 : i32 to index
        %get3A_784 = arith.constant 96 : index
        %get3A_785 = tpu.vector_load %arg21[%get3A_783, %get3A_784] {strides = array<i32>} : memref<160x128xf32, #tpu.memory_space<vmem>>, vector<16xf32>,
        %mul3A_786 = arith.mulf %get3A_782, %get3A_37 : vector<16xf32>
        %mul3A_787 = arith.mulf %get3A_785, %sub3A_40 : vector<16xf32>
        %add3A_788 = arith.addf %mul3A_786, %mul3A_787 : vector<16xf32>
        %swap3A_789 = arith.index_cast %scan3A_756 : i32 to index
        %swap3A_790 = arith.constant 96 : index
        %swap3A_791 = tpu.vector_load %arg20[%swap3A_789, %swap3A_790] {strides = array<i32>} : memref<160x128xf32, #tpu.memory_space<vmem>>, vector<16xf32>,
        tpu.vector_store %arg20[%swap3A_789, %swap3A_790], %add3A_788 {strides = array<i32>} : memref<160x128xf32, #tpu.memory_space<vmem>>, vector<16xf32>,
        %get3A_792 = arith.index_cast %scan3A_756 : i32 to index
        %get3A_793 = arith.constant 112 : index
        %get3A_794 = tpu.vector_load %arg20[%get3A_792, %get3A_793] {strides = array<i32>} : memref<160x128xf32, #tpu.memory_space<vmem>>, vector<16xf32>,
        %get3A_795 = arith.index_cast %scan3A_756 : i32 to index
        %get3A_796 = arith.constant 112 : index
        %get3A_797 = tpu.vector_load %arg21[%get3A_795, %get3A_796] {strides = array<i32>} : memref<160x128xf32, #tpu.memory_space<vmem>>, vector<16xf32>,
        %mul3A_798 = arith.mulf %get3A_794, %get3A_37 : vector<16xf32>
        %mul3A_799 = arith.mulf %get3A_797, %sub3A_40 : vector<16xf32>
        %add3A_800 = arith.addf %mul3A_798, %mul3A_799 : vector<16xf32>
        %swap3A_801 = arith.index_cast %scan3A_756 : i32 to index
        %swap3A_802 = arith.constant 112 : index
        %swap3A_803 = tpu.vector_load %arg20[%swap3A_801, %swap3A_802] {strides = array<i32>} : memref<160x128xf32, #tpu.memory_space<vmem>>, vector<16xf32>,
        tpu.vector_store %arg20[%swap3A_801, %swap3A_802], %add3A_800 {strides = array<i32>} : memref<160x128xf32, #tpu.memory_space<vmem>>, vector<16xf32>,
      }
      %scan3A_749 = arith.constant 160 : i32
      %dma_start3A_750 = arith.constant 0 : i32
      %dma_start3A_751 = arith.constant 0 : i32
      %dma_start3A_752 = tpu.memref_slice %arg6[%dma_start3A_750, %dma_start3A_751] : memref<50000x128xf32, #tpu.memory_space<hbm>> -> memref<50000x128xf32, #tpu.memory_space<hbm>>
      tpu.enqueue_indirect_dma source(%arg20 : memref<160x128xf32, #tpu.memory_space<vmem>>) target(%dma_start3A_752 : memref<50000x128xf32, #tpu.memory_space<hbm>>) offsets(%arg17 : memref<160xi32, #tpu.memory_space<vmem>>) semaphore(%arg29 : memref<!tpu.dma_semaphore, #tpu.memory_space<semaphore_mem>>)
      %dma_wait3A_753 = arith.constant 0 : i32
      %dma_wait3A_754 = arith.constant 0 : i32
      %dma_wait3A_755 = tpu.memref_slice %arg6[%dma_wait3A_753, %dma_wait3A_754] : memref<50000x128xf32, #tpu.memory_space<hbm>> -> memref<50000x128xf32, #tpu.memory_space<hbm>>
      tpu.wait_indirect_dma semaphore(%arg29 : memref<!tpu.dma_semaphore, #tpu.memory_space<semaphore_mem>>) src(%arg20 : memref<160x128xf32, #tpu.memory_space<vmem>>) dst(%dma_wait3A_755 : memref<50000x128xf32, #tpu.memory_space<hbm>>)
    }
    %while3A_684 = arith.constant 1 : i32
    scf.for %while3A_723 = %while3A_682 to %while3A_678 step %while3A_684  : i32 {
      %mul3A_724 = arith.constant 160 : i32
      %mul3A_725 = arith.muli %while3A_723, %mul3A_724 : i32
      %scan3A_726 = arith.constant 0 : i32
      %scan3A_727 = arith.constant 0 : i32
      %scan3A_728 = arith.constant 10 : i32
      %scan3A_729 = arith.addi %scan3A_727, %scan3A_728 : i32
      %scan3A_730 = arith.constant 1 : i32
      scf.for %scan3A_756 = %scan3A_727 to %scan3A_729 step %scan3A_730  : i32 {
        %mul3A_757 = arith.constant 16 : i32
        %mul3A_758 = arith.muli %scan3A_756, %mul3A_757 : i32
        %add3A_759 = arith.addi %mul3A_725, %mul3A_758 : i32
        %get3A_760 = arith.index_cast %add3A_759 : i32 to index
        %get3A_761 = tpu.vector_load %arg15[%get3A_760] {strides = array<i32>} : memref<1728xi32, #tpu.memory_space<vmem>>, vector<16xi32>,
        %mul3A_762 = arith.constant 16 : i32
        %mul3A_763 = arith.muli %scan3A_756, %mul3A_762 : i32
        %swap3A = arith.index_cast %mul3A_763 : i32 to index
        %swap3A_764 = tpu.vector_load %arg17[%swap3A] {strides = array<i32>} : memref<160xi32, #tpu.memory_space<vmem>>, vector<16xi32>,
        tpu.vector_store %arg17[%swap3A], %get3A_761 {strides = array<i32>} : memref<160xi32, #tpu.memory_space<vmem>>, vector<16xi32>,
        %mul3A_765 = arith.constant 16 : i32
        %mul3A_766 = arith.muli %scan3A_756, %mul3A_765 : i32
        %add3A_767 = arith.addi %mul3A_725, %mul3A_766 : i32
        %get3A_768 = arith.index_cast %add3A_767 : i32 to index
        %get3A_769 = tpu.vector_load %arg16[%get3A_768] {strides = array<i32>} : memref<1728xi32, #tpu.memory_space<vmem>>, vector<16xi32>,
        %mul3A_770 = arith.constant 16 : i32
        %mul3A_771 = arith.muli %scan3A_756, %mul3A_770 : i32
        %swap3A_772 = arith.index_cast %mul3A_771 : i32 to index
        %swap3A_773 = tpu.vector_load %arg18[%swap3A_772] {strides = array<i32>} : memref<160xi32, #tpu.memory_space<vmem>>, vector<16xi32>,
        tpu.vector_store %arg18[%swap3A_772], %get3A_769 {strides = array<i32>} : memref<160xi32, #tpu.memory_space<vmem>>, vector<16xi32>,
      }
      %scan3A_731 = arith.constant 10 : i32
      %dma_start3A_732 = arith.constant 0 : i32
      %dma_start3A_733 = arith.constant 0 : i32
      %dma_start3A_734 = tpu.memref_slice %arg2[%dma_start3A_732, %dma_start3A_733] : memref<50000x128xf32, #tpu.memory_space<hbm>> -> memref<50000x128xf32, #tpu.memory_space<hbm>>
      tpu.enqueue_indirect_dma source(%dma_start3A_734 : memref<50000x128xf32, #tpu.memory_space<hbm>>) target(%arg20 : memref<160x128xf32, #tpu.memory_space<vmem>>) offsets(%arg17 : memref<160xi32, #tpu.memory_space<vmem>>) semaphore(%arg29 : memref<!tpu.dma_semaphore, #tpu.memory_space<semaphore_mem>>)
      %dma_start3A_735 = arith.constant 0 : i32
      %dma_start3A_736 = arith.constant 0 : i32
      %dma_start3A_737 = tpu.memref_slice %arg3[%dma_start3A_735, %dma_start3A_736] : memref<16384x128xf32, #tpu.memory_space<hbm>> -> memref<16384x128xf32, #tpu.memory_space<hbm>>
      tpu.enqueue_indirect_dma source(%dma_start3A_737 : memref<16384x128xf32, #tpu.memory_space<hbm>>) target(%arg21 : memref<160x128xf32, #tpu.memory_space<vmem>>) offsets(%arg18 : memref<160xi32, #tpu.memory_space<vmem>>) semaphore(%arg30 : memref<!tpu.dma_semaphore, #tpu.memory_space<semaphore_mem>>)
      %dma_wait3A_738 = arith.constant 0 : i32
      %dma_wait3A_739 = arith.constant 0 : i32
      %dma_wait3A_740 = tpu.memref_slice %arg2[%dma_wait3A_738, %dma_wait3A_739] : memref<50000x128xf32, #tpu.memory_space<hbm>> -> memref<50000x128xf32, #tpu.memory_space<hbm>>
      tpu.wait_indirect_dma semaphore(%arg29 : memref<!tpu.dma_semaphore, #tpu.memory_space<semaphore_mem>>) src(%dma_wait3A_740 : memref<50000x128xf32, #tpu.memory_space<hbm>>) dst(%arg20 : memref<160x128xf32, #tpu.memory_space<vmem>>)
      %dma_wait3A_741 = arith.constant 0 : i32
      %dma_wait3A_742 = arith.constant 0 : i32
      %dma_wait3A_743 = tpu.memref_slice %arg3[%dma_wait3A_741, %dma_wait3A_742] : memref<16384x128xf32, #tpu.memory_space<hbm>> -> memref<16384x128xf32, #tpu.memory_space<hbm>>
      tpu.wait_indirect_dma semaphore(%arg30 : memref<!tpu.dma_semaphore, #tpu.memory_space<semaphore_mem>>) src(%dma_wait3A_743 : memref<16384x128xf32, #tpu.memory_space<hbm>>) dst(%arg21 : memref<160x128xf32, #tpu.memory_space<vmem>>)
      %scan3A_744 = arith.constant 0 : i32
      %scan3A_745 = arith.constant 0 : i32
      %scan3A_746 = arith.constant 160 : i32
      %scan3A_747 = arith.addi %scan3A_745, %scan3A_746 : i32
      %scan3A_748 = arith.constant 1 : i32
      scf.for %scan3A_756 = %scan3A_745 to %scan3A_747 step %scan3A_748  : i32 {
        %get3A_757 = arith.index_cast %scan3A_756 : i32 to index
        %get3A_758 = arith.constant 64 : index
        %get3A_759 = tpu.vector_load %arg20[%get3A_757, %get3A_758] {strides = array<i32>} : memref<160x128xf32, #tpu.memory_space<vmem>>, vector<16xf32>,
        %get3A_760 = arith.index_cast %scan3A_756 : i32 to index
        %get3A_761 = arith.constant 64 : index
        %get3A_762 = tpu.vector_load %arg21[%get3A_760, %get3A_761] {strides = array<i32>} : memref<160x128xf32, #tpu.memory_space<vmem>>, vector<16xf32>,
        %mul3A_763 = arith.mulf %get3A_759, %get3A_37 : vector<16xf32>
        %mul3A_764 = arith.mulf %get3A_762, %sub3A_40 : vector<16xf32>
        %add3A_765 = arith.addf %mul3A_763, %mul3A_764 : vector<16xf32>
        %swap3A = arith.index_cast %scan3A_756 : i32 to index
        %swap3A_766 = arith.constant 64 : index
        %swap3A_767 = tpu.vector_load %arg20[%swap3A, %swap3A_766] {strides = array<i32>} : memref<160x128xf32, #tpu.memory_space<vmem>>, vector<16xf32>,
        tpu.vector_store %arg20[%swap3A, %swap3A_766], %add3A_765 {strides = array<i32>} : memref<160x128xf32, #tpu.memory_space<vmem>>, vector<16xf32>,
        %get3A_768 = arith.index_cast %scan3A_756 : i32 to index
        %get3A_769 = arith.constant 80 : index
        %get3A_770 = tpu.vector_load %arg20[%get3A_768, %get3A_769] {strides = array<i32>} : memref<160x128xf32, #tpu.memory_space<vmem>>, vector<16xf32>,
        %get3A_771 = arith.index_cast %scan3A_756 : i32 to index
        %get3A_772 = arith.constant 80 : index
        %get3A_773 = tpu.vector_load %arg21[%get3A_771, %get3A_772] {strides = array<i32>} : memref<160x128xf32, #tpu.memory_space<vmem>>, vector<16xf32>,
        %mul3A_774 = arith.mulf %get3A_770, %get3A_37 : vector<16xf32>
        %mul3A_775 = arith.mulf %get3A_773, %sub3A_40 : vector<16xf32>
        %add3A_776 = arith.addf %mul3A_774, %mul3A_775 : vector<16xf32>
        %swap3A_777 = arith.index_cast %scan3A_756 : i32 to index
        %swap3A_778 = arith.constant 80 : index
        %swap3A_779 = tpu.vector_load %arg20[%swap3A_777, %swap3A_778] {strides = array<i32>} : memref<160x128xf32, #tpu.memory_space<vmem>>, vector<16xf32>,
        tpu.vector_store %arg20[%swap3A_777, %swap3A_778], %add3A_776 {strides = array<i32>} : memref<160x128xf32, #tpu.memory_space<vmem>>, vector<16xf32>,
        %get3A_780 = arith.index_cast %scan3A_756 : i32 to index
        %get3A_781 = arith.constant 96 : index
        %get3A_782 = tpu.vector_load %arg20[%get3A_780, %get3A_781] {strides = array<i32>} : memref<160x128xf32, #tpu.memory_space<vmem>>, vector<16xf32>,
        %get3A_783 = arith.index_cast %scan3A_756 : i32 to index
        %get3A_784 = arith.constant 96 : index
        %get3A_785 = tpu.vector_load %arg21[%get3A_783, %get3A_784] {strides = array<i32>} : memref<160x128xf32, #tpu.memory_space<vmem>>, vector<16xf32>,
        %mul3A_786 = arith.mulf %get3A_782, %get3A_37 : vector<16xf32>
        %mul3A_787 = arith.mulf %get3A_785, %sub3A_40 : vector<16xf32>
        %add3A_788 = arith.addf %mul3A_786, %mul3A_787 : vector<16xf32>
        %swap3A_789 = arith.index_cast %scan3A_756 : i32 to index
        %swap3A_790 = arith.constant 96 : index
        %swap3A_791 = tpu.vector_load %arg20[%swap3A_789, %swap3A_790] {strides = array<i32>} : memref<160x128xf32, #tpu.memory_space<vmem>>, vector<16xf32>,
        tpu.vector_store %arg20[%swap3A_789, %swap3A_790], %add3A_788 {strides = array<i32>} : memref<160x128xf32, #tpu.memory_space<vmem>>, vector<16xf32>,
        %get3A_792 = arith.index_cast %scan3A_756 : i32 to index
        %get3A_793 = arith.constant 112 : index
        %get3A_794 = tpu.vector_load %arg20[%get3A_792, %get3A_793] {strides = array<i32>} : memref<160x128xf32, #tpu.memory_space<vmem>>, vector<16xf32>,
        %get3A_795 = arith.index_cast %scan3A_756 : i32 to index
        %get3A_796 = arith.constant 112 : index
        %get3A_797 = tpu.vector_load %arg21[%get3A_795, %get3A_796] {strides = array<i32>} : memref<160x128xf32, #tpu.memory_space<vmem>>, vector<16xf32>,
        %mul3A_798 = arith.mulf %get3A_794, %get3A_37 : vector<16xf32>
        %mul3A_799 = arith.mulf %get3A_797, %sub3A_40 : vector<16xf32>
        %add3A_800 = arith.addf %mul3A_798, %mul3A_799 : vector<16xf32>
        %swap3A_801 = arith.index_cast %scan3A_756 : i32 to index
        %swap3A_802 = arith.constant 112 : index
        %swap3A_803 = tpu.vector_load %arg20[%swap3A_801, %swap3A_802] {strides = array<i32>} : memref<160x128xf32, #tpu.memory_space<vmem>>, vector<16xf32>,
        tpu.vector_store %arg20[%swap3A_801, %swap3A_802], %add3A_800 {strides = array<i32>} : memref<160x128xf32, #tpu.memory_space<vmem>>, vector<16xf32>,
      }
      %scan3A_749 = arith.constant 160 : i32
      %dma_start3A_750 = arith.constant 0 : i32
      %dma_start3A_751 = arith.constant 0 : i32
      %dma_start3A_752 = tpu.memref_slice %arg6[%dma_start3A_750, %dma_start3A_751] : memref<50000x128xf32, #tpu.memory_space<hbm>> -> memref<50000x128xf32, #tpu.memory_space<hbm>>
      tpu.enqueue_indirect_dma source(%arg20 : memref<160x128xf32, #tpu.memory_space<vmem>>) target(%dma_start3A_752 : memref<50000x128xf32, #tpu.memory_space<hbm>>) offsets(%arg17 : memref<160xi32, #tpu.memory_space<vmem>>) semaphore(%arg29 : memref<!tpu.dma_semaphore, #tpu.memory_space<semaphore_mem>>)
      %dma_wait3A_753 = arith.constant 0 : i32
      %dma_wait3A_754 = arith.constant 0 : i32
      %dma_wait3A_755 = tpu.memref_slice %arg6[%dma_wait3A_753, %dma_wait3A_754] : memref<50000x128xf32, #tpu.memory_space<hbm>> -> memref<50000x128xf32, #tpu.memory_space<hbm>>
      tpu.wait_indirect_dma semaphore(%arg29 : memref<!tpu.dma_semaphore, #tpu.memory_space<semaphore_mem>>) src(%arg20 : memref<160x128xf32, #tpu.memory_space<vmem>>) dst(%dma_wait3A_755 : memref<50000x128xf32, #tpu.memory_space<hbm>>)
    }
    "tpu.trace_stop"() : () -> ()
    %add3A_685 = arith.constant 160 : i32
    %add3A_686 = arith.addi %scan3A_573#0, %add3A_685 : i32
    %sub3A_687 = arith.constant 1 : i32
    %sub3A_688 = arith.subi %add3A_686, %sub3A_687 : i32
    %jit3A_689 = arith.constant 160 : i32
    %div3A_690 = arith.divsi %sub3A_688, %jit3A_689 : i32
    %sign3A_691 = arith.constant 0 : i32
    %sign3A_692 = arith.cmpi sgt, %sub3A_688, %sign3A_691 : i32
    %sign3A_693 = arith.extui %sign3A_692 : i1 to i32
    %sign3A_694 = arith.constant 0 : i32
    %sign3A_695 = arith.cmpi slt, %sub3A_688, %sign3A_694 : i32
    %sign3A_696 = arith.extui %sign3A_695 : i1 to i32
    %sign3A_697 = arith.subi %sign3A_693, %sign3A_696 : i32
    %sign3A_698 = arith.constant 0 : i32
    %sign3A_699 = arith.cmpi sgt, %jit3A_689, %sign3A_698 : i32
    %sign3A_700 = arith.extui %sign3A_699 : i1 to i32
    %sign3A_701 = arith.constant 0 : i32
    %sign3A_702 = arith.cmpi slt, %jit3A_689, %sign3A_701 : i32
    %sign3A_703 = arith.extui %sign3A_702 : i1 to i32
    %sign3A_704 = arith.subi %sign3A_700, %sign3A_703 : i32
    %ne3A_705 = arith.cmpi ne, %sign3A_697, %sign3A_704 : i32
    %rem3A_706 = arith.remsi %sub3A_688, %jit3A_689 : i32
    %ne3A_707 = arith.constant 0 : i32
    %ne3A_708 = arith.cmpi ne, %rem3A_706, %ne3A_707 : i32
    %and3A_709 = arith.andi %ne3A_705, %ne3A_708 : i1
    %sub3A_710 = arith.constant 1 : i32
    %sub3A_711 = arith.subi %div3A_690, %sub3A_710 : i32
    %select_n3A_712 = arith.select %and3A_709, %sub3A_711, %div3A_690 : i32
    %while3A_713 = arith.constant 0 : i32
    %while3A_714 = arith.constant 0 : i32
    "tpu.trace_start"() <{level = 10 : i32, message = "upd_full"}> : () -> ()
    %while3A_715 = arith.subi %select_n3A_712, %while3A_714 : i32
    %while3A_716 = arith.addi %while3A_714, %while3A_715 : i32
    %while3A_717 = arith.constant 1 : i32
    %while3A_718 = arith.divsi %while3A_715, %while3A_717 : i32
    %while3A_719 = arith.muli %while3A_718, %while3A_717 : i32
    %while3A_720 = arith.addi %while3A_714, %while3A_719 : i32
    %while3A_721 = arith.constant 1 : i32
    scf.for %while3A_723 = %while3A_714 to %while3A_720 step %while3A_721  : i32 {
      %mul3A_724 = arith.constant 160 : i32
      %mul3A_725 = arith.muli %while3A_723, %mul3A_724 : i32
      %scan3A_726 = arith.constant 0 : i32
      %scan3A_727 = arith.constant 0 : i32
      %scan3A_728 = arith.constant 10 : i32
      %scan3A_729 = arith.addi %scan3A_727, %scan3A_728 : i32
      %scan3A_730 = arith.constant 1 : i32
      scf.for %scan3A_762 = %scan3A_727 to %scan3A_729 step %scan3A_730  : i32 {
        %mul3A_763 = arith.constant 16 : i32
        %mul3A_764 = arith.muli %scan3A_762, %mul3A_763 : i32
        %add3A_765 = arith.addi %mul3A_725, %mul3A_764 : i32
        %get3A_766 = arith.index_cast %add3A_765 : i32 to index
        %get3A_767 = tpu.vector_load %arg10[%get3A_766] {strides = array<i32>} : memref<1728xi32, #tpu.memory_space<vmem>>, vector<16xi32>,
        %mul3A_768 = arith.constant 16 : i32
        %mul3A_769 = arith.muli %scan3A_762, %mul3A_768 : i32
        %swap3A = arith.index_cast %mul3A_769 : i32 to index
        %swap3A_770 = tpu.vector_load %arg17[%swap3A] {strides = array<i32>} : memref<160xi32, #tpu.memory_space<vmem>>, vector<16xi32>,
        tpu.vector_store %arg17[%swap3A], %get3A_767 {strides = array<i32>} : memref<160xi32, #tpu.memory_space<vmem>>, vector<16xi32>,
        %mul3A_771 = arith.constant 16 : i32
        %mul3A_772 = arith.muli %scan3A_762, %mul3A_771 : i32
        %add3A_773 = arith.addi %mul3A_725, %mul3A_772 : i32
        %get3A_774 = arith.index_cast %add3A_773 : i32 to index
        %get3A_775 = tpu.vector_load %arg11[%get3A_774] {strides = array<i32>} : memref<1728xi32, #tpu.memory_space<vmem>>, vector<16xi32>,
        %mul3A_776 = arith.constant 16 : i32
        %mul3A_777 = arith.muli %scan3A_762, %mul3A_776 : i32
        %swap3A_778 = arith.index_cast %mul3A_777 : i32 to index
        %swap3A_779 = tpu.vector_load %arg18[%swap3A_778] {strides = array<i32>} : memref<160xi32, #tpu.memory_space<vmem>>, vector<16xi32>,
        tpu.vector_store %arg18[%swap3A_778], %get3A_775 {strides = array<i32>} : memref<160xi32, #tpu.memory_space<vmem>>, vector<16xi32>,
        %mul3A_780 = arith.constant 16 : i32
        %mul3A_781 = arith.muli %scan3A_762, %mul3A_780 : i32
        %add3A_782 = arith.addi %mul3A_725, %mul3A_781 : i32
        %get3A_783 = arith.index_cast %add3A_782 : i32 to index
        %get3A_784 = tpu.vector_load %arg12[%get3A_783] {strides = array<i32>} : memref<1728xi32, #tpu.memory_space<vmem>>, vector<16xi32>,
        %mul3A_785 = arith.constant 16 : i32
        %mul3A_786 = arith.muli %scan3A_762, %mul3A_785 : i32
        %swap3A_787 = arith.index_cast %mul3A_786 : i32 to index
        %swap3A_788 = tpu.vector_load %arg19[%swap3A_787] {strides = array<i32>} : memref<160xi32, #tpu.memory_space<vmem>>, vector<16xi32>,
        tpu.vector_store %arg19[%swap3A_787], %get3A_784 {strides = array<i32>} : memref<160xi32, #tpu.memory_space<vmem>>, vector<16xi32>,
      }
      %scan3A_731 = arith.constant 10 : i32
      %dma_start3A_732 = arith.constant 0 : i32
      %dma_start3A_733 = arith.constant 0 : i32
      %dma_start3A_734 = tpu.memref_slice %arg2[%dma_start3A_732, %dma_start3A_733] : memref<50000x128xf32, #tpu.memory_space<hbm>> -> memref<50000x128xf32, #tpu.memory_space<hbm>>
      tpu.enqueue_indirect_dma source(%dma_start3A_734 : memref<50000x128xf32, #tpu.memory_space<hbm>>) target(%arg20 : memref<160x128xf32, #tpu.memory_space<vmem>>) offsets(%arg17 : memref<160xi32, #tpu.memory_space<vmem>>) semaphore(%arg29 : memref<!tpu.dma_semaphore, #tpu.memory_space<semaphore_mem>>)
      %dma_start3A_735 = arith.constant 0 : i32
      %dma_start3A_736 = arith.constant 0 : i32
      %dma_start3A_737 = tpu.memref_slice %arg3[%dma_start3A_735, %dma_start3A_736] : memref<16384x128xf32, #tpu.memory_space<hbm>> -> memref<16384x128xf32, #tpu.memory_space<hbm>>
      tpu.enqueue_indirect_dma source(%dma_start3A_737 : memref<16384x128xf32, #tpu.memory_space<hbm>>) target(%arg21 : memref<160x128xf32, #tpu.memory_space<vmem>>) offsets(%arg18 : memref<160xi32, #tpu.memory_space<vmem>>) semaphore(%arg30 : memref<!tpu.dma_semaphore, #tpu.memory_space<semaphore_mem>>)
      %dma_start3A_738 = arith.constant 0 : i32
      %dma_start3A_739 = arith.constant 0 : i32
      %dma_start3A_740 = tpu.memref_slice %arg3[%dma_start3A_738, %dma_start3A_739] : memref<16384x128xf32, #tpu.memory_space<hbm>> -> memref<16384x128xf32, #tpu.memory_space<hbm>>
      tpu.enqueue_indirect_dma source(%dma_start3A_740 : memref<16384x128xf32, #tpu.memory_space<hbm>>) target(%arg22 : memref<160x128xf32, #tpu.memory_space<vmem>>) offsets(%arg19 : memref<160xi32, #tpu.memory_space<vmem>>) semaphore(%arg31 : memref<!tpu.dma_semaphore, #tpu.memory_space<semaphore_mem>>)
      %dma_wait3A_741 = arith.constant 0 : i32
      %dma_wait3A_742 = arith.constant 0 : i32
      %dma_wait3A_743 = tpu.memref_slice %arg2[%dma_wait3A_741, %dma_wait3A_742] : memref<50000x128xf32, #tpu.memory_space<hbm>> -> memref<50000x128xf32, #tpu.memory_space<hbm>>
      tpu.wait_indirect_dma semaphore(%arg29 : memref<!tpu.dma_semaphore, #tpu.memory_space<semaphore_mem>>) src(%dma_wait3A_743 : memref<50000x128xf32, #tpu.memory_space<hbm>>) dst(%arg20 : memref<160x128xf32, #tpu.memory_space<vmem>>)
      %dma_wait3A_744 = arith.constant 0 : i32
      %dma_wait3A_745 = arith.constant 0 : i32
      %dma_wait3A_746 = tpu.memref_slice %arg3[%dma_wait3A_744, %dma_wait3A_745] : memref<16384x128xf32, #tpu.memory_space<hbm>> -> memref<16384x128xf32, #tpu.memory_space<hbm>>
      tpu.wait_indirect_dma semaphore(%arg30 : memref<!tpu.dma_semaphore, #tpu.memory_space<semaphore_mem>>) src(%dma_wait3A_746 : memref<16384x128xf32, #tpu.memory_space<hbm>>) dst(%arg21 : memref<160x128xf32, #tpu.memory_space<vmem>>)
      %dma_wait3A_747 = arith.constant 0 : i32
      %dma_wait3A_748 = arith.constant 0 : i32
      %dma_wait3A_749 = tpu.memref_slice %arg3[%dma_wait3A_747, %dma_wait3A_748] : memref<16384x128xf32, #tpu.memory_space<hbm>> -> memref<16384x128xf32, #tpu.memory_space<hbm>>
      tpu.wait_indirect_dma semaphore(%arg31 : memref<!tpu.dma_semaphore, #tpu.memory_space<semaphore_mem>>) src(%dma_wait3A_749 : memref<16384x128xf32, #tpu.memory_space<hbm>>) dst(%arg22 : memref<160x128xf32, #tpu.memory_space<vmem>>)
      %scan3A_750 = arith.constant 0 : i32
      %scan3A_751 = arith.constant 0 : i32
      %scan3A_752 = arith.constant 160 : i32
      %scan3A_753 = arith.addi %scan3A_751, %scan3A_752 : i32
      %scan3A_754 = arith.constant 1 : i32
      scf.for %scan3A_762 = %scan3A_751 to %scan3A_753 step %scan3A_754  : i32 {
        %get3A_763 = arith.index_cast %scan3A_762 : i32 to index
        %get3A_764 = arith.constant 0 : index
        %get3A_765 = tpu.vector_load %arg20[%get3A_763, %get3A_764] {strides = array<i32>} : memref<160x128xf32, #tpu.memory_space<vmem>>, vector<16xf32>,
        %get3A_766 = arith.index_cast %scan3A_762 : i32 to index
        %get3A_767 = arith.constant 0 : index
        %get3A_768 = tpu.vector_load %arg21[%get3A_766, %get3A_767] {strides = array<i32>} : memref<160x128xf32, #tpu.memory_space<vmem>>, vector<16xf32>,
        %mul3A_769 = arith.mulf %get3A_765, %get3A_37 : vector<16xf32>
        %mul3A_770 = arith.mulf %get3A_768, %sub3A_40 : vector<16xf32>
        %add3A_771 = arith.addf %mul3A_769, %mul3A_770 : vector<16xf32>
        %swap3A = arith.index_cast %scan3A_762 : i32 to index
        %swap3A_772 = arith.constant 0 : index
        %swap3A_773 = tpu.vector_load %arg20[%swap3A, %swap3A_772] {strides = array<i32>} : memref<160x128xf32, #tpu.memory_space<vmem>>, vector<16xf32>,
        tpu.vector_store %arg20[%swap3A, %swap3A_772], %add3A_771 {strides = array<i32>} : memref<160x128xf32, #tpu.memory_space<vmem>>, vector<16xf32>,
        %get3A_774 = arith.index_cast %scan3A_762 : i32 to index
        %get3A_775 = arith.constant 16 : index
        %get3A_776 = tpu.vector_load %arg20[%get3A_774, %get3A_775] {strides = array<i32>} : memref<160x128xf32, #tpu.memory_space<vmem>>, vector<16xf32>,
        %get3A_777 = arith.index_cast %scan3A_762 : i32 to index
        %get3A_778 = arith.constant 16 : index
        %get3A_779 = tpu.vector_load %arg21[%get3A_777, %get3A_778] {strides = array<i32>} : memref<160x128xf32, #tpu.memory_space<vmem>>, vector<16xf32>,
        %mul3A_780 = arith.mulf %get3A_776, %get3A_37 : vector<16xf32>
        %mul3A_781 = arith.mulf %get3A_779, %sub3A_40 : vector<16xf32>
        %add3A_782 = arith.addf %mul3A_780, %mul3A_781 : vector<16xf32>
        %swap3A_783 = arith.index_cast %scan3A_762 : i32 to index
        %swap3A_784 = arith.constant 16 : index
        %swap3A_785 = tpu.vector_load %arg20[%swap3A_783, %swap3A_784] {strides = array<i32>} : memref<160x128xf32, #tpu.memory_space<vmem>>, vector<16xf32>,
        tpu.vector_store %arg20[%swap3A_783, %swap3A_784], %add3A_782 {strides = array<i32>} : memref<160x128xf32, #tpu.memory_space<vmem>>, vector<16xf32>,
        %get3A_786 = arith.index_cast %scan3A_762 : i32 to index
        %get3A_787 = arith.constant 32 : index
        %get3A_788 = tpu.vector_load %arg20[%get3A_786, %get3A_787] {strides = array<i32>} : memref<160x128xf32, #tpu.memory_space<vmem>>, vector<16xf32>,
        %get3A_789 = arith.index_cast %scan3A_762 : i32 to index
        %get3A_790 = arith.constant 32 : index
        %get3A_791 = tpu.vector_load %arg21[%get3A_789, %get3A_790] {strides = array<i32>} : memref<160x128xf32, #tpu.memory_space<vmem>>, vector<16xf32>,
        %mul3A_792 = arith.mulf %get3A_788, %get3A_37 : vector<16xf32>
        %mul3A_793 = arith.mulf %get3A_791, %sub3A_40 : vector<16xf32>
        %add3A_794 = arith.addf %mul3A_792, %mul3A_793 : vector<16xf32>
        %swap3A_795 = arith.index_cast %scan3A_762 : i32 to index
        %swap3A_796 = arith.constant 32 : index
        %swap3A_797 = tpu.vector_load %arg20[%swap3A_795, %swap3A_796] {strides = array<i32>} : memref<160x128xf32, #tpu.memory_space<vmem>>, vector<16xf32>,
        tpu.vector_store %arg20[%swap3A_795, %swap3A_796], %add3A_794 {strides = array<i32>} : memref<160x128xf32, #tpu.memory_space<vmem>>, vector<16xf32>,
        %get3A_798 = arith.index_cast %scan3A_762 : i32 to index
        %get3A_799 = arith.constant 48 : index
        %get3A_800 = tpu.vector_load %arg20[%get3A_798, %get3A_799] {strides = array<i32>} : memref<160x128xf32, #tpu.memory_space<vmem>>, vector<16xf32>,
        %get3A_801 = arith.index_cast %scan3A_762 : i32 to index
        %get3A_802 = arith.constant 48 : index
        %get3A_803 = tpu.vector_load %arg21[%get3A_801, %get3A_802] {strides = array<i32>} : memref<160x128xf32, #tpu.memory_space<vmem>>, vector<16xf32>,
        %mul3A_804 = arith.mulf %get3A_800, %get3A_37 : vector<16xf32>
        %mul3A_805 = arith.mulf %get3A_803, %sub3A_40 : vector<16xf32>
        %add3A_806 = arith.addf %mul3A_804, %mul3A_805 : vector<16xf32>
        %swap3A_807 = arith.index_cast %scan3A_762 : i32 to index
        %swap3A_808 = arith.constant 48 : index
        %swap3A_809 = tpu.vector_load %arg20[%swap3A_807, %swap3A_808] {strides = array<i32>} : memref<160x128xf32, #tpu.memory_space<vmem>>, vector<16xf32>,
        tpu.vector_store %arg20[%swap3A_807, %swap3A_808], %add3A_806 {strides = array<i32>} : memref<160x128xf32, #tpu.memory_space<vmem>>, vector<16xf32>,
        %get3A_810 = arith.index_cast %scan3A_762 : i32 to index
        %get3A_811 = arith.constant 64 : index
        %get3A_812 = tpu.vector_load %arg20[%get3A_810, %get3A_811] {strides = array<i32>} : memref<160x128xf32, #tpu.memory_space<vmem>>, vector<16xf32>,
        %get3A_813 = arith.index_cast %scan3A_762 : i32 to index
        %get3A_814 = arith.constant 64 : index
        %get3A_815 = tpu.vector_load %arg22[%get3A_813, %get3A_814] {strides = array<i32>} : memref<160x128xf32, #tpu.memory_space<vmem>>, vector<16xf32>,
        %mul3A_816 = arith.mulf %get3A_812, %get3A_37 : vector<16xf32>
        %mul3A_817 = arith.mulf %get3A_815, %sub3A_40 : vector<16xf32>
        %add3A_818 = arith.addf %mul3A_816, %mul3A_817 : vector<16xf32>
        %swap3A_819 = arith.index_cast %scan3A_762 : i32 to index
        %swap3A_820 = arith.constant 64 : index
        %swap3A_821 = tpu.vector_load %arg20[%swap3A_819, %swap3A_820] {strides = array<i32>} : memref<160x128xf32, #tpu.memory_space<vmem>>, vector<16xf32>,
        tpu.vector_store %arg20[%swap3A_819, %swap3A_820], %add3A_818 {strides = array<i32>} : memref<160x128xf32, #tpu.memory_space<vmem>>, vector<16xf32>,
        %get3A_822 = arith.index_cast %scan3A_762 : i32 to index
        %get3A_823 = arith.constant 80 : index
        %get3A_824 = tpu.vector_load %arg20[%get3A_822, %get3A_823] {strides = array<i32>} : memref<160x128xf32, #tpu.memory_space<vmem>>, vector<16xf32>,
        %get3A_825 = arith.index_cast %scan3A_762 : i32 to index
        %get3A_826 = arith.constant 80 : index
        %get3A_827 = tpu.vector_load %arg22[%get3A_825, %get3A_826] {strides = array<i32>} : memref<160x128xf32, #tpu.memory_space<vmem>>, vector<16xf32>,
        %mul3A_828 = arith.mulf %get3A_824, %get3A_37 : vector<16xf32>
        %mul3A_829 = arith.mulf %get3A_827, %sub3A_40 : vector<16xf32>
        %add3A_830 = arith.addf %mul3A_828, %mul3A_829 : vector<16xf32>
        %swap3A_831 = arith.index_cast %scan3A_762 : i32 to index
        %swap3A_832 = arith.constant 80 : index
        %swap3A_833 = tpu.vector_load %arg20[%swap3A_831, %swap3A_832] {strides = array<i32>} : memref<160x128xf32, #tpu.memory_space<vmem>>, vector<16xf32>,
        tpu.vector_store %arg20[%swap3A_831, %swap3A_832], %add3A_830 {strides = array<i32>} : memref<160x128xf32, #tpu.memory_space<vmem>>, vector<16xf32>,
        %get3A_834 = arith.index_cast %scan3A_762 : i32 to index
        %get3A_835 = arith.constant 96 : index
        %get3A_836 = tpu.vector_load %arg20[%get3A_834, %get3A_835] {strides = array<i32>} : memref<160x128xf32, #tpu.memory_space<vmem>>, vector<16xf32>,
        %get3A_837 = arith.index_cast %scan3A_762 : i32 to index
        %get3A_838 = arith.constant 96 : index
        %get3A_839 = tpu.vector_load %arg22[%get3A_837, %get3A_838] {strides = array<i32>} : memref<160x128xf32, #tpu.memory_space<vmem>>, vector<16xf32>,
        %mul3A_840 = arith.mulf %get3A_836, %get3A_37 : vector<16xf32>
        %mul3A_841 = arith.mulf %get3A_839, %sub3A_40 : vector<16xf32>
        %add3A_842 = arith.addf %mul3A_840, %mul3A_841 : vector<16xf32>
        %swap3A_843 = arith.index_cast %scan3A_762 : i32 to index
        %swap3A_844 = arith.constant 96 : index
        %swap3A_845 = tpu.vector_load %arg20[%swap3A_843, %swap3A_844] {strides = array<i32>} : memref<160x128xf32, #tpu.memory_space<vmem>>, vector<16xf32>,
        tpu.vector_store %arg20[%swap3A_843, %swap3A_844], %add3A_842 {strides = array<i32>} : memref<160x128xf32, #tpu.memory_space<vmem>>, vector<16xf32>,
        %get3A_846 = arith.index_cast %scan3A_762 : i32 to index
        %get3A_847 = arith.constant 112 : index
        %get3A_848 = tpu.vector_load %arg20[%get3A_846, %get3A_847] {strides = array<i32>} : memref<160x128xf32, #tpu.memory_space<vmem>>, vector<16xf32>,
        %get3A_849 = arith.index_cast %scan3A_762 : i32 to index
        %get3A_850 = arith.constant 112 : index
        %get3A_851 = tpu.vector_load %arg22[%get3A_849, %get3A_850] {strides = array<i32>} : memref<160x128xf32, #tpu.memory_space<vmem>>, vector<16xf32>,
        %mul3A_852 = arith.mulf %get3A_848, %get3A_37 : vector<16xf32>
        %mul3A_853 = arith.mulf %get3A_851, %sub3A_40 : vector<16xf32>
        %add3A_854 = arith.addf %mul3A_852, %mul3A_853 : vector<16xf32>
        %swap3A_855 = arith.index_cast %scan3A_762 : i32 to index
        %swap3A_856 = arith.constant 112 : index
        %swap3A_857 = tpu.vector_load %arg20[%swap3A_855, %swap3A_856] {strides = array<i32>} : memref<160x128xf32, #tpu.memory_space<vmem>>, vector<16xf32>,
        tpu.vector_store %arg20[%swap3A_855, %swap3A_856], %add3A_854 {strides = array<i32>} : memref<160x128xf32, #tpu.memory_space<vmem>>, vector<16xf32>,
      }
      %scan3A_755 = arith.constant 160 : i32
      %dma_start3A_756 = arith.constant 0 : i32
      %dma_start3A_757 = arith.constant 0 : i32
      %dma_start3A_758 = tpu.memref_slice %arg6[%dma_start3A_756, %dma_start3A_757] : memref<50000x128xf32, #tpu.memory_space<hbm>> -> memref<50000x128xf32, #tpu.memory_space<hbm>>
      tpu.enqueue_indirect_dma source(%arg20 : memref<160x128xf32, #tpu.memory_space<vmem>>) target(%dma_start3A_758 : memref<50000x128xf32, #tpu.memory_space<hbm>>) offsets(%arg17 : memref<160xi32, #tpu.memory_space<vmem>>) semaphore(%arg29 : memref<!tpu.dma_semaphore, #tpu.memory_space<semaphore_mem>>)
      %dma_wait3A_759 = arith.constant 0 : i32
      %dma_wait3A_760 = arith.constant 0 : i32
      %dma_wait3A_761 = tpu.memref_slice %arg6[%dma_wait3A_759, %dma_wait3A_760] : memref<50000x128xf32, #tpu.memory_space<hbm>> -> memref<50000x128xf32, #tpu.memory_space<hbm>>
      tpu.wait_indirect_dma semaphore(%arg29 : memref<!tpu.dma_semaphore, #tpu.memory_space<semaphore_mem>>) src(%arg20 : memref<160x128xf32, #tpu.memory_space<vmem>>) dst(%dma_wait3A_761 : memref<50000x128xf32, #tpu.memory_space<hbm>>)
    }
    %while3A_722 = arith.constant 1 : i32
    scf.for %while3A_723 = %while3A_720 to %while3A_716 step %while3A_722  : i32 {
      %mul3A_724 = arith.constant 160 : i32
      %mul3A_725 = arith.muli %while3A_723, %mul3A_724 : i32
      %scan3A_726 = arith.constant 0 : i32
      %scan3A_727 = arith.constant 0 : i32
      %scan3A_728 = arith.constant 10 : i32
      %scan3A_729 = arith.addi %scan3A_727, %scan3A_728 : i32
      %scan3A_730 = arith.constant 1 : i32
      scf.for %scan3A_762 = %scan3A_727 to %scan3A_729 step %scan3A_730  : i32 {
        %mul3A_763 = arith.constant 16 : i32
        %mul3A_764 = arith.muli %scan3A_762, %mul3A_763 : i32
        %add3A_765 = arith.addi %mul3A_725, %mul3A_764 : i32
        %get3A_766 = arith.index_cast %add3A_765 : i32 to index
        %get3A_767 = tpu.vector_load %arg10[%get3A_766] {strides = array<i32>} : memref<1728xi32, #tpu.memory_space<vmem>>, vector<16xi32>,
        %mul3A_768 = arith.constant 16 : i32
        %mul3A_769 = arith.muli %scan3A_762, %mul3A_768 : i32
        %swap3A = arith.index_cast %mul3A_769 : i32 to index
        %swap3A_770 = tpu.vector_load %arg17[%swap3A] {strides = array<i32>} : memref<160xi32, #tpu.memory_space<vmem>>, vector<16xi32>,
        tpu.vector_store %arg17[%swap3A], %get3A_767 {strides = array<i32>} : memref<160xi32, #tpu.memory_space<vmem>>, vector<16xi32>,
        %mul3A_771 = arith.constant 16 : i32
        %mul3A_772 = arith.muli %scan3A_762, %mul3A_771 : i32
        %add3A_773 = arith.addi %mul3A_725, %mul3A_772 : i32
        %get3A_774 = arith.index_cast %add3A_773 : i32 to index
        %get3A_775 = tpu.vector_load %arg11[%get3A_774] {strides = array<i32>} : memref<1728xi32, #tpu.memory_space<vmem>>, vector<16xi32>,
        %mul3A_776 = arith.constant 16 : i32
        %mul3A_777 = arith.muli %scan3A_762, %mul3A_776 : i32
        %swap3A_778 = arith.index_cast %mul3A_777 : i32 to index
        %swap3A_779 = tpu.vector_load %arg18[%swap3A_778] {strides = array<i32>} : memref<160xi32, #tpu.memory_space<vmem>>, vector<16xi32>,
        tpu.vector_store %arg18[%swap3A_778], %get3A_775 {strides = array<i32>} : memref<160xi32, #tpu.memory_space<vmem>>, vector<16xi32>,
        %mul3A_780 = arith.constant 16 : i32
        %mul3A_781 = arith.muli %scan3A_762, %mul3A_780 : i32
        %add3A_782 = arith.addi %mul3A_725, %mul3A_781 : i32
        %get3A_783 = arith.index_cast %add3A_782 : i32 to index
        %get3A_784 = tpu.vector_load %arg12[%get3A_783] {strides = array<i32>} : memref<1728xi32, #tpu.memory_space<vmem>>, vector<16xi32>,
        %mul3A_785 = arith.constant 16 : i32
        %mul3A_786 = arith.muli %scan3A_762, %mul3A_785 : i32
        %swap3A_787 = arith.index_cast %mul3A_786 : i32 to index
        %swap3A_788 = tpu.vector_load %arg19[%swap3A_787] {strides = array<i32>} : memref<160xi32, #tpu.memory_space<vmem>>, vector<16xi32>,
        tpu.vector_store %arg19[%swap3A_787], %get3A_784 {strides = array<i32>} : memref<160xi32, #tpu.memory_space<vmem>>, vector<16xi32>,
      }
      %scan3A_731 = arith.constant 10 : i32
      %dma_start3A_732 = arith.constant 0 : i32
      %dma_start3A_733 = arith.constant 0 : i32
      %dma_start3A_734 = tpu.memref_slice %arg2[%dma_start3A_732, %dma_start3A_733] : memref<50000x128xf32, #tpu.memory_space<hbm>> -> memref<50000x128xf32, #tpu.memory_space<hbm>>
      tpu.enqueue_indirect_dma source(%dma_start3A_734 : memref<50000x128xf32, #tpu.memory_space<hbm>>) target(%arg20 : memref<160x128xf32, #tpu.memory_space<vmem>>) offsets(%arg17 : memref<160xi32, #tpu.memory_space<vmem>>) semaphore(%arg29 : memref<!tpu.dma_semaphore, #tpu.memory_space<semaphore_mem>>)
      %dma_start3A_735 = arith.constant 0 : i32
      %dma_start3A_736 = arith.constant 0 : i32
      %dma_start3A_737 = tpu.memref_slice %arg3[%dma_start3A_735, %dma_start3A_736] : memref<16384x128xf32, #tpu.memory_space<hbm>> -> memref<16384x128xf32, #tpu.memory_space<hbm>>
      tpu.enqueue_indirect_dma source(%dma_start3A_737 : memref<16384x128xf32, #tpu.memory_space<hbm>>) target(%arg21 : memref<160x128xf32, #tpu.memory_space<vmem>>) offsets(%arg18 : memref<160xi32, #tpu.memory_space<vmem>>) semaphore(%arg30 : memref<!tpu.dma_semaphore, #tpu.memory_space<semaphore_mem>>)
      %dma_start3A_738 = arith.constant 0 : i32
      %dma_start3A_739 = arith.constant 0 : i32
      %dma_start3A_740 = tpu.memref_slice %arg3[%dma_start3A_738, %dma_start3A_739] : memref<16384x128xf32, #tpu.memory_space<hbm>> -> memref<16384x128xf32, #tpu.memory_space<hbm>>
      tpu.enqueue_indirect_dma source(%dma_start3A_740 : memref<16384x128xf32, #tpu.memory_space<hbm>>) target(%arg22 : memref<160x128xf32, #tpu.memory_space<vmem>>) offsets(%arg19 : memref<160xi32, #tpu.memory_space<vmem>>) semaphore(%arg31 : memref<!tpu.dma_semaphore, #tpu.memory_space<semaphore_mem>>)
      %dma_wait3A_741 = arith.constant 0 : i32
      %dma_wait3A_742 = arith.constant 0 : i32
      %dma_wait3A_743 = tpu.memref_slice %arg2[%dma_wait3A_741, %dma_wait3A_742] : memref<50000x128xf32, #tpu.memory_space<hbm>> -> memref<50000x128xf32, #tpu.memory_space<hbm>>
      tpu.wait_indirect_dma semaphore(%arg29 : memref<!tpu.dma_semaphore, #tpu.memory_space<semaphore_mem>>) src(%dma_wait3A_743 : memref<50000x128xf32, #tpu.memory_space<hbm>>) dst(%arg20 : memref<160x128xf32, #tpu.memory_space<vmem>>)
      %dma_wait3A_744 = arith.constant 0 : i32
      %dma_wait3A_745 = arith.constant 0 : i32
      %dma_wait3A_746 = tpu.memref_slice %arg3[%dma_wait3A_744, %dma_wait3A_745] : memref<16384x128xf32, #tpu.memory_space<hbm>> -> memref<16384x128xf32, #tpu.memory_space<hbm>>
      tpu.wait_indirect_dma semaphore(%arg30 : memref<!tpu.dma_semaphore, #tpu.memory_space<semaphore_mem>>) src(%dma_wait3A_746 : memref<16384x128xf32, #tpu.memory_space<hbm>>) dst(%arg21 : memref<160x128xf32, #tpu.memory_space<vmem>>)
      %dma_wait3A_747 = arith.constant 0 : i32
      %dma_wait3A_748 = arith.constant 0 : i32
      %dma_wait3A_749 = tpu.memref_slice %arg3[%dma_wait3A_747, %dma_wait3A_748] : memref<16384x128xf32, #tpu.memory_space<hbm>> -> memref<16384x128xf32, #tpu.memory_space<hbm>>
      tpu.wait_indirect_dma semaphore(%arg31 : memref<!tpu.dma_semaphore, #tpu.memory_space<semaphore_mem>>) src(%dma_wait3A_749 : memref<16384x128xf32, #tpu.memory_space<hbm>>) dst(%arg22 : memref<160x128xf32, #tpu.memory_space<vmem>>)
      %scan3A_750 = arith.constant 0 : i32
      %scan3A_751 = arith.constant 0 : i32
      %scan3A_752 = arith.constant 160 : i32
      %scan3A_753 = arith.addi %scan3A_751, %scan3A_752 : i32
      %scan3A_754 = arith.constant 1 : i32
      scf.for %scan3A_762 = %scan3A_751 to %scan3A_753 step %scan3A_754  : i32 {
        %get3A_763 = arith.index_cast %scan3A_762 : i32 to index
        %get3A_764 = arith.constant 0 : index
        %get3A_765 = tpu.vector_load %arg20[%get3A_763, %get3A_764] {strides = array<i32>} : memref<160x128xf32, #tpu.memory_space<vmem>>, vector<16xf32>,
        %get3A_766 = arith.index_cast %scan3A_762 : i32 to index
        %get3A_767 = arith.constant 0 : index
        %get3A_768 = tpu.vector_load %arg21[%get3A_766, %get3A_767] {strides = array<i32>} : memref<160x128xf32, #tpu.memory_space<vmem>>, vector<16xf32>,
        %mul3A_769 = arith.mulf %get3A_765, %get3A_37 : vector<16xf32>
        %mul3A_770 = arith.mulf %get3A_768, %sub3A_40 : vector<16xf32>
        %add3A_771 = arith.addf %mul3A_769, %mul3A_770 : vector<16xf32>
        %swap3A = arith.index_cast %scan3A_762 : i32 to index
        %swap3A_772 = arith.constant 0 : index
        %swap3A_773 = tpu.vector_load %arg20[%swap3A, %swap3A_772] {strides = array<i32>} : memref<160x128xf32, #tpu.memory_space<vmem>>, vector<16xf32>,
        tpu.vector_store %arg20[%swap3A, %swap3A_772], %add3A_771 {strides = array<i32>} : memref<160x128xf32, #tpu.memory_space<vmem>>, vector<16xf32>,
        %get3A_774 = arith.index_cast %scan3A_762 : i32 to index
        %get3A_775 = arith.constant 16 : index
        %get3A_776 = tpu.vector_load %arg20[%get3A_774, %get3A_775] {strides = array<i32>} : memref<160x128xf32, #tpu.memory_space<vmem>>, vector<16xf32>,
        %get3A_777 = arith.index_cast %scan3A_762 : i32 to index
        %get3A_778 = arith.constant 16 : index
        %get3A_779 = tpu.vector_load %arg21[%get3A_777, %get3A_778] {strides = array<i32>} : memref<160x128xf32, #tpu.memory_space<vmem>>, vector<16xf32>,
        %mul3A_780 = arith.mulf %get3A_776, %get3A_37 : vector<16xf32>
        %mul3A_781 = arith.mulf %get3A_779, %sub3A_40 : vector<16xf32>
        %add3A_782 = arith.addf %mul3A_780, %mul3A_781 : vector<16xf32>
        %swap3A_783 = arith.index_cast %scan3A_762 : i32 to index
        %swap3A_784 = arith.constant 16 : index
        %swap3A_785 = tpu.vector_load %arg20[%swap3A_783, %swap3A_784] {strides = array<i32>} : memref<160x128xf32, #tpu.memory_space<vmem>>, vector<16xf32>,
        tpu.vector_store %arg20[%swap3A_783, %swap3A_784], %add3A_782 {strides = array<i32>} : memref<160x128xf32, #tpu.memory_space<vmem>>, vector<16xf32>,
        %get3A_786 = arith.index_cast %scan3A_762 : i32 to index
        %get3A_787 = arith.constant 32 : index
        %get3A_788 = tpu.vector_load %arg20[%get3A_786, %get3A_787] {strides = array<i32>} : memref<160x128xf32, #tpu.memory_space<vmem>>, vector<16xf32>,
        %get3A_789 = arith.index_cast %scan3A_762 : i32 to index
        %get3A_790 = arith.constant 32 : index
        %get3A_791 = tpu.vector_load %arg21[%get3A_789, %get3A_790] {strides = array<i32>} : memref<160x128xf32, #tpu.memory_space<vmem>>, vector<16xf32>,
        %mul3A_792 = arith.mulf %get3A_788, %get3A_37 : vector<16xf32>
        %mul3A_793 = arith.mulf %get3A_791, %sub3A_40 : vector<16xf32>
        %add3A_794 = arith.addf %mul3A_792, %mul3A_793 : vector<16xf32>
        %swap3A_795 = arith.index_cast %scan3A_762 : i32 to index
        %swap3A_796 = arith.constant 32 : index
        %swap3A_797 = tpu.vector_load %arg20[%swap3A_795, %swap3A_796] {strides = array<i32>} : memref<160x128xf32, #tpu.memory_space<vmem>>, vector<16xf32>,
        tpu.vector_store %arg20[%swap3A_795, %swap3A_796], %add3A_794 {strides = array<i32>} : memref<160x128xf32, #tpu.memory_space<vmem>>, vector<16xf32>,
        %get3A_798 = arith.index_cast %scan3A_762 : i32 to index
        %get3A_799 = arith.constant 48 : index
        %get3A_800 = tpu.vector_load %arg20[%get3A_798, %get3A_799] {strides = array<i32>} : memref<160x128xf32, #tpu.memory_space<vmem>>, vector<16xf32>,
        %get3A_801 = arith.index_cast %scan3A_762 : i32 to index
        %get3A_802 = arith.constant 48 : index
        %get3A_803 = tpu.vector_load %arg21[%get3A_801, %get3A_802] {strides = array<i32>} : memref<160x128xf32, #tpu.memory_space<vmem>>, vector<16xf32>,
        %mul3A_804 = arith.mulf %get3A_800, %get3A_37 : vector<16xf32>
        %mul3A_805 = arith.mulf %get3A_803, %sub3A_40 : vector<16xf32>
        %add3A_806 = arith.addf %mul3A_804, %mul3A_805 : vector<16xf32>
        %swap3A_807 = arith.index_cast %scan3A_762 : i32 to index
        %swap3A_808 = arith.constant 48 : index
        %swap3A_809 = tpu.vector_load %arg20[%swap3A_807, %swap3A_808] {strides = array<i32>} : memref<160x128xf32, #tpu.memory_space<vmem>>, vector<16xf32>,
        tpu.vector_store %arg20[%swap3A_807, %swap3A_808], %add3A_806 {strides = array<i32>} : memref<160x128xf32, #tpu.memory_space<vmem>>, vector<16xf32>,
        %get3A_810 = arith.index_cast %scan3A_762 : i32 to index
        %get3A_811 = arith.constant 64 : index
        %get3A_812 = tpu.vector_load %arg20[%get3A_810, %get3A_811] {strides = array<i32>} : memref<160x128xf32, #tpu.memory_space<vmem>>, vector<16xf32>,
        %get3A_813 = arith.index_cast %scan3A_762 : i32 to index
        %get3A_814 = arith.constant 64 : index
        %get3A_815 = tpu.vector_load %arg22[%get3A_813, %get3A_814] {strides = array<i32>} : memref<160x128xf32, #tpu.memory_space<vmem>>, vector<16xf32>,
        %mul3A_816 = arith.mulf %get3A_812, %get3A_37 : vector<16xf32>
        %mul3A_817 = arith.mulf %get3A_815, %sub3A_40 : vector<16xf32>
        %add3A_818 = arith.addf %mul3A_816, %mul3A_817 : vector<16xf32>
        %swap3A_819 = arith.index_cast %scan3A_762 : i32 to index
        %swap3A_820 = arith.constant 64 : index
        %swap3A_821 = tpu.vector_load %arg20[%swap3A_819, %swap3A_820] {strides = array<i32>} : memref<160x128xf32, #tpu.memory_space<vmem>>, vector<16xf32>,
        tpu.vector_store %arg20[%swap3A_819, %swap3A_820], %add3A_818 {strides = array<i32>} : memref<160x128xf32, #tpu.memory_space<vmem>>, vector<16xf32>,
        %get3A_822 = arith.index_cast %scan3A_762 : i32 to index
        %get3A_823 = arith.constant 80 : index
        %get3A_824 = tpu.vector_load %arg20[%get3A_822, %get3A_823] {strides = array<i32>} : memref<160x128xf32, #tpu.memory_space<vmem>>, vector<16xf32>,
        %get3A_825 = arith.index_cast %scan3A_762 : i32 to index
        %get3A_826 = arith.constant 80 : index
        %get3A_827 = tpu.vector_load %arg22[%get3A_825, %get3A_826] {strides = array<i32>} : memref<160x128xf32, #tpu.memory_space<vmem>>, vector<16xf32>,
        %mul3A_828 = arith.mulf %get3A_824, %get3A_37 : vector<16xf32>
        %mul3A_829 = arith.mulf %get3A_827, %sub3A_40 : vector<16xf32>
        %add3A_830 = arith.addf %mul3A_828, %mul3A_829 : vector<16xf32>
        %swap3A_831 = arith.index_cast %scan3A_762 : i32 to index
        %swap3A_832 = arith.constant 80 : index
        %swap3A_833 = tpu.vector_load %arg20[%swap3A_831, %swap3A_832] {strides = array<i32>} : memref<160x128xf32, #tpu.memory_space<vmem>>, vector<16xf32>,
        tpu.vector_store %arg20[%swap3A_831, %swap3A_832], %add3A_830 {strides = array<i32>} : memref<160x128xf32, #tpu.memory_space<vmem>>, vector<16xf32>,
        %get3A_834 = arith.index_cast %scan3A_762 : i32 to index
        %get3A_835 = arith.constant 96 : index
        %get3A_836 = tpu.vector_load %arg20[%get3A_834, %get3A_835] {strides = array<i32>} : memref<160x128xf32, #tpu.memory_space<vmem>>, vector<16xf32>,
        %get3A_837 = arith.index_cast %scan3A_762 : i32 to index
        %get3A_838 = arith.constant 96 : index
        %get3A_839 = tpu.vector_load %arg22[%get3A_837, %get3A_838] {strides = array<i32>} : memref<160x128xf32, #tpu.memory_space<vmem>>, vector<16xf32>,
        %mul3A_840 = arith.mulf %get3A_836, %get3A_37 : vector<16xf32>
        %mul3A_841 = arith.mulf %get3A_839, %sub3A_40 : vector<16xf32>
        %add3A_842 = arith.addf %mul3A_840, %mul3A_841 : vector<16xf32>
        %swap3A_843 = arith.index_cast %scan3A_762 : i32 to index
        %swap3A_844 = arith.constant 96 : index
        %swap3A_845 = tpu.vector_load %arg20[%swap3A_843, %swap3A_844] {strides = array<i32>} : memref<160x128xf32, #tpu.memory_space<vmem>>, vector<16xf32>,
        tpu.vector_store %arg20[%swap3A_843, %swap3A_844], %add3A_842 {strides = array<i32>} : memref<160x128xf32, #tpu.memory_space<vmem>>, vector<16xf32>,
        %get3A_846 = arith.index_cast %scan3A_762 : i32 to index
        %get3A_847 = arith.constant 112 : index
        %get3A_848 = tpu.vector_load %arg20[%get3A_846, %get3A_847] {strides = array<i32>} : memref<160x128xf32, #tpu.memory_space<vmem>>, vector<16xf32>,
        %get3A_849 = arith.index_cast %scan3A_762 : i32 to index
        %get3A_850 = arith.constant 112 : index
        %get3A_851 = tpu.vector_load %arg22[%get3A_849, %get3A_850] {strides = array<i32>} : memref<160x128xf32, #tpu.memory_space<vmem>>, vector<16xf32>,
        %mul3A_852 = arith.mulf %get3A_848, %get3A_37 : vector<16xf32>
        %mul3A_853 = arith.mulf %get3A_851, %sub3A_40 : vector<16xf32>
        %add3A_854 = arith.addf %mul3A_852, %mul3A_853 : vector<16xf32>
        %swap3A_855 = arith.index_cast %scan3A_762 : i32 to index
        %swap3A_856 = arith.constant 112 : index
        %swap3A_857 = tpu.vector_load %arg20[%swap3A_855, %swap3A_856] {strides = array<i32>} : memref<160x128xf32, #tpu.memory_space<vmem>>, vector<16xf32>,
        tpu.vector_store %arg20[%swap3A_855, %swap3A_856], %add3A_854 {strides = array<i32>} : memref<160x128xf32, #tpu.memory_space<vmem>>, vector<16xf32>,
      }
      %scan3A_755 = arith.constant 160 : i32
      %dma_start3A_756 = arith.constant 0 : i32
      %dma_start3A_757 = arith.constant 0 : i32
      %dma_start3A_758 = tpu.memref_slice %arg6[%dma_start3A_756, %dma_start3A_757] : memref<50000x128xf32, #tpu.memory_space<hbm>> -> memref<50000x128xf32, #tpu.memory_space<hbm>>
      tpu.enqueue_indirect_dma source(%arg20 : memref<160x128xf32, #tpu.memory_space<vmem>>) target(%dma_start3A_758 : memref<50000x128xf32, #tpu.memory_space<hbm>>) offsets(%arg17 : memref<160xi32, #tpu.memory_space<vmem>>) semaphore(%arg29 : memref<!tpu.dma_semaphore, #tpu.memory_space<semaphore_mem>>)
      %dma_wait3A_759 = arith.constant 0 : i32
      %dma_wait3A_760 = arith.constant 0 : i32
      %dma_wait3A_761 = tpu.memref_slice %arg6[%dma_wait3A_759, %dma_wait3A_760] : memref<50000x128xf32, #tpu.memory_space<hbm>> -> memref<50000x128xf32, #tpu.memory_space<hbm>>
      tpu.wait_indirect_dma semaphore(%arg29 : memref<!tpu.dma_semaphore, #tpu.memory_space<semaphore_mem>>) src(%arg20 : memref<160x128xf32, #tpu.memory_space<vmem>>) dst(%dma_wait3A_761 : memref<50000x128xf32, #tpu.memory_space<hbm>>)
    }
    "tpu.trace_stop"() : () -> ()
    return
  }
}

</mosaic_0001>

<sc_bundles>
// kernel: kernel.3.cloned.1.call-start
scs
__scs_entry_jumppad:
0x0: {  	(pc) =	sbr.rel $0x88, $3  }
0x1: {  	(tag) =	ssettag $0x0;
	lr =	simm.s32 $0x1  }
0x2: {  	[smem:$0x3F9D] =	sst lr;
	_ =	strace $0xD0000000  }
0x3: {  	_ = 	snop  }
0x4: {  	_ = 	snop  }
0x5: {  	_ = 	snop  }
0x6: {  	_ = 	snop  }
0x7: {  	_ = 	snop  }
__scs_overlays_trampoline_lowered:
0x8: {  	[smem:$0x3FAC] =	sst s0  }
0x9: {  	[smem:$0x3FAD] =	sst s1  }
0xa: {  	[smem:$0x3FAE] =	sst s2  }
0xb: {  	[smem:$0x3FAF] =	sst s3  }
0xc: {  	[smem:$0x3FB0] =	sst s4  }
0xd: {  	[smem:$0x3FB1] =	sst s5  }
0xe: {  	[smem:$0x3FB2] =	sst s6  }
0xf: {  	[smem:$0x3FB3] =	sst s7  }
0x10: {  	[smem:$0x3FB4] =	sst s8  }
0x11: {  	[smem:$0x3FB5] =	sst s9;
	s0 =	simm.s32 @!p0 $0x0  }
0x12: {  	s1 =	sld [smem:$0x3F9B];
	s0 =	simm.s32 @p0 $0x1  }
0x13: {  	[smem:$0x3FB6] =	sst s0;
	s0 =	simm.s32 @!p1 $0x0  }
0x14: {  	s2 =	sld [smem:$0x3F9A];
	s0 =	simm.s32 @p1 $0x1  }
0x15: {  	[smem:$0x3FB7] =	sst s0;
	s0 =	simm.s32 @!p2 $0x0  }
0x16: {  	s3 =	sld [smem:$0x3FDB];
	s0 =	simm.s32 @p2 $0x1  }
0x17: {  	s4 =	simm.s32 $0x1BF5;
	[smem:$0x3FB9] =	sst s0  }
0x18: {  	s0 =	sld [smem:$0x3F9C];
	_ =	swait.ge [sflag:s4], $0x0  }
0x19: {  	s7 =	sld [smem:$0x3F9D]  }
0x1a: {  	s8 =	sadd.s32 $0xFFFFE003, lr  }
0x1b: {  	s9 =	sadd.s32 $0xFFFFFEF7, lr;
	s5 =	simm.s32 $0xFFFFFFFF;
	p2 =	slt.u32 s8, $0xFFFFF086  }
0x1c: {  	p1 =	slt.u32 s9, $0xF7A;
	s5 =	simm.s32 @!p2 $0x0  }
0x1d: {  	s5 =	simm.s32 @p1 $0x1;
	p0 =	seq.s32 s7, s2  }
0x1e: {  	s7 =	smul.u32 @!p0 $0xF7A, s2;
	p2 =	seq.s32 @!p0 s5, $0x0  }
0x1f: {  	s9 =	smul.u32 $0xF7A, s1;
	s8 =	simm.s32 @!p0 $0x1BF5;
	p2 =	por !p2, p0  }
0x20: {  	[sflag:s8] =	ssyncset.s32 @!p0 $0xFFFFF086;
	s6 =	sadd.s32 @!p0 s3, s7;
	s7 =	simm.s32 @!p0 $0x108  }
0x21: {  	s3 =	sadd.s32 s3, s9;
	s6 =	sadd.s32 @!p0 $0x88, s6;
	s7 =	simm.s32 @p2 $0x1082  }
0x22: {  	[simem:s7], [sflag:s8] =	dma.local @!p0 [hbm:s6], $0xF7A  }
0x23: {  	s9 =	sor.u32 $0xD0000000, s2;
	s6 =	simm.s32 $0x108;
	_ =	swait.ge @!p0 [sflag:s8], $0x0  }
0x24: {  	s3 =	sadd.s32 $0x88, s3;
	s6 =	simm.s32 @!p1 $0x1082;
	[sflag:s4] =	ssyncset.s32 $0xFFFFF086  }
0x25: {  	[simem:s6], [sflag:s4] =	dma.local [hbm:s3], $0xF7A  }
0x26: {  	[smem:$0x3F9D] =	sst s1;
	(tag) =	ssettag s2;
	_ =	strace s9  }
0x27: {  	s1 =	sld [smem:$0x3FAD]  }
0x28: {  	s2 =	sld [smem:$0x3FAE]  }
0x29: {  	s4 =	sld [smem:$0x3FB0]  }
0x2a: {  	p0 =	seq.s32 s5, $0x0;
	s5 =	sld [smem:$0x3FB1]  }
0x2b: {  	s6 =	sld [smem:$0x3FB2]  }
0x2c: {  	s7 =	sld [smem:$0x3FB3]  }
0x2d: {  	s3 =	simm.s32 $0x108;
	s8 =	sld [smem:$0x3FB4]  }
0x2e: {  	s3 =	simm.s32 @!p0 $0x1082;
	s9 =	sld [smem:$0x3FB5]  }
0x2f: {  	lr =	sadd.s32 s0, s3;
	s0 =	sld [smem:$0x3FAC]  }
0x30: {  	s3 =	sld [smem:$0x3FAF]  }
0x31: {  	[smem:$0x3FB8] =	sst s10  }
0x32: {  	s10 =	sld [smem:$0x3FB6];
	_ =	sdelay $0x3  }
0x33: {  	p0 =	seq.s32 s10, $0x1;
	s10 =	sld [smem:$0x3FB8];
	_ =	sdelay $0x3  }
0x34: {  	[smem:$0x3FB8] =	sst s10  }
0x35: {  	s10 =	sld [smem:$0x3FB7];
	_ =	sdelay $0x3  }
0x36: {  	p1 =	seq.s32 s10, $0x1;
	s10 =	sld [smem:$0x3FB8];
	_ =	sdelay $0x3  }
0x37: {  	[smem:$0x3FB8] =	sst s10  }
0x38: {  	s10 =	sld [smem:$0x3FB9]  }
0x39: {  	_ = 	snop;
	(pc) =	sbr.ind lr, $3  }
0x3a: {  	_ = 	snop  }
0x3b: {  	_ = 	snop  }
0x3c: {  	p2 =	seq.s32 s10, $0x1;
	s10 =	sld [smem:$0x3FB8]  }
0x3d: {  	_ =	shalt  }
0x3e: {  	_ =	shalt  }
0x3f: {  	_ =	shalt  }
0x40: {  	_ =	shalt  }
0x41: {  	_ =	shalt  }
0x42: {  	_ =	shalt  }
0x43: {  	_ =	shalt  }
0x44: {  	_ =	shalt  }
0x45: {  	_ =	shalt  }
0x46: {  	_ =	shalt  }
0x47: {  	_ =	shalt  }
0x48: {  	_ =	shalt  }
0x49: {  	_ =	shalt  }
0x4a: {  	_ =	shalt  }
0x4b: {  	_ =	shalt  }
0x4c: {  	_ =	shalt  }
0x4d: {  	_ =	shalt  }
0x4e: {  	_ =	shalt  }
0x4f: {  	_ =	shalt  }
0x50: {  	_ =	shalt  }
0x51: {  	_ =	shalt  }
0x52: {  	_ =	shalt  }
0x53: {  	_ =	shalt  }
0x54: {  	_ =	shalt  }
0x55: {  	_ =	shalt  }
0x56: {  	_ =	shalt  }
0x57: {  	_ =	shalt  }
0x58: {  	_ =	shalt  }
0x59: {  	_ =	shalt  }
0x5a: {  	_ =	shalt  }
0x5b: {  	_ =	shalt  }
0x5c: {  	_ =	shalt  }
0x5d: {  	_ =	shalt  }
0x5e: {  	_ =	shalt  }
0x5f: {  	_ =	shalt  }
0x60: {  	_ =	shalt  }
0x61: {  	_ =	shalt  }
0x62: {  	_ =	shalt  }
0x63: {  	_ =	shalt  }
0x64: {  	_ =	shalt  }
0x65: {  	_ =	shalt  }
0x66: {  	_ =	shalt  }
0x67: {  	_ =	shalt  }
0x68: {  	_ =	shalt  }
0x69: {  	_ =	shalt  }
0x6a: {  	_ =	shalt  }
0x6b: {  	_ =	shalt  }
0x6c: {  	_ =	shalt  }
0x6d: {  	_ =	shalt  }
0x6e: {  	_ =	shalt  }
0x6f: {  	_ =	shalt  }
0x70: {  	_ =	shalt  }
0x71: {  	_ =	shalt  }
0x72: {  	_ =	shalt  }
0x73: {  	_ =	shalt  }
0x74: {  	_ =	shalt  }
0x75: {  	_ =	shalt  }
0x76: {  	_ =	shalt  }
0x77: {  	_ =	shalt  }
0x78: {  	_ =	shalt  }
0x79: {  	_ =	shalt  }
0x7a: {  	_ =	shalt  }
0x7b: {  	_ =	shalt  }
0x7c: {  	_ =	shalt  }
0x7d: {  	_ =	shalt  }
0x7e: {  	_ =	shalt  }
0x7f: {  	_ =	shalt  }
0x80: {  	_ =	shalt  }
0x81: {  	_ =	shalt  }
0x82: {  	_ =	shalt  }
0x83: {  	_ =	shalt  }
0x84: {  	_ =	shalt  }
0x85: {  	_ =	shalt  }
0x86: {  	_ =	shalt  }
0x87: {  	_ =	shalt  }
.Lfunc_end0:
.L_simem_size_0:
called_computation_lowered:
.L_overlay_start_0:
0x88: {  	s2 =	sld [smem:$0x3FD9]  }
0x89: {  	s3 =	sld [smem:$0x3FFE];
	_ =	sdelay $0x1  }
0x8a: {  	s1 =	srdreg.scid  }
0x8b: {  	s0 =	sand.u32 $0x1, s1  }
0x8c: {  	s17 =	sshll.u32 s0, $0xA;
	s2 =	sadd.s32 s3, s2  }
0x8d: {  	s2 =	sadd.s32 s2, s17  }
0x8e: {  	[smem:$0x3FC4] =	sst s2  }
0x8f: {  	_ = 	snop  }
0x90: {  	s2 =	sld [smem:$0x3FC7]  }
0x91: {  	s18 =	sld [smem:$0x3FD0];
	(tm) =	ssettm $0x1  }
0x92: {  	s4 =	sld [smem:$0x3FFB];
	_ =	sdelay $0x3  }
0x93: {  	_ =	strace s4  }
0x94: {  	s4 =	sld [smem:$0x3FFC];
	_ =	sdelay $0x3  }
0x95: {  	_ =	strace s4  }
0x96: {  	s4 =	sld [smem:$0x3FFD];
	_ =	sdelay $0x3  }
0x97: {  	_ =	strace s4  }
0x98: {  	_ =	strace $0x8FFFFFFF  }
0x99: {  	s19 =	sld [smem:$0x3FDB];
	_ =	sdelay $0x1  }
0x9a: {  	s5 =	simm.s32 $_scs_section_size  }
0x9b: {  	s6 =	simm.s32 $_size__tile_overlayer_lowered;
	s7 =	simm.s32 $_tile_overlayer_lowered  }
0x9c: {  	s22 =	simm.s32 $0x1BFF;
	s21 =	sshll.u32 s7, $0x1;
	s4 =	sadd.s32 s5, s19  }
0x9d: {  	s8 =	simm.s32 $0x0;
	s20 =	sshll.u32 s6, $0x1;
	s6 =	sadd.s32 s21, s4  }
0x9e: {  	[timem:s8], [sflag:s22] =	dma.local [hbm:s6], s20  }
0x9f: {  	_ =	swait.ge [sflag:s22], s20  }
0xa0: {  	s5 =	ssub.s32 $0x0, s20;
	[sflag:s22] =	ssyncset.done $0x0  }
0xa1: {  	[sflag:s22] =	ssyncadd.s32 s5;
	_ =	sdelay $0x1  }
0xa2: {  	s23 =	simm.s32 $0x1B8B  }
0xa3: {  	_ =	swait.ge [sflag:s23], $0x1  }
0xa4: {  	[sflag:s23] =	ssyncset.done $0x0  }
0xa5: {  	s25 =	simm.s32 $0x1B8E;
	s24 =	sld [smem:$0x3FFE];
	[sflag:s23] =	ssyncadd.s32 $0xFFFFFFFF  }
0xa6: {  	s26 =	simm.s32 $execute0_lowered;
	[smem:$0x3FD2] =	sst s25  }
0xa7: {  	s6 =	sshll.u32 s26, $0x1;
	_ =	strace $0x80000046;
	[dreg:$0x1] =	wrdreg $0xFFFFFFFF  }
0xa8: {  	s28 =	simm.s32 $_size_execute0_lowered;
	s4 =	sadd.s32 s4, s6;
	[dreg:$0x0] =	wrdreg $0x0  }
0xa9: {  	s6 =	sshll.u32 s28, $0x1;
	[dreg:$0x2] =	wrdreg s4  }
0xaa: {  	[dreg:$0x3] =	wrdreg s6  }
0xab: {  	[dreg:$0x4] =	wrdreg $0xC0  }
0xac: {  	_ =	task [dreg:s8], $0x5FFFF  }
0xad: {  	[dreg:$0x1] =	wrdreg $0xFFFFFFFF  }
0xae: {  	[dreg:$0x0] =	wrdreg $0x60  }
0xaf: {  	[dreg:$0x2] =	wrdreg s18  }
0xb0: {  	[dreg:$0x3] =	wrdreg s24  }
0xb1: {  	[dreg:$0x4] =	wrdreg s2  }
0xb2: {  	[dreg:$0x5] =	wrdreg $0x9  }
0xb3: {  	_ =	task.clear_ibuf [dreg:s8], $0x6FFFF;
	_ =	strace $0x90000046  }
0xb4: {  	s29 =	simm.s32 $0x9;
	_ =	strace $0x80000054  }
0xb5: {  	_ =	swait.ge [sflag:s29], $0x1  }
0xb6: {  	[sflag:s29] =	ssyncadd.s32 $0xFFFFFFFF  }
0xb7: {  	_ =	strace $0x90000054  }
0xb8: {  	_ =	sfence  }
0xb9: {  	s30 =	sld [smem:$0x0];
	_ =	sdelay $0x2  }
0xba: {  	s31 =	sshll.u32 s1, $0xD;
	s1 =	sshrl.u32 s1, $0x2  }
0xbb: {  	s3 =	sand.u32 $0x4000, s31;
	s1 =	sadd.s32 s1, s30  }
0xbc: {  	s0 =	sor.u32 s3, s0;
	s1 =	sshll.u32 s1, $0x11  }
0xbd: {  	s0 =	sor.u32 s1, s0  }
0xbe: {  	s0 =	sadd.s32 $0x8F2B, s0  }
0xbf: {  	[sflag:s0] =	ssyncadd.remote.s32 $0x1  }
0xc0: {  	_ =	sfence.sel $0xFFFF  }
0xc1: {  	[dreg:$0x0] =	wrdreg $0xFFFFFFFF;
	(pc) =	sbr.abs _section_cstart, $3  }
0xc2: {  	[dreg:$0x1] =	wrdreg $0xFFFFFFFF  }
0xc3: {  	_ =	task.clear_ibuf [dreg:s8], $0x2FFFF;
	_ =	strace $0x9FFFFFFF  }
0xc4: {  	(tm) =	ssettm $0x7FFFFFFF  }
0xc5: {  	_ =	shalt  }
tec
execute0_lowered:
.L_overlay_start_1:
0x0: {  	(tag) =	ssettag $0x1  }
0x1: {  	s1 =	rddreg [dreg:$0x0]  }
0x2: {  	s0 =	rddreg [dreg:$0x1]  }
0x3: {  	s13 =	rddreg [dreg:$0x2];
	s4 =	simm.s32 $0x0  }
0x4: {  	s2 =	srdreg.scid;
	s10 =	stileid.u32;
	s28 =	simm.s32 $0x4  }
0x5: {  	s29 =	simm.s32 $0xB;
	s30 =	simm.s32 $0x3;
	[smem:$0x7FF] =	sst s4  }
0x6: {  	s2 =	sand.u32 $0x1, s2;
	s3 =	smul.u32 $0x620, s10;
	s5 =	sadd.s32 $0x600, s0  }
0x7: {  	s7 =	sadd.s32 $0x40600, s0;
	_ =	strace $0x80000047;
	s6 =	sshll.u32 s2, $0x4  }
0x8: {  	p0 =	seq.s32 s2, $0x0;
	s6 =	sor.u32 s10, s6;
	s12 =	smin.u32 s3, $0x5B30  }
0x9: {  	s14 =	ssub.s32 $0x2, s2;
	s11 =	smul.u32 $0xC40, s6;
	s6 =	sadd.s32 $0x6200, s12  }
0xa: {  	[dreg:$0x4] =	wrdreg s7;
	s15 =	sshrl.u32 s14, $0x1;
	s6 =	smov.u32 @p0 s3  }
0xb: {  	s7 =	sadd.s32 $0x40800, s0;
	s0 =	ssub.s32 s14, s15;
	s6 =	sshll.u32 s6, $0x4  }
0xc: {  	s0 =	smax.u32 s0, $0x1;
	s8 =	ssub.s32 $0x186A0, s11;
	s17 =	sadd.s32 $0x700, s6  }
0xd: {  	[smem:$0x7F6] =	sst s0;
	s18 =	sadd.s32 $0xE00, s6;
	s9 =	sadd.s32 s1, s17  }
0xe: {  	s16 =	smin.u32 s8, $0xC40;
	s19 =	sadd.s32 s1, s18;
	[dreg:$0x5] =	wrdreg s9  }
0xf: {  	s20 =	sadd.s32 $0x1500, s6;
	s8 =	sadd.s32 s7, s17;
	[dreg:$0x6] =	wrdreg s19  }
0x10: {  	s31 =	simm.s32 $0x5;
	s21 =	sadd.s32 s1, s20;
	[dreg:$0x7] =	wrdreg s8  }
0x11: {  	s22 =	sadd.s32 $0x1C00, s6;
	s3 =	sadd.s32 s7, s18;
	[dreg:$0x8] =	wrdreg s21  }
0x12: {  	s24 =	sadd.s32 $0x2300, s6;
	s23 =	sadd.s32 s1, s22;
	[dreg:$0x9] =	wrdreg s3  }
0x13: {  	s14 =	sadd.s32 $0x2A00, s6;
	s25 =	sadd.s32 s1, s24;
	[dreg:$0xa] =	wrdreg s23  }
0x14: {  	s26 =	smul.u32 $0xC40, s10;
	s15 =	sadd.s32 s1, s14;
	[dreg:$0xc] =	wrdreg s25  }
0x15: {  	s2 =	smul.u32 $0xFFFFC400, s2;
	s8 =	sadd.s32 s7, s20;
	[dreg:$0xe] =	wrdreg s15  }
0x16: {  	s12 =	sadd.s32 s11, s16;
	s3 =	sadd.s32 s7, s22;
	[dreg:$0xb] =	wrdreg s8  }
0x17: {  	s16 =	sadd.s32 $0x3100, s6;
	s9 =	sadd.s32 s7, s24;
	[dreg:$0xd] =	wrdreg s3  }
0x18: {  	s2 =	sand.u32 $0xFC00, s2;
	s17 =	sadd.s32 s1, s16;
	[dreg:$0xf] =	wrdreg s9  }
0x19: {  	s2 =	sadd.s32 s26, s2;
	s18 =	sadd.s32 s7, s16;
	[dreg:$0x11] =	wrdreg s17  }
0x1a: {  	v0 =	vmov s11;
	s11 =	simm.s32 $0x7;
	s16 =	sadd.s32 s7, s6;
	[dreg:$0x12] =	wrdreg s18  }
0x1b: {  	s19 =	sadd.s32 $0x3800, s6;
	s3 =	sadd.s32 s7, s14;
	[dreg:$0x1c] =	wrdreg s16  }
0x1c: {  	s20 =	sadd.s32 $0x3F00, s6;
	s21 =	sadd.s32 s1, s19;
	[dreg:$0x10] =	wrdreg s3  }
0x1d: {  	s24 =	sadd.s32 $0x4600, s6;
	s22 =	sadd.s32 s1, s20;
	[dreg:$0x13] =	wrdreg s21  }
0x1e: {  	s25 =	sadd.s32 $0x4D00, s6;
	s23 =	sadd.s32 s7, s20;
	[dreg:$0x15] =	wrdreg s22  }
0x1f: {  	s15 =	sadd.s32 $0x5400, s6;
	s26 =	sadd.s32 s1, s24;
	[dreg:$0x16] =	wrdreg s23  }
0x20: {  	v1 =	vmov s12;
	s12 =	simm.s32 $0x8;
	s9 =	sadd.s32 s1, s25;
	[dreg:$0x17] =	wrdreg s26  }
0x21: {  	s10 =	sadd.s32 s7, s25;
	s14 =	sadd.s32 s1, s6;
	[dreg:$0x19] =	wrdreg s9  }
0x22: {  	s6 =	sadd.s32 $0x5B00, s6;
	s17 =	sadd.s32 s1, s15;
	[dreg:$0x1a] =	wrdreg s10  }
0x23: {  	s20 =	sadd.s32 $0x100, s13;
	s25 =	sadd.s32 $0x600, s13;
	[dreg:$0x1b] =	wrdreg s14  }
0x24: {  	s8 =	simm.s32 $0x4E80;
	s16 =	simm.s32 $0x0;
	[dreg:$0x1d] =	wrdreg s17  }
0x25: {  	s3 =	sadd.s32 s7, s19;
	s18 =	sadd.s32 s1, s6;
	[smem:$0x7F7] =	sst s20  }
0x26: {  	s19 =	sadd.s32 s7, s6;
	s10 =	sshrl.u32 s2, $0x1;
	[smem:$0x7FC] =	sst s25  }
0x27: {  	s21 =	sadd.s32 $0x200, s13;
	s22 =	sadd.s32 $0x300, s13;
	[dreg:$0x14] =	wrdreg s3  }
0x28: {  	s23 =	sadd.s32 $0x400, s13;
	s26 =	sadd.s32 $0x700, s13;
	[dreg:$0x1f] =	wrdreg s18  }
0x29: {  	s20 =	simm.s32 $0x17900;
	s25 =	simm.s32 $0x1B100;
	[smem:$0x7F5] =	sst s19  }
0x2a: {  	s2 =	simm.s32 $0xA0;
	s6 =	simm.s32 $0x5080;
	[smem:$0x7F8] =	sst s21  }
0x2b: {  	s9 =	simm.s32 $0xA080;
	s14 =	simm.s32 $0xF080;
	[smem:$0x7F9] =	sst s22  }
0x2c: {  	s3 =	sadd.s32 s7, s24;
	[smem:$0x7FA] =	sst s23;
	s24 =	sadd.s32 $0x500, s13  }
.Ltmp0:
0x2d: {  	[smem:$0x7FD] =	sst s26;
	s19 =	simm.s32 $0x14100;
	(pc) =	sbr.rel .LBB2_1-.Ltmp0, $4  }
0x2e: {  	s21 =	simm.s32 $0x1480;
	s22 =	simm.s32 $0xA;
	s23 =	simm.s32 $0xC80  }
0x2f: {  	s26 =	simm.s32 $0x2;
	s13 =	simm.s32 $0x4F80;
	[dreg:$0x18] =	wrdreg s3  }
0x30: {  	v2 =	vlaneseq.u32;
	s3 =	sadd.s32 s7, s15;
	[smem:$0x7FB] =	sst s24;
	s24 =	simm.s32 $0x1  }
0x31: {  	v3 =	vimm.s32 $0xFFFFFFFF;
	v5 =	vimm.s32 $0x0;
	v4 =	vmul.u32 $0x2, v2;
	s15 =	simm.s32 $0x9;
	[dreg:$0x1e] =	wrdreg s3;
	s3 =	simm.s32 $0x4D80  }
.LBB2_33:
0x32: {  	s0 =	sld [smem:$0x7F6];
	_ =	sdelay $0x1  }
0x33: {  	s16 =	sadd.s32 $0x1, s16  }
0x34: {  	p0 =	sne.s32 s16, s0  }
.Ltmp1:
0x35: {  	_ = 	snop;
	(pc) =	sbr.rel @!p0 .LBB2_34-.Ltmp1, $3  }
0x36: {  	_ =	sdelay $0x1  }
0x37: {  	_ =	strace $0x90000053  }
0x38: {  	s20 =	simm.s32 $0x17900;
	s21 =	simm.s32 $0x1480;
	s23 =	simm.s32 $0xC80  }
.LBB2_1:
0x39: {  	s0 =	rddreg [dreg:$0x1b]  }
0x3a: {  	[tilespmem:s19], [sflag:$0x1] =	stream.linear.gather [hbm4b:s0+s4], $0x3800, $0x38;
	[tilespmem:$0x1E900] =	vst v63  }
0x3b: {  	s17 =	rddreg [dreg:$0x5]  }
0x3c: {  	[tilespmem:s20], [sflag:$0x2] =	stream.linear.gather [hbm4b:s17+s4], $0x3800, $0x38;
	[tilespmem:$0x1E900] =	vst v63  }
0x3d: {  	s18 =	rddreg [dreg:$0x4];
	s17 =	simm.s32 $0x14080  }
0x3e: {  	[tilespmem:s17], [sflag:$0xC] =	stream.linear.gather [hbm4b:s18+s4], $0x80, $0x38;
	[tilespmem:$0x1E900] =	vst v63  }
0x3f: {  	s18 =	simm.s32 $0xC  }
0x40: {  	_ =	swait.ge [sflag:s18], $0x80  }
0x41: {  	[sflag:s18] =	ssyncset.done $0x0  }
0x42: {  	[sflag:s18] =	ssyncadd.s32 $0xFFFFFF80  }
0x43: {  	v6 =	vld [tilespmem:$0x14080];
	_ =	sdelay $0x3  }
0x44: {  	s0 =	simm.s32 $0x40;
	s17 =	simm.s32 $0x0  }
.LBB2_2:
0x45: {  	p0 =	sne.s32 s0, $0x30C0;
	[tilespmem:s17+$0x0] =	vst v3;
	s17 =	smov.u32 s0;
	s0 =	sadd.s32 $0x40, s0  }
.Ltmp2:
0x46: {  	(pc) =	sbr.rel @p0 .LBB2_2-.Ltmp2, $2  }
0x47: {  	_ =	sdelay $0x2  }
0x48: {  	s17 =	sshra.s32 s17, $0x2  }
0x49: {  	[tilespmem:s17+$0x0] =	vst v3;
	s0 =	simm.s32 $0x0;
	s17 =	simm.s32 $0xC80;
	s18 =	rddreg [dreg:$0x2]  }
0x4a: {  	[tilespmem:s17], [sflag:$0xA] =	stream.linear.gather [hbm4b:s18+s0], $0x800, $0x38;
	[tilespmem:$0x1E900] =	vst v63  }
0x4b: {  	s18 =	sld [smem:$0x7F7];
	_ =	sdelay $0x2  }
0x4c: {  	[tilespmem:s21], [sflag:$0xB] =	stream.linear.gather [hbm4b:s18+s0], $0x800, $0x38;
	[tilespmem:$0x1E900] =	vst v63  }
0x4d: {  	_ =	swait.ge [sflag:s22], $0x800  }
0x4e: {  	[sflag:s22] =	ssyncset.done $0x0  }
0x4f: {  	[sflag:s22] =	ssyncadd.s32 $0xFFFFF800  }
0x50: {  	_ =	strace $0x80000048  }
.LBB2_4:
0x51: {  	v7 =	vld [tilespmem:s17+$0x0];
	_ =	sdelay $0x4  }
0x52: {  	vm0 =	vge.s32 v7, v0;
	vm1 =	vlt.s32 v7, v1  }
0x53: {  	v7 =	vsub.s32 v7, v0;
	vm0 =	vmand vm0, vm1  }
0x54: {  	v7 =	vnsel vm0, $0x0, v7;
	_ =	sdelay $0x3  }
0x55: {  	v8 =	vor.u32 s0, v2  }
0x56: {  	[tilespmem:v7+s4+$0x0] =	vst.idx.msk vm0, v8  }
0x57: {  	v9 =	vld.idx.msk [tilespmem:v7+s4+$0x0], vm0;
	_ =	sdelay $0x4  }
0x58: {  	vm15 =	vgt.s32 v8, v9  }
0x59: {  	vm0 =	vmand vm0, vm15  }
0x5a: {  	p0 =	sne.s32 s0, $0x7F0  }
.Ltmp3:
0x5b: {  	_ = 	snop;
	(pc) =	sbr.rel @p0 .LBB2_4-.Ltmp3, $2  }
0x5c: {  	_ =	sdelay $0x2  }
0x5d: {  	s17 =	sadd.s32 $0x10, s17;
	s0 =	sadd.s32 $0x10, s0;
	[tilespmem:v7+s4+$0x0] =	vst.idx.msk vm0, v8  }
0x5e: {  	_ =	strace $0x90000048  }
0x5f: {  	s0 =	sld [smem:$0x7F8];
	_ =	sdelay $0x2  }
0x60: {  	[tilespmem:s23], [sflag:$0xA] =	stream.linear.gather [hbm4b:s0+s4], $0x800, $0x38;
	[tilespmem:$0x1E900] =	vst v63  }
0x61: {  	_ =	swait.ge [sflag:s24], $0x3800  }
0x62: {  	[sflag:s24] =	ssyncset.done $0x0  }
0x63: {  	s17 =	rddreg [dreg:$0x1c];
	[sflag:s24] =	ssyncadd.s32 $0xFFFFC800  }
0x64: {  	[hbm4b:s17+s4] =	stream.linear.scatter [tilespmem:s19], [sflag:$0x4], $0x3800, $0x38;
	[tilespmem:$0x1E900] =	vst v63  }
0x65: {  	s18 =	rddreg [dreg:$0x6]  }
0x66: {  	[tilespmem:s25], [sflag:$0x3] =	stream.linear.gather [hbm4b:s18+s4], $0x3800, $0x38;
	[tilespmem:$0x1E900] =	vst v63  }
0x67: {  	_ =	swait.ge [sflag:s26], $0x3800  }
0x68: {  	[sflag:s26] =	ssyncset.done $0x0  }
0x69: {  	s17 =	rddreg [dreg:$0x7];
	[sflag:s26] =	ssyncadd.s32 $0xFFFFC800  }
0x6a: {  	[hbm4b:s17+s4] =	stream.linear.scatter [tilespmem:s20], [sflag:$0x5], $0x3800, $0x38;
	[tilespmem:$0x1E900] =	vst v63  }
0x6b: {  	_ =	swait.ge [sflag:s28], $0x3800  }
0x6c: {  	[sflag:s28] =	ssyncset.done $0x0  }
0x6d: {  	s18 =	rddreg [dreg:$0x8];
	[sflag:s28] =	ssyncadd.s32 $0xFFFFC800  }
0x6e: {  	[tilespmem:s19], [sflag:$0x1] =	stream.linear.gather [hbm4b:s18+s4], $0x3800, $0x38;
	[tilespmem:$0x1E900] =	vst v63  }
0x6f: {  	_ =	swait.ge [sflag:s29], $0x800  }
0x70: {  	[sflag:s29] =	ssyncset.done $0x0  }
0x71: {  	[sflag:s29] =	ssyncadd.s32 $0xFFFFF800  }
0x72: {  	s0 =	simm.s32 $0x800;
	s17 =	simm.s32 $0x1480;
	_ =	strace $0x80000049  }
.LBB2_6:
0x73: {  	v7 =	vld [tilespmem:s17+$0x0];
	_ =	sdelay $0x4  }
0x74: {  	vm0 =	vge.s32 v7, v0;
	vm1 =	vlt.s32 v7, v1  }
0x75: {  	v7 =	vsub.s32 v7, v0;
	vm0 =	vmand vm0, vm1  }
0x76: {  	v7 =	vnsel vm0, $0x0, v7;
	_ =	sdelay $0x3  }
0x77: {  	v8 =	vor.u32 s0, v2  }
0x78: {  	[tilespmem:v7+s4+$0x0] =	vst.idx.msk vm0, v8  }
0x79: {  	v9 =	vld.idx.msk [tilespmem:v7+s4+$0x0], vm0;
	_ =	sdelay $0x4  }
0x7a: {  	vm15 =	vgt.s32 v8, v9  }
0x7b: {  	vm0 =	vmand vm0, vm15  }
0x7c: {  	p0 =	sne.s32 s0, $0xFF0  }
.Ltmp4:
0x7d: {  	_ = 	snop;
	(pc) =	sbr.rel @p0 .LBB2_6-.Ltmp4, $2  }
0x7e: {  	_ =	sdelay $0x2  }
0x7f: {  	s17 =	sadd.s32 $0x10, s17;
	s0 =	sadd.s32 $0x10, s0;
	[tilespmem:v7+s4+$0x0] =	vst.idx.msk vm0, v8  }
0x80: {  	_ =	strace $0x90000049  }
0x81: {  	s0 =	sld [smem:$0x7F9];
	_ =	sdelay $0x2  }
0x82: {  	[tilespmem:s21], [sflag:$0xB] =	stream.linear.gather [hbm4b:s0+s4], $0x800, $0x38;
	[tilespmem:$0x1E900] =	vst v63  }
0x83: {  	_ =	swait.ge [sflag:s30], $0x3800  }
0x84: {  	[sflag:s30] =	ssyncset.done $0x0  }
0x85: {  	s18 =	rddreg [dreg:$0x9];
	[sflag:s30] =	ssyncadd.s32 $0xFFFFC800  }
0x86: {  	[hbm4b:s18+s4] =	stream.linear.scatter [tilespmem:s25], [sflag:$0x6], $0x3800, $0x38;
	[tilespmem:$0x1E900] =	vst v63  }
0x87: {  	_ =	swait.ge [sflag:s31], $0x3800  }
0x88: {  	[sflag:s31] =	ssyncset.done $0x0  }
0x89: {  	s17 =	rddreg [dreg:$0xa];
	[sflag:s31] =	ssyncadd.s32 $0xFFFFC800  }
0x8a: {  	[tilespmem:s20], [sflag:$0x2] =	stream.linear.gather [hbm4b:s17+s4], $0x3800, $0x38;
	[tilespmem:$0x1E900] =	vst v63  }
0x8b: {  	_ =	swait.ge [sflag:s24], $0x3800  }
0x8c: {  	[sflag:s24] =	ssyncset.done $0x0  }
0x8d: {  	s17 =	simm.s32 $0x6;
	s18 =	rddreg [dreg:$0xb];
	[sflag:s24] =	ssyncadd.s32 $0xFFFFC800  }
0x8e: {  	[hbm4b:s18+s4] =	stream.linear.scatter [tilespmem:s19], [sflag:$0x4], $0x3800, $0x38;
	[tilespmem:$0x1E900] =	vst v63  }
0x8f: {  	_ =	swait.ge [sflag:s17], $0x3800  }
0x90: {  	[sflag:s17] =	ssyncset.done $0x0  }
0x91: {  	s18 =	rddreg [dreg:$0xc];
	[sflag:s17] =	ssyncadd.s32 $0xFFFFC800  }
0x92: {  	[tilespmem:s25], [sflag:$0x3] =	stream.linear.gather [hbm4b:s18+s4], $0x3800, $0x38;
	[tilespmem:$0x1E900] =	vst v63  }
0x93: {  	_ =	swait.ge [sflag:s22], $0x800  }
0x94: {  	[sflag:s22] =	ssyncset.done $0x0  }
0x95: {  	[sflag:s22] =	ssyncadd.s32 $0xFFFFF800  }
0x96: {  	s0 =	simm.s32 $0x1000;
	s17 =	simm.s32 $0xC80;
	_ =	strace $0x8000004A  }
.LBB2_8:
0x97: {  	v7 =	vld [tilespmem:s17+$0x0];
	_ =	sdelay $0x4  }
0x98: {  	vm0 =	vge.s32 v7, v0;
	vm1 =	vlt.s32 v7, v1  }
0x99: {  	v7 =	vsub.s32 v7, v0;
	vm0 =	vmand vm0, vm1  }
0x9a: {  	v7 =	vnsel vm0, $0x0, v7;
	_ =	sdelay $0x3  }
0x9b: {  	v8 =	vor.u32 s0, v2  }
0x9c: {  	[tilespmem:v7+s4+$0x0] =	vst.idx.msk vm0, v8  }
0x9d: {  	v9 =	vld.idx.msk [tilespmem:v7+s4+$0x0], vm0;
	_ =	sdelay $0x4  }
0x9e: {  	vm15 =	vgt.s32 v8, v9  }
0x9f: {  	vm0 =	vmand vm0, vm15  }
0xa0: {  	p0 =	sne.s32 s0, $0x17F0  }
.Ltmp5:
0xa1: {  	_ = 	snop;
	(pc) =	sbr.rel @p0 .LBB2_8-.Ltmp5, $2  }
0xa2: {  	_ =	sdelay $0x2  }
0xa3: {  	s17 =	sadd.s32 $0x10, s17;
	s0 =	sadd.s32 $0x10, s0;
	[tilespmem:v7+s4+$0x0] =	vst.idx.msk vm0, v8  }
0xa4: {  	_ =	strace $0x9000004A  }
0xa5: {  	s0 =	sld [smem:$0x7FA];
	_ =	sdelay $0x2  }
0xa6: {  	[tilespmem:s23], [sflag:$0xA] =	stream.linear.gather [hbm4b:s0+s4], $0x800, $0x38;
	[tilespmem:$0x1E900] =	vst v63  }
0xa7: {  	_ =	swait.ge [sflag:s26], $0x3800  }
0xa8: {  	[sflag:s26] =	ssyncset.done $0x0  }
0xa9: {  	s17 =	rddreg [dreg:$0xd];
	[sflag:s26] =	ssyncadd.s32 $0xFFFFC800  }
0xaa: {  	[hbm4b:s17+s4] =	stream.linear.scatter [tilespmem:s20], [sflag:$0x5], $0x3800, $0x38;
	[tilespmem:$0x1E900] =	vst v63  }
0xab: {  	_ =	swait.ge [sflag:s28], $0x3800  }
0xac: {  	[sflag:s28] =	ssyncset.done $0x0  }
0xad: {  	s18 =	rddreg [dreg:$0xe];
	[sflag:s28] =	ssyncadd.s32 $0xFFFFC800  }
0xae: {  	[tilespmem:s19], [sflag:$0x1] =	stream.linear.gather [hbm4b:s18+s4], $0x3800, $0x38;
	[tilespmem:$0x1E900] =	vst v63  }
0xaf: {  	_ =	swait.ge [sflag:s30], $0x3800  }
0xb0: {  	[sflag:s30] =	ssyncset.done $0x0  }
0xb1: {  	s17 =	rddreg [dreg:$0xf];
	[sflag:s30] =	ssyncadd.s32 $0xFFFFC800  }
0xb2: {  	[hbm4b:s17+s4] =	stream.linear.scatter [tilespmem:s25], [sflag:$0x6], $0x3800, $0x38;
	[tilespmem:$0x1E900] =	vst v63  }
0xb3: {  	_ =	swait.ge [sflag:s31], $0x3800  }
0xb4: {  	[sflag:s31] =	ssyncset.done $0x0  }
0xb5: {  	s18 =	rddreg [dreg:$0x11];
	[sflag:s31] =	ssyncadd.s32 $0xFFFFC800  }
0xb6: {  	[tilespmem:s20], [sflag:$0x2] =	stream.linear.gather [hbm4b:s18+s4], $0x3800, $0x38;
	[tilespmem:$0x1E900] =	vst v63  }
0xb7: {  	_ =	swait.ge [sflag:s29], $0x800  }
0xb8: {  	[sflag:s29] =	ssyncset.done $0x0  }
0xb9: {  	[sflag:s29] =	ssyncadd.s32 $0xFFFFF800  }
0xba: {  	s0 =	simm.s32 $0x1800;
	s17 =	simm.s32 $0x1480;
	_ =	strace $0x8000004B  }
.LBB2_10:
0xbb: {  	v7 =	vld [tilespmem:s17+$0x0];
	_ =	sdelay $0x4  }
0xbc: {  	vm0 =	vge.s32 v7, v0;
	vm1 =	vlt.s32 v7, v1  }
0xbd: {  	v7 =	vsub.s32 v7, v0;
	vm0 =	vmand vm0, vm1  }
0xbe: {  	v7 =	vnsel vm0, $0x0, v7;
	_ =	sdelay $0x3  }
0xbf: {  	v8 =	vor.u32 s0, v2  }
0xc0: {  	[tilespmem:v7+s4+$0x0] =	vst.idx.msk vm0, v8  }
0xc1: {  	v9 =	vld.idx.msk [tilespmem:v7+s4+$0x0], vm0;
	_ =	sdelay $0x4  }
0xc2: {  	vm15 =	vgt.s32 v8, v9  }
0xc3: {  	vm0 =	vmand vm0, vm15  }
0xc4: {  	p0 =	sne.s32 s0, $0x1FF0  }
.Ltmp6:
0xc5: {  	_ = 	snop;
	(pc) =	sbr.rel @p0 .LBB2_10-.Ltmp6, $2  }
0xc6: {  	_ =	sdelay $0x2  }
0xc7: {  	s17 =	sadd.s32 $0x10, s17;
	s0 =	sadd.s32 $0x10, s0;
	[tilespmem:v7+s4+$0x0] =	vst.idx.msk vm0, v8  }
0xc8: {  	_ =	strace $0x9000004B  }
0xc9: {  	s0 =	sld [smem:$0x7FB];
	_ =	sdelay $0x2  }
0xca: {  	[tilespmem:s21], [sflag:$0xB] =	stream.linear.gather [hbm4b:s0+s4], $0x800, $0x38;
	[tilespmem:$0x1E900] =	vst v63  }
0xcb: {  	_ =	swait.ge [sflag:s24], $0x3800  }
0xcc: {  	[sflag:s24] =	ssyncset.done $0x0  }
0xcd: {  	s17 =	simm.s32 $0x6;
	s18 =	rddreg [dreg:$0x10];
	[sflag:s24] =	ssyncadd.s32 $0xFFFFC800  }
0xce: {  	[hbm4b:s18+s4] =	stream.linear.scatter [tilespmem:s19], [sflag:$0x4], $0x3800, $0x38;
	[tilespmem:$0x1E900] =	vst v63  }
0xcf: {  	_ =	swait.ge [sflag:s17], $0x3800  }
0xd0: {  	[sflag:s17] =	ssyncset.done $0x0  }
0xd1: {  	s18 =	rddreg [dreg:$0x13];
	[sflag:s17] =	ssyncadd.s32 $0xFFFFC800  }
0xd2: {  	[tilespmem:s25], [sflag:$0x3] =	stream.linear.gather [hbm4b:s18+s4], $0x3800, $0x38;
	[tilespmem:$0x1E900] =	vst v63  }
0xd3: {  	_ =	swait.ge [sflag:s26], $0x3800  }
0xd4: {  	[sflag:s26] =	ssyncset.done $0x0  }
0xd5: {  	s17 =	rddreg [dreg:$0x12];
	[sflag:s26] =	ssyncadd.s32 $0xFFFFC800  }
0xd6: {  	[hbm4b:s17+s4] =	stream.linear.scatter [tilespmem:s20], [sflag:$0x5], $0x3800, $0x38;
	[tilespmem:$0x1E900] =	vst v63  }
0xd7: {  	_ =	swait.ge [sflag:s28], $0x3800  }
0xd8: {  	[sflag:s28] =	ssyncset.done $0x0  }
0xd9: {  	s18 =	rddreg [dreg:$0x15];
	[sflag:s28] =	ssyncadd.s32 $0xFFFFC800  }
0xda: {  	[tilespmem:s19], [sflag:$0x1] =	stream.linear.gather [hbm4b:s18+s4], $0x3800, $0x38;
	[tilespmem:$0x1E900] =	vst v63  }
0xdb: {  	_ =	swait.ge [sflag:s22], $0x800  }
0xdc: {  	[sflag:s22] =	ssyncset.done $0x0  }
0xdd: {  	[sflag:s22] =	ssyncadd.s32 $0xFFFFF800  }
0xde: {  	s0 =	simm.s32 $0x2000;
	s17 =	simm.s32 $0xC80;
	_ =	strace $0x8000004C  }
.LBB2_12:
0xdf: {  	v7 =	vld [tilespmem:s17+$0x0];
	_ =	sdelay $0x4  }
0xe0: {  	vm0 =	vge.s32 v7, v0;
	vm1 =	vlt.s32 v7, v1  }
0xe1: {  	v7 =	vsub.s32 v7, v0;
	vm0 =	vmand vm0, vm1  }
0xe2: {  	v7 =	vnsel vm0, $0x0, v7;
	_ =	sdelay $0x3  }
0xe3: {  	v8 =	vor.u32 s0, v2  }
0xe4: {  	[tilespmem:v7+s4+$0x0] =	vst.idx.msk vm0, v8  }
0xe5: {  	v9 =	vld.idx.msk [tilespmem:v7+s4+$0x0], vm0;
	_ =	sdelay $0x4  }
0xe6: {  	vm15 =	vgt.s32 v8, v9  }
0xe7: {  	vm0 =	vmand vm0, vm15  }
0xe8: {  	p0 =	sne.s32 s0, $0x27F0  }
.Ltmp7:
0xe9: {  	_ = 	snop;
	(pc) =	sbr.rel @p0 .LBB2_12-.Ltmp7, $2  }
0xea: {  	_ =	sdelay $0x2  }
0xeb: {  	s17 =	sadd.s32 $0x10, s17;
	s0 =	sadd.s32 $0x10, s0;
	[tilespmem:v7+s4+$0x0] =	vst.idx.msk vm0, v8  }
0xec: {  	_ =	strace $0x9000004C  }
0xed: {  	s0 =	sld [smem:$0x7FC];
	_ =	sdelay $0x2  }
0xee: {  	[tilespmem:s23], [sflag:$0xA] =	stream.linear.gather [hbm4b:s0+s4], $0x800, $0x38;
	[tilespmem:$0x1E900] =	vst v63  }
0xef: {  	_ =	swait.ge [sflag:s30], $0x3800  }
0xf0: {  	[sflag:s30] =	ssyncset.done $0x0  }
0xf1: {  	s18 =	rddreg [dreg:$0x14];
	[sflag:s30] =	ssyncadd.s32 $0xFFFFC800  }
0xf2: {  	[hbm4b:s18+s4] =	stream.linear.scatter [tilespmem:s25], [sflag:$0x6], $0x3800, $0x38;
	[tilespmem:$0x1E900] =	vst v63  }
0xf3: {  	_ =	swait.ge [sflag:s31], $0x3800  }
0xf4: {  	[sflag:s31] =	ssyncset.done $0x0  }
0xf5: {  	s23 =	rddreg [dreg:$0x17];
	[sflag:s31] =	ssyncadd.s32 $0xFFFFC800  }
0xf6: {  	[tilespmem:s20], [sflag:$0x2] =	stream.linear.gather [hbm4b:s23+s4], $0x3800, $0x38;
	[tilespmem:$0x1E900] =	vst v63  }
0xf7: {  	_ =	swait.ge [sflag:s24], $0x3800  }
0xf8: {  	[sflag:s24] =	ssyncset.done $0x0  }
0xf9: {  	s18 =	simm.s32 $0x6;
	s17 =	rddreg [dreg:$0x16];
	[sflag:s24] =	ssyncadd.s32 $0xFFFFC800  }
0xfa: {  	[hbm4b:s17+s4] =	stream.linear.scatter [tilespmem:s19], [sflag:$0x4], $0x3800, $0x38;
	[tilespmem:$0x1E900] =	vst v63  }
0xfb: {  	_ =	swait.ge [sflag:s18], $0x3800  }
0xfc: {  	[sflag:s18] =	ssyncset.done $0x0  }
0xfd: {  	s23 =	rddreg [dreg:$0x19];
	[sflag:s18] =	ssyncadd.s32 $0xFFFFC800  }
0xfe: {  	[tilespmem:s25], [sflag:$0x3] =	stream.linear.gather [hbm4b:s23+s4], $0x3800, $0x38;
	[tilespmem:$0x1E900] =	vst v63  }
0xff: {  	_ =	swait.ge [sflag:s29], $0x800  }
0x100: {  	[sflag:s29] =	ssyncset.done $0x0  }
0x101: {  	[sflag:s29] =	ssyncadd.s32 $0xFFFFF800  }
0x102: {  	s0 =	simm.s32 $0x2800;
	s17 =	simm.s32 $0x1480;
	_ =	strace $0x8000004D  }
.LBB2_14:
0x103: {  	v7 =	vld [tilespmem:s17+$0x0];
	_ =	sdelay $0x4  }
0x104: {  	vm0 =	vge.s32 v7, v0;
	vm1 =	vlt.s32 v7, v1  }
0x105: {  	v7 =	vsub.s32 v7, v0;
	vm0 =	vmand vm0, vm1  }
0x106: {  	v7 =	vnsel vm0, $0x0, v7;
	_ =	sdelay $0x3  }
0x107: {  	v8 =	vor.u32 s0, v2  }
0x108: {  	[tilespmem:v7+s4+$0x0] =	vst.idx.msk vm0, v8  }
0x109: {  	v9 =	vld.idx.msk [tilespmem:v7+s4+$0x0], vm0;
	_ =	sdelay $0x4  }
0x10a: {  	vm15 =	vgt.s32 v8, v9  }
0x10b: {  	vm0 =	vmand vm0, vm15  }
0x10c: {  	p0 =	sne.s32 s0, $0x2FF0  }
.Ltmp8:
0x10d: {  	_ = 	snop;
	(pc) =	sbr.rel @p0 .LBB2_14-.Ltmp8, $2  }
0x10e: {  	_ =	sdelay $0x2  }
0x10f: {  	s17 =	sadd.s32 $0x10, s17;
	s0 =	sadd.s32 $0x10, s0;
	[tilespmem:v7+s4+$0x0] =	vst.idx.msk vm0, v8  }
0x110: {  	_ =	strace $0x9000004D  }
0x111: {  	s0 =	sld [smem:$0x7FD];
	_ =	sdelay $0x2  }
0x112: {  	[tilespmem:s21], [sflag:$0xB] =	stream.linear.gather [hbm4b:s0+s4], $0x800, $0x38;
	[tilespmem:$0x1E900] =	vst v63  }
0x113: {  	_ =	swait.ge [sflag:s26], $0x3800  }
0x114: {  	[sflag:s26] =	ssyncset.done $0x0  }
0x115: {  	s18 =	rddreg [dreg:$0x18];
	[sflag:s26] =	ssyncadd.s32 $0xFFFFC800  }
0x116: {  	[hbm4b:s18+s4] =	stream.linear.scatter [tilespmem:s20], [sflag:$0x5], $0x3800, $0x38;
	[tilespmem:$0x1E900] =	vst v63  }
0x117: {  	_ =	swait.ge [sflag:s28], $0x3800  }
0x118: {  	[sflag:s28] =	ssyncset.done $0x0  }
0x119: {  	s21 =	rddreg [dreg:$0x1d];
	[sflag:s28] =	ssyncadd.s32 $0xFFFFC800  }
0x11a: {  	[tilespmem:s19], [sflag:$0x1] =	stream.linear.gather [hbm4b:s21+s4], $0x3800, $0x38;
	[tilespmem:$0x1E900] =	vst v63  }
0x11b: {  	_ =	swait.ge [sflag:s30], $0x3800  }
0x11c: {  	[sflag:s30] =	ssyncset.done $0x0  }
0x11d: {  	s23 =	rddreg [dreg:$0x1a];
	[sflag:s30] =	ssyncadd.s32 $0xFFFFC800  }
0x11e: {  	[hbm4b:s23+s4] =	stream.linear.scatter [tilespmem:s25], [sflag:$0x6], $0x3800, $0x38;
	[tilespmem:$0x1E900] =	vst v63  }
0x11f: {  	_ =	swait.ge [sflag:s31], $0x3800  }
0x120: {  	[sflag:s31] =	ssyncset.done $0x0  }
0x121: {  	s25 =	rddreg [dreg:$0x1f];
	[sflag:s31] =	ssyncadd.s32 $0xFFFFC800  }
0x122: {  	[tilespmem:s20], [sflag:$0x2] =	stream.linear.gather [hbm4b:s25+s4], $0x3800, $0x38;
	[tilespmem:$0x1E900] =	vst v63  }
0x123: {  	_ =	swait.ge [sflag:s22], $0x800  }
0x124: {  	[sflag:s22] =	ssyncset.done $0x0  }
0x125: {  	[sflag:s22] =	ssyncadd.s32 $0xFFFFF800  }
0x126: {  	s17 =	simm.s32 $0xC80;
	s0 =	simm.s32 $0x3000;
	_ =	strace $0x8000004E  }
.LBB2_16:
0x127: {  	v7 =	vld [tilespmem:s17+$0x0];
	_ =	sdelay $0x4  }
0x128: {  	vm0 =	vge.s32 v7, v0;
	vm1 =	vlt.s32 v7, v1  }
0x129: {  	v7 =	vsub.s32 v7, v0;
	vm0 =	vmand vm0, vm1  }
0x12a: {  	v7 =	vnsel vm0, $0x0, v7;
	_ =	sdelay $0x3  }
0x12b: {  	v8 =	vor.u32 s0, v2  }
0x12c: {  	[tilespmem:v7+s4+$0x0] =	vst.idx.msk vm0, v8  }
0x12d: {  	v9 =	vld.idx.msk [tilespmem:v7+s4+$0x0], vm0;
	_ =	sdelay $0x4  }
0x12e: {  	vm15 =	vgt.s32 v8, v9  }
0x12f: {  	vm0 =	vmand vm0, vm15  }
0x130: {  	p0 =	sne.s32 s0, $0x37F0  }
.Ltmp9:
0x131: {  	_ = 	snop;
	(pc) =	sbr.rel @p0 .LBB2_16-.Ltmp9, $2  }
0x132: {  	_ =	sdelay $0x2  }
0x133: {  	s17 =	sadd.s32 $0x10, s17;
	s0 =	sadd.s32 $0x10, s0;
	[tilespmem:v7+s4+$0x0] =	vst.idx.msk vm0, v8  }
0x134: {  	_ =	strace $0x9000004E  }
0x135: {  	_ =	swait.ge [sflag:s24], $0x3800  }
0x136: {  	[sflag:s24] =	ssyncset.done $0x0  }
0x137: {  	s0 =	rddreg [dreg:$0x1e];
	[sflag:s24] =	ssyncadd.s32 $0xFFFFC800  }
0x138: {  	[hbm4b:s0+s4] =	stream.linear.scatter [tilespmem:s19], [sflag:$0x4], $0x3800, $0x38;
	[tilespmem:$0x1E900] =	vst v63  }
0x139: {  	_ =	swait.ge [sflag:s26], $0x3800  }
0x13a: {  	s25 =	sld [smem:$0x7F5]  }
0x13b: {  	[sflag:s26] =	ssyncset.done $0x0  }
0x13c: {  	[sflag:s26] =	ssyncadd.s32 $0xFFFFC800  }
0x13d: {  	[hbm4b:s25+s4] =	stream.linear.scatter [tilespmem:s20], [sflag:$0x5], $0x3800, $0x38;
	[tilespmem:$0x1E900] =	vst v63  }
0x13e: {  	_ =	swait.ge [sflag:s29], $0x800  }
0x13f: {  	[sflag:s29] =	ssyncset.done $0x0  }
0x140: {  	[sflag:s29] =	ssyncadd.s32 $0xFFFFF800  }
0x141: {  	s17 =	simm.s32 $0x1480;
	s0 =	simm.s32 $0x3800;
	_ =	strace $0x8000004F  }
.LBB2_18:
0x142: {  	v7 =	vld [tilespmem:s17+$0x0];
	_ =	sdelay $0x4  }
0x143: {  	vm0 =	vge.s32 v7, v0;
	vm1 =	vlt.s32 v7, v1  }
0x144: {  	v7 =	vsub.s32 v7, v0;
	vm0 =	vmand vm0, vm1  }
0x145: {  	v7 =	vnsel vm0, $0x0, v7;
	_ =	sdelay $0x3  }
0x146: {  	v8 =	vor.u32 s0, v2  }
0x147: {  	[tilespmem:v7+s4+$0x0] =	vst.idx.msk vm0, v8  }
0x148: {  	v9 =	vld.idx.msk [tilespmem:v7+s4+$0x0], vm0;
	_ =	sdelay $0x4  }
0x149: {  	vm15 =	vgt.s32 v8, v9  }
0x14a: {  	vm0 =	vmand vm0, vm15  }
0x14b: {  	p0 =	sne.s32 s0, $0x3FF0  }
.Ltmp10:
0x14c: {  	_ = 	snop;
	(pc) =	sbr.rel @p0 .LBB2_18-.Ltmp10, $2  }
0x14d: {  	_ =	sdelay $0x2  }
0x14e: {  	s17 =	sadd.s32 $0x10, s17;
	s0 =	sadd.s32 $0x10, s0;
	[tilespmem:v7+s4+$0x0] =	vst.idx.msk vm0, v8  }
0x14f: {  	s17 =	simm.s32 $0x0  }
0x150: {  	v7 =	vmov s17  }
0x151: {  	v7 =	vshll.u32 v7, $0x1  }
0x152: {  	v7 =	vor.u32 v4, v7  }
0x153: {  	v8 =	vor.u32 $0x1, v7;
	_ =	sdelay $0x1  }
0x154: {  	_ =	strace $0x9000004F  }
0x155: {  	_ =	strace $0x80000050  }
0x156: {  	v7 =	vld.idx.msk [tilespmem:v7+s4+$0x0], $0xffff  }
0x157: {  	v8 =	vld.idx.msk [tilespmem:v8+s4+$0x0], $0xffff;
	_ =	sdelay $0x4  }
0x158: {  	vm0 =	vle.s32 v7, $0xFFFFFFFF;
	vm1 =	vgt.s32 v8, $0xFFFFFFFF  }
0x159: {  	vm0 =	vmand vm1, vm0  }
0x15a: {  	v9 =	vsel vm0, $0x1, v5  }
0x15b: {  	s0 =	sadd.s32 $0x0, s10;
	(xrf0) =	vadd.scan.msk.s32 $0xffff, v9;
	v9 =	vor.u32 v7, v8  }
0x15c: {  	s20 =	simm.s32 $0x10;
	vm1 =	vgt.s32 v9, $0xFFFFFFFF;
	v9 =	vor.u32 s0, v2  }
0x15d: {  	v10 =	vmov s20;
	[tilespmem:s17+$0x1C80] =	vst.msk vm1, v9  }
0x15e: {  	v10 =	vshll.u32 v10, $0x1;
	vm2 =	vgt.s32 v7, $0xFFFFFFFF;
	vm3 =	vle.s32 v8, $0xFFFFFFFF;
	[tilespmem:s17+$0x2380] =	vst.msk vm1, v7  }
0x15f: {  	v10 =	vor.u32 v4, v10;
	vm2 =	vmand vm2, vm3;
	[tilespmem:s17+$0x2A80] =	vst.msk vm1, v8  }
0x160: {  	[tilespmem:s17+$0x3180] =	vst.msk vm2, v9  }
0x161: {  	[tilespmem:s17+$0x3880] =	vst.msk vm2, v7  }
0x162: {  	[tilespmem:s17+$0x3F80] =	vst.msk vm0, v9  }
0x163: {  	v11, _, _ =	vpop (xrf0);
	v9 =	vsel vm1, $0x1, v5;
	[tilespmem:s17+$0x4680] =	vst.msk vm0, v8  }
0x164: {  	(v2sf) =	vpush v11, $0xF;
	v11 =	vor.u32 $0x1, v10;
	(xrf0) =	vadd.scan.msk.s32 $0xffff, v9;
	v8 =	vld.idx.msk [tilespmem:v10+s4+$0x0], $0xffff;
	v10 =	vsel vm2, $0x1, v5  }
0x165: {  	(xrf0) =	vadd.scan.msk.s32 $0xffff, v10;
	_ =	sdelay $0x4  }
0x166: {  	v10, _, _ =	vpop (xrf0)  }
0x167: {  	(v2sf) =	vpush v10, $0xF;
	v10, _, _ =	vpop (xrf0)  }
0x168: {  	(v2sf) =	vpush v10, $0xF;
	_ =	sdelay $0x2  }
0x169: {  	v7 =	vld.idx.msk [tilespmem:v11+s4+$0x0], $0xffff;
	_ =	sdelay $0x4  }
0x16a: {  	vm0 =	vle.s32 v8, $0xFFFFFFFF;
	vm1 =	vgt.s32 v7, $0xFFFFFFFF  }
0x16b: {  	vm3 =	vgt.s32 v8, $0xFFFFFFFF;
	v9 =	vor.u32 v8, v7;
	vm0 =	vmand vm1, vm0  }
0x16c: {  	vm1 =	vle.s32 v7, $0xFFFFFFFF;
	vm2 =	vgt.s32 v9, $0xFFFFFFFF;
	v9 =	vsel vm0, $0x1, v5  }
0x16d: {  	s25 =	simm.s32 $0x20;
	vm1 =	vmand vm3, vm1;
	v11 =	vsel vm2, $0x1, v5;
	(xrf0) =	vadd.scan.msk.s32 $0xffff, v9  }
0x16e: {  	s21 =	simm.s32 $0x0;
	s23 =	simm.s32 $0x0;
	v9 =	vsel vm1, $0x1, v5;
	(xrf0) =	vadd.scan.msk.s32 $0xffff, v11;
	s0 =	spop (v2sf)  }
.LBB2_20:
0x16f: {  	s18 =	sadd.s32 s20, s10  }
0x170: {  	(xrf0) =	vadd.scan.msk.s32 $0xffff, v9;
	s19 =	spop (v2sf);
	s20 =	smov.u32 s25;
	s22 =	sadd.s32 $0x10, s25  }
0x171: {  	s21 =	sadd.s32 s21, s0;
	v9 =	vor.u32 s18, v2;
	s17 =	sadd.s32 s17, s19;
	s0 =	spop (v2sf)  }
0x172: {  	p0 =	sne.s32 s25, $0x610;
	v10 =	vmov s20;
	[tilespmem:s17+$0x1C80] =	vst.msk vm2, v9;
	s23 =	sadd.s32 s23, s0  }
0x173: {  	v10 =	vshll.u32 v10, $0x1;
	[tilespmem:s17+$0x2380] =	vst.msk vm2, v8  }
0x174: {  	v10 =	vor.u32 v4, v10;
	[tilespmem:s17+$0x2A80] =	vst.msk vm2, v7;
	v11, _, _ =	vpop (xrf0)  }
0x175: {  	v12 =	vor.u32 $0x1, v10;
	[tilespmem:s23+$0x3180] =	vst.msk vm1, v9;
	v13, _, _ =	vpop (xrf0);
	(v2sf) =	vpush v11, $0xF  }
0x176: {  	[tilespmem:s23+$0x3880] =	vst.msk vm1, v8;
	(v2sf) =	vpush v13, $0xF;
	v8, _, _ =	vpop (xrf0)  }
0x177: {  	[tilespmem:s21+$0x3F80] =	vst.msk vm0, v9;
	(v2sf) =	vpush v8, $0xF  }
0x178: {  	[tilespmem:s21+$0x4680] =	vst.msk vm0, v7  }
0x179: {  	v8 =	vld.idx.msk [tilespmem:v10+s4+$0x0], $0xffff  }
0x17a: {  	v7 =	vld.idx.msk [tilespmem:v12+s4+$0x0], $0xffff;
	_ =	sdelay $0x4  }
0x17b: {  	vm0 =	vle.s32 v8, $0xFFFFFFFF;
	vm1 =	vgt.s32 v8, $0xFFFFFFFF  }
.Ltmp11:
0x17c: {  	vm3 =	vgt.s32 v7, $0xFFFFFFFF;
	vm4 =	vle.s32 v7, $0xFFFFFFFF;
	v9 =	vor.u32 v8, v7;
	(pc) =	sbr.rel @p0 .LBB2_20-.Ltmp11, $4  }
0x17d: {  	vm2 =	vgt.s32 v9, $0xFFFFFFFF;
	vm1 =	vmand vm1, vm4;
	vm0 =	vmand vm3, vm0  }
0x17e: {  	v10 =	vsel vm2, $0x1, v5;
	v9 =	vsel vm1, $0x1, v5;
	v11 =	vsel vm0, $0x1, v5  }
0x17f: {  	(xrf0) =	vadd.scan.msk.s32 $0xffff, v11  }
0x180: {  	s25 =	smov.u32 s22;
	(xrf0) =	vadd.scan.msk.s32 $0xffff, v10;
	s0 =	spop (v2sf)  }
0x181: {  	(xrf0) =	vadd.scan.msk.s32 $0xffff, v9;
	_ =	sdelay $0x3  }
0x182: {  	v60, _, _ =	vpop (xrf0)  }
0x183: {  	v10, _, _ =	vpop (xrf0);
	(v2sf) =	vpush v60, $0xF  }
0x184: {  	(v2sf) =	vpush v10, $0xF;
	v61, _, _ =	vpop (xrf0)  }
0x185: {  	(v2sf) =	vpush v61, $0xF;
	_ =	sdelay $0x6  }
0x186: {  	s18 =	spop (v2sf);
	s19 =	sadd.s32 s20, s10  }
0x187: {  	v62 =	vor.u32 s19, v2;
	s17 =	sadd.s32 s17, s18  }
0x188: {  	[tilespmem:s17+$0x1C80] =	vst.msk vm2, v62  }
0x189: {  	s22 =	spop (v2sf);
	[tilespmem:s17+$0x2380] =	vst.msk vm2, v8  }
0x18a: {  	s18 =	sadd.s32 s23, s22;
	[tilespmem:s17+$0x2A80] =	vst.msk vm2, v7  }
0x18b: {  	[tilespmem:s18+$0x3180] =	vst.msk vm1, v62  }
0x18c: {  	s20 =	sadd.s32 s21, s0;
	[tilespmem:s18+$0x3880] =	vst.msk vm1, v8;
	s21 =	spop (v2sf)  }
0x18d: {  	[tilespmem:s20+$0x3F80] =	vst.msk vm0, v62;
	s0 =	spop (v2sf)  }
0x18e: {  	[tilespmem:s20+$0x4680] =	vst.msk vm0, v7;
	s19 =	spop (v2sf)  }
0x18f: {  	s22 =	simm.s32 $0x1C80;
	_ =	strace $0x90000050  }
0x190: {  	s23 =	simm.s32 $0x2380;
	v7 =	vld.msk [tilespmem:s22+$0x0], $0xffff  }
0x191: {  	s25 =	simm.s32 $0x2A80;
	v8 =	vld.msk [tilespmem:s23+$0x0], $0xffff  }
0x192: {  	v63 =	vld.msk [tilespmem:s25+$0x0], $0xffff;
	_ =	sdelay $0x1  }
0x193: {  	s17 =	sadd.s32 s17, s0  }
0x194: {  	[tilespmem:s17+$0x1C80] =	vst v7  }
0x195: {  	[tilespmem:s17+$0x2380] =	vst v8  }
0x196: {  	[tilespmem:s17+$0x2A80] =	vst v63  }
0x197: {  	[tilespmem:s17+$0x1C90] =	vst v7  }
0x198: {  	[tilespmem:s17+$0x2390] =	vst v8  }
0x199: {  	[tilespmem:s17+$0x2A90] =	vst v63  }
0x19a: {  	[tilespmem:s17+$0x1CA0] =	vst v7  }
0x19b: {  	[tilespmem:s17+$0x23A0] =	vst v8  }
0x19c: {  	[tilespmem:s17+$0x2AA0] =	vst v63  }
0x19d: {  	[tilespmem:s17+$0x1CB0] =	vst v7  }
0x19e: {  	[tilespmem:s17+$0x23B0] =	vst v8  }
0x19f: {  	[tilespmem:s17+$0x2AB0] =	vst v63  }
0x1a0: {  	[tilespmem:s17+$0x1CC0] =	vst v7  }
0x1a1: {  	[tilespmem:s17+$0x23C0] =	vst v8  }
0x1a2: {  	[tilespmem:s17+$0x2AC0] =	vst v63  }
0x1a3: {  	[tilespmem:s17+$0x1CD0] =	vst v7  }
0x1a4: {  	[tilespmem:s17+$0x23D0] =	vst v8  }
0x1a5: {  	[tilespmem:s17+$0x2AD0] =	vst v63  }
0x1a6: {  	[tilespmem:s17+$0x1CE0] =	vst v7  }
0x1a7: {  	[tilespmem:s17+$0x23E0] =	vst v8  }
0x1a8: {  	[tilespmem:s17+$0x2AE0] =	vst v63  }
0x1a9: {  	[tilespmem:s17+$0x1CF0] =	vst v7  }
0x1aa: {  	[tilespmem:s17+$0x23F0] =	vst v8  }
0x1ab: {  	[tilespmem:s17+$0x2AF0] =	vst v63  }
0x1ac: {  	[tilespmem:s17+$0x1D00] =	vst v7  }
0x1ad: {  	[tilespmem:s17+$0x2400] =	vst v8  }
0x1ae: {  	[tilespmem:s17+$0x2B00] =	vst v63  }
0x1af: {  	[tilespmem:s17+$0x1D10] =	vst v7  }
0x1b0: {  	[tilespmem:s17+$0x2410] =	vst v8  }
0x1b1: {  	s22 =	simm.s32 $0x3180;
	[tilespmem:s17+$0x2B10] =	vst v63  }
0x1b2: {  	s23 =	simm.s32 $0x3880;
	v7 =	vld.msk [tilespmem:s22+$0x0], $0xffff  }
0x1b3: {  	v8 =	vld.msk [tilespmem:s23+$0x0], $0xffff;
	_ =	sdelay $0x2  }
0x1b4: {  	s0 =	sadd.s32 s18, s19  }
0x1b5: {  	[tilespmem:s0+$0x3180] =	vst v7  }
0x1b6: {  	[tilespmem:s0+$0x3880] =	vst v8  }
0x1b7: {  	[tilespmem:s0+$0x3190] =	vst v7  }
0x1b8: {  	[tilespmem:s0+$0x3890] =	vst v8  }
0x1b9: {  	[tilespmem:s0+$0x31A0] =	vst v7  }
0x1ba: {  	[tilespmem:s0+$0x38A0] =	vst v8  }
0x1bb: {  	[tilespmem:s0+$0x31B0] =	vst v7  }
0x1bc: {  	[tilespmem:s0+$0x38B0] =	vst v8  }
0x1bd: {  	[tilespmem:s0+$0x31C0] =	vst v7  }
0x1be: {  	[tilespmem:s0+$0x38C0] =	vst v8  }
0x1bf: {  	[tilespmem:s0+$0x31D0] =	vst v7  }
0x1c0: {  	[tilespmem:s0+$0x38D0] =	vst v8  }
0x1c1: {  	[tilespmem:s0+$0x31E0] =	vst v7  }
0x1c2: {  	[tilespmem:s0+$0x38E0] =	vst v8  }
0x1c3: {  	[tilespmem:s0+$0x31F0] =	vst v7  }
0x1c4: {  	[tilespmem:s0+$0x38F0] =	vst v8  }
0x1c5: {  	[tilespmem:s0+$0x3200] =	vst v7  }
0x1c6: {  	[tilespmem:s0+$0x3900] =	vst v8  }
0x1c7: {  	[tilespmem:s0+$0x3210] =	vst v7  }
0x1c8: {  	s25 =	simm.s32 $0x3F80;
	[tilespmem:s0+$0x3910] =	vst v8  }
0x1c9: {  	s19 =	simm.s32 $0x4680;
	v7 =	vld.msk [tilespmem:s25+$0x0], $0xffff  }
0x1ca: {  	v8 =	vld.msk [tilespmem:s19+$0x0], $0xffff;
	_ =	sdelay $0x2  }
0x1cb: {  	s20 =	sadd.s32 s20, s21  }
0x1cc: {  	[tilespmem:s20+$0x3F80] =	vst v7  }
0x1cd: {  	[tilespmem:s20+$0x4680] =	vst v8  }
0x1ce: {  	[tilespmem:s20+$0x3F90] =	vst v7  }
0x1cf: {  	[tilespmem:s20+$0x4690] =	vst v8  }
0x1d0: {  	[tilespmem:s20+$0x3FA0] =	vst v7  }
0x1d1: {  	[tilespmem:s20+$0x46A0] =	vst v8  }
0x1d2: {  	[tilespmem:s20+$0x3FB0] =	vst v7  }
0x1d3: {  	s22 =	sadd.s32 $0x9F, s0;
	[tilespmem:s20+$0x46B0] =	vst v8  }
0x1d4: {  	s23 =	smulhi.u32 $0x66666667, s22;
	s25 =	sshra.s32 s22, $0x1F;
	[tilespmem:s20+$0x3FC0] =	vst v7  }
0x1d5: {  	s21 =	smul.u32 $0x66666667, s25;
	[tilespmem:s20+$0x46C0] =	vst v8  }
0x1d6: {  	[tilespmem:s20+$0x3FD0] =	vst v7  }
0x1d7: {  	s19 =	sadd.s32 s21, s23;
	[tilespmem:s20+$0x46D0] =	vst v8  }
0x1d8: {  	s21 =	sshrl.u32 s19, $0x1F;
	s19 =	sshra.s32 s19, $0x6;
	[tilespmem:s20+$0x3FE0] =	vst v7  }
0x1d9: {  	[tilespmem:s20+$0x46E0] =	vst v8;
	s19 =	sadd.s32 s21, s19  }
0x1da: {  	[tilespmem:s20+$0x3FF0] =	vst v7;
	s21 =	smul.u32 $0xFFFFFF60, s19  }
0x1db: {  	s0 =	ssub.s32 $0xFFFFFF61, s0;
	[tilespmem:s20+$0x46F0] =	vst v8  }
0x1dc: {  	p0 =	slt.s32 s22, $0x1;
	[tilespmem:s20+$0x4000] =	vst v7;
	p1 =	sne.s32 s21, s0  }
0x1dd: {  	[tilespmem:s20+$0x4700] =	vst v8;
	p0 =	por !p0, !p1  }
0x1de: {  	[tilespmem:s20+$0x4010] =	vst v7;
	s0 =	simm.s32 $0x1;
	p0 =	por !p0, !p0  }
0x1df: {  	[tilespmem:s20+$0x4710] =	vst v8;
	s0 =	simm.s32 @!p0 $0x0  }
0x1e0: {  	_ =	swait.ge [sflag:s28], $0x3800;
	s23 =	ssub.s32 s19, s0  }
0x1e1: {  	[sflag:s28] =	ssyncset.done $0x0;
	p0 =	slt.s32 s23, $0x1  }
.Ltmp12:
0x1e2: {  	[sflag:s28] =	ssyncadd.s32 $0xFFFFC800;
	(pc) =	sbr.rel @p0 .LBB2_25-.Ltmp12, $4  }
0x1e3: {  	_ =	swait.ge [sflag:s31], $0x3800  }
0x1e4: {  	[sflag:s31] =	ssyncset.done $0x0  }
0x1e5: {  	v7 =	vsub.f32 $1.000000000e+00, v6;
	[sflag:s31] =	ssyncadd.s32 $0xFFFFC800  }
0x1e6: {  	s21 =	simm.s32 $0x0;
	_ =	strace $0x80000051  }
.LBB2_22:
0x1e7: {  	s0 =	smul.u32 $0xA0, s21;
	_ =	sdelay $0x1  }
0x1e8: {  	v8 =	vld [tilespmem:s0+$0x3180];
	_ =	sdelay $0x4  }
0x1e9: {  	[tilespmem:$0x4D80] =	vst v8  }
0x1ea: {  	v8 =	vld [tilespmem:s0+$0x3880];
	_ =	sdelay $0x4  }
0x1eb: {  	[tilespmem:$0x4E80] =	vst v8  }
0x1ec: {  	v8 =	vld [tilespmem:s0+$0x3190];
	_ =	sdelay $0x4  }
0x1ed: {  	[tilespmem:$0x4D90] =	vst v8  }
0x1ee: {  	v8 =	vld [tilespmem:s0+$0x3890];
	_ =	sdelay $0x4  }
0x1ef: {  	[tilespmem:$0x4E90] =	vst v8  }
0x1f0: {  	v8 =	vld [tilespmem:s0+$0x31A0];
	_ =	sdelay $0x4  }
0x1f1: {  	[tilespmem:$0x4DA0] =	vst v8  }
0x1f2: {  	v8 =	vld [tilespmem:s0+$0x38A0];
	_ =	sdelay $0x4  }
0x1f3: {  	[tilespmem:$0x4EA0] =	vst v8  }
0x1f4: {  	v8 =	vld [tilespmem:s0+$0x31B0];
	_ =	sdelay $0x4  }
0x1f5: {  	[tilespmem:$0x4DB0] =	vst v8  }
0x1f6: {  	v8 =	vld [tilespmem:s0+$0x38B0];
	_ =	sdelay $0x4  }
0x1f7: {  	[tilespmem:$0x4EB0] =	vst v8  }
0x1f8: {  	v8 =	vld [tilespmem:s0+$0x31C0];
	_ =	sdelay $0x4  }
0x1f9: {  	[tilespmem:$0x4DC0] =	vst v8  }
0x1fa: {  	v8 =	vld [tilespmem:s0+$0x38C0];
	_ =	sdelay $0x4  }
0x1fb: {  	[tilespmem:$0x4EC0] =	vst v8  }
0x1fc: {  	v8 =	vld [tilespmem:s0+$0x31D0];
	_ =	sdelay $0x4  }
0x1fd: {  	[tilespmem:$0x4DD0] =	vst v8  }
0x1fe: {  	v8 =	vld [tilespmem:s0+$0x38D0];
	_ =	sdelay $0x4  }
0x1ff: {  	[tilespmem:$0x4ED0] =	vst v8  }
0x200: {  	v8 =	vld [tilespmem:s0+$0x31E0];
	_ =	sdelay $0x4  }
0x201: {  	[tilespmem:$0x4DE0] =	vst v8  }
0x202: {  	v8 =	vld [tilespmem:s0+$0x38E0];
	_ =	sdelay $0x4  }
0x203: {  	[tilespmem:$0x4EE0] =	vst v8  }
0x204: {  	v8 =	vld [tilespmem:s0+$0x31F0];
	_ =	sdelay $0x4  }
0x205: {  	[tilespmem:$0x4DF0] =	vst v8  }
0x206: {  	v8 =	vld [tilespmem:s0+$0x38F0];
	_ =	sdelay $0x4  }
0x207: {  	[tilespmem:$0x4EF0] =	vst v8  }
0x208: {  	v8 =	vld [tilespmem:s0+$0x3200];
	_ =	sdelay $0x4  }
0x209: {  	[tilespmem:$0x4E00] =	vst v8  }
0x20a: {  	v8 =	vld [tilespmem:s0+$0x3900];
	_ =	sdelay $0x4  }
0x20b: {  	[tilespmem:$0x4F00] =	vst v8  }
0x20c: {  	v8 =	vld [tilespmem:s0+$0x3210];
	_ =	sdelay $0x4  }
0x20d: {  	[tilespmem:$0x4E10] =	vst v8  }
0x20e: {  	v8 =	vld [tilespmem:s0+$0x3910];
	_ =	sdelay $0x4  }
0x20f: {  	[tilespmem:$0x4F10] =	vst v8  }
0x210: {  	[tilespmem:s6], [sflag:$0x7] =	stream.indirect.gather [hbm4b:s1+s2], $0x80, s3, s2, $0x2000b8;
	[tilespmem:$0x1E900] =	vst v63  }
0x211: {  	_ = 	snop  }
0x212: {  	[tilespmem:s9], [sflag:$0x8] =	stream.indirect.gather [hbm4b:s5+s2], $0x80, s8, s2, $0x2000b8;
	[tilespmem:$0x1E900] =	vst v63  }
0x213: {  	_ =	swait.ge [sflag:s11], $0x5000  }
0x214: {  	[sflag:s11] =	ssyncset.done $0x0  }
0x215: {  	[sflag:s11] =	ssyncadd.s32 $0xFFFFB000  }
0x216: {  	_ =	swait.ge [sflag:s12], $0x5000  }
0x217: {  	[sflag:s12] =	ssyncset.done $0x0  }
0x218: {  	s25 =	simm.s32 $0x0;
	[sflag:s12] =	ssyncadd.s32 $0xFFFFB000  }
0x219: {  	v11 =	vld [tilespmem:s25+$0xA080]  }
0x21a: {  	v10 =	vld [tilespmem:s25+$0xA090]  }
0x21b: {  	v9 =	vld [tilespmem:s25+$0xA0A0]  }
0x21c: {  	v8 =	vld [tilespmem:s25+$0xA0B0]  }
0x21d: {  	v14 =	vld [tilespmem:s25+$0x5080]  }
0x21e: {  	v13 =	vld [tilespmem:s25+$0x5090]  }
0x21f: {  	s0 =	simm.s32 $0x200;
	v12 =	vld [tilespmem:s25+$0x50A0]  }
.LBB2_23:
0x220: {  	p0 =	sne.s32 s0, $0x13E00;
	v15 =	vld [tilespmem:s25+$0x50B0];
	_ =	sdelay $0x1  }
0x221: {  	s18 =	sshra.s32 s0, $0x2;
	v16 =	vmul.f32 v11, v7;
	v14 =	vmul.f32 v14, v6  }
0x222: {  	v17 =	vmul.f32 v10, v7;
	v11 =	vld [tilespmem:s18+$0xA080];
	v13 =	vmul.f32 v13, v6  }
0x223: {  	v10 =	vld [tilespmem:s18+$0xA090];
	v14 =	vadd.f32 v16, v14;
	v12 =	vmul.f32 v12, v6;
	v16 =	vmul.f32 v9, v7  }
.Ltmp13:
0x224: {  	v9 =	vld [tilespmem:s18+$0xA0A0];
	v13 =	vadd.f32 v17, v13;
	v15 =	vmul.f32 v15, v6;
	v17 =	vmul.f32 v8, v7;
	(pc) =	sbr.rel @p0 .LBB2_23-.Ltmp13, $4  }
0x225: {  	v8 =	vld [tilespmem:s18+$0xA0B0];
	[tilespmem:s25+$0x5080] =	vst v14;
	v12 =	vadd.f32 v16, v12  }
0x226: {  	v14 =	vld [tilespmem:s18+$0x5080];
	[tilespmem:s25+$0x5090] =	vst v13;
	v15 =	vadd.f32 v17, v15  }
0x227: {  	v13 =	vld [tilespmem:s18+$0x5090];
	[tilespmem:s25+$0x50A0] =	vst v12  }
0x228: {  	s0 =	sadd.s32 $0x200, s0;
	v12 =	vld [tilespmem:s18+$0x50A0];
	[tilespmem:s25+$0x50B0] =	vst v15;
	s25 =	smov.u32 s18  }
0x229: {  	v15 =	vld [tilespmem:s25+$0x50B0];
	_ =	sdelay $0x1  }
0x22a: {  	v11 =	vmul.f32 v11, v7;
	v14 =	vmul.f32 v14, v6  }
0x22b: {  	v10 =	vmul.f32 v10, v7;
	v13 =	vmul.f32 v13, v6  }
0x22c: {  	v9 =	vmul.f32 v9, v7;
	v11 =	vadd.f32 v11, v14;
	v12 =	vmul.f32 v12, v6  }
0x22d: {  	v8 =	vmul.f32 v8, v7;
	v10 =	vadd.f32 v10, v13;
	v63 =	vmul.f32 v15, v6  }
0x22e: {  	[tilespmem:s25+$0x5080] =	vst v11;
	v9 =	vadd.f32 v9, v12  }
0x22f: {  	s21 =	sadd.s32 $0x1, s21;
	[tilespmem:s25+$0x5090] =	vst v10;
	v8 =	vadd.f32 v8, v63  }
0x230: {  	p0 =	sne.s32 s21, s23;
	[tilespmem:s25+$0x50A0] =	vst v9  }
.Ltmp14:
0x231: {  	[tilespmem:s25+$0x50B0] =	vst v8;
	(pc) =	sbr.rel @p0 .LBB2_22-.Ltmp14, $4  }
0x232: {  	[hbm4b:s7+s2] =	stream.indirect.scatter [tilespmem:s6], [sflag:$0x7], $0x80, s3, s2, $0x2000b8;
	[tilespmem:$0x1E900] =	vst v63  }
0x233: {  	_ =	swait.ge [sflag:s11], $0x5000  }
0x234: {  	[sflag:s11] =	ssyncset.done $0x0  }
0x235: {  	[sflag:s11] =	ssyncadd.s32 $0xFFFFB000  }
.LBB2_25:
0x236: {  	s0 =	sadd.s32 $0x9F, s20  }
0x237: {  	s18 =	smulhi.u32 $0x66666667, s0;
	s19 =	sshra.s32 s0, $0x1F  }
0x238: {  	s19 =	smul.u32 $0x66666667, s19;
	_ =	sdelay $0x1  }
0x239: {  	s18 =	sadd.s32 s19, s18  }
0x23a: {  	s19 =	sshrl.u32 s18, $0x1F;
	s18 =	sshra.s32 s18, $0x6  }
0x23b: {  	s18 =	sadd.s32 s19, s18  }
0x23c: {  	s19 =	smul.u32 $0xFFFFFF60, s18  }
0x23d: {  	s25 =	ssub.s32 $0xFFFFFF61, s20  }
0x23e: {  	p0 =	slt.s32 s0, $0x1;
	p1 =	sne.s32 s19, s25  }
0x23f: {  	p0 =	por !p0, !p1  }
0x240: {  	s0 =	simm.s32 $0x1;
	p0 =	por !p0, !p0  }
0x241: {  	s0 =	simm.s32 @!p0 $0x0  }
0x242: {  	s20 =	ssub.s32 s18, s0  }
0x243: {  	p0 =	slt.s32 s20, $0x1  }
.Ltmp15:
0x244: {  	_ = 	snop;
	(pc) =	sbr.rel @p0 .LBB2_29-.Ltmp15, $3  }
0x245: {  	_ =	sdelay $0x1  }
0x246: {  	_ =	strace $0x90000051;
	s21 =	simm.s32 $0x0  }
0x247: {  	s22 =	simm.s32 $0xA;
	_ =	strace $0x80000052;
	s25 =	simm.s32 $0x1B100  }
.LBB2_26:
0x248: {  	s0 =	smul.u32 $0xA0, s21;
	_ =	sdelay $0x1  }
0x249: {  	v8 =	vld [tilespmem:s0+$0x3F80];
	_ =	sdelay $0x4  }
0x24a: {  	[tilespmem:$0x4D80] =	vst v8  }
0x24b: {  	v8 =	vld [tilespmem:s0+$0x4680];
	_ =	sdelay $0x4  }
0x24c: {  	[tilespmem:$0x4E80] =	vst v8  }
0x24d: {  	v8 =	vld [tilespmem:s0+$0x3F90];
	_ =	sdelay $0x4  }
0x24e: {  	[tilespmem:$0x4D90] =	vst v8  }
0x24f: {  	v8 =	vld [tilespmem:s0+$0x4690];
	_ =	sdelay $0x4  }
0x250: {  	[tilespmem:$0x4E90] =	vst v8  }
0x251: {  	v8 =	vld [tilespmem:s0+$0x3FA0];
	_ =	sdelay $0x4  }
0x252: {  	[tilespmem:$0x4DA0] =	vst v8  }
0x253: {  	v8 =	vld [tilespmem:s0+$0x46A0];
	_ =	sdelay $0x4  }
0x254: {  	[tilespmem:$0x4EA0] =	vst v8  }
0x255: {  	v8 =	vld [tilespmem:s0+$0x3FB0];
	_ =	sdelay $0x4  }
0x256: {  	[tilespmem:$0x4DB0] =	vst v8  }
0x257: {  	v8 =	vld [tilespmem:s0+$0x46B0];
	_ =	sdelay $0x4  }
0x258: {  	[tilespmem:$0x4EB0] =	vst v8  }
0x259: {  	v8 =	vld [tilespmem:s0+$0x3FC0];
	_ =	sdelay $0x4  }
0x25a: {  	[tilespmem:$0x4DC0] =	vst v8  }
0x25b: {  	v8 =	vld [tilespmem:s0+$0x46C0];
	_ =	sdelay $0x4  }
0x25c: {  	[tilespmem:$0x4EC0] =	vst v8  }
0x25d: {  	v8 =	vld [tilespmem:s0+$0x3FD0];
	_ =	sdelay $0x4  }
0x25e: {  	[tilespmem:$0x4DD0] =	vst v8  }
0x25f: {  	v8 =	vld [tilespmem:s0+$0x46D0];
	_ =	sdelay $0x4  }
0x260: {  	[tilespmem:$0x4ED0] =	vst v8  }
0x261: {  	v8 =	vld [tilespmem:s0+$0x3FE0];
	_ =	sdelay $0x4  }
0x262: {  	[tilespmem:$0x4DE0] =	vst v8  }
0x263: {  	v8 =	vld [tilespmem:s0+$0x46E0];
	_ =	sdelay $0x4  }
0x264: {  	[tilespmem:$0x4EE0] =	vst v8  }
0x265: {  	v8 =	vld [tilespmem:s0+$0x3FF0];
	_ =	sdelay $0x4  }
0x266: {  	[tilespmem:$0x4DF0] =	vst v8  }
0x267: {  	v8 =	vld [tilespmem:s0+$0x46F0];
	_ =	sdelay $0x4  }
0x268: {  	[tilespmem:$0x4EF0] =	vst v8  }
0x269: {  	v8 =	vld [tilespmem:s0+$0x4000];
	_ =	sdelay $0x4  }
0x26a: {  	[tilespmem:$0x4E00] =	vst v8  }
0x26b: {  	v8 =	vld [tilespmem:s0+$0x4700];
	_ =	sdelay $0x4  }
0x26c: {  	[tilespmem:$0x4F00] =	vst v8  }
0x26d: {  	v8 =	vld [tilespmem:s0+$0x4010];
	_ =	sdelay $0x4  }
0x26e: {  	[tilespmem:$0x4E10] =	vst v8  }
0x26f: {  	v8 =	vld [tilespmem:s0+$0x4710];
	_ =	sdelay $0x4  }
0x270: {  	[tilespmem:$0x4F10] =	vst v8  }
0x271: {  	[tilespmem:s6], [sflag:$0x7] =	stream.indirect.gather [hbm4b:s1+s2], $0x80, s3, s2, $0x2000b8;
	[tilespmem:$0x1E900] =	vst v63  }
0x272: {  	_ = 	snop  }
0x273: {  	[tilespmem:s9], [sflag:$0x8] =	stream.indirect.gather [hbm4b:s5+s2], $0x80, s8, s2, $0x2000b8;
	[tilespmem:$0x1E900] =	vst v63  }
0x274: {  	_ =	swait.ge [sflag:s11], $0x5000  }
0x275: {  	[sflag:s11] =	ssyncset.done $0x0  }
0x276: {  	[sflag:s11] =	ssyncadd.s32 $0xFFFFB000  }
0x277: {  	_ =	swait.ge [sflag:s12], $0x5000  }
0x278: {  	[sflag:s12] =	ssyncset.done $0x0  }
0x279: {  	s23 =	simm.s32 $0x0;
	[sflag:s12] =	ssyncadd.s32 $0xFFFFB000  }
0x27a: {  	v11 =	vld [tilespmem:s23+$0xA0C0]  }
0x27b: {  	v10 =	vld [tilespmem:s23+$0xA0D0]  }
0x27c: {  	v9 =	vld [tilespmem:s23+$0xA0E0]  }
0x27d: {  	v8 =	vld [tilespmem:s23+$0xA0F0]  }
0x27e: {  	v14 =	vld [tilespmem:s23+$0x50C0]  }
0x27f: {  	v13 =	vld [tilespmem:s23+$0x50D0]  }
0x280: {  	s0 =	simm.s32 $0x200;
	v12 =	vld [tilespmem:s23+$0x50E0]  }
.LBB2_27:
0x281: {  	p0 =	sne.s32 s0, $0x13E00;
	v15 =	vld [tilespmem:s23+$0x50F0];
	_ =	sdelay $0x1  }
0x282: {  	s18 =	sshra.s32 s0, $0x2;
	v16 =	vmul.f32 v11, v7;
	v14 =	vmul.f32 v14, v6  }
0x283: {  	v17 =	vmul.f32 v10, v7;
	v11 =	vld [tilespmem:s18+$0xA0C0];
	v13 =	vmul.f32 v13, v6  }
0x284: {  	v10 =	vld [tilespmem:s18+$0xA0D0];
	v14 =	vadd.f32 v16, v14;
	v12 =	vmul.f32 v12, v6;
	v16 =	vmul.f32 v9, v7  }
.Ltmp16:
0x285: {  	v9 =	vld [tilespmem:s18+$0xA0E0];
	v13 =	vadd.f32 v17, v13;
	v15 =	vmul.f32 v15, v6;
	v17 =	vmul.f32 v8, v7;
	(pc) =	sbr.rel @p0 .LBB2_27-.Ltmp16, $4  }
0x286: {  	v8 =	vld [tilespmem:s18+$0xA0F0];
	[tilespmem:s23+$0x50C0] =	vst v14;
	v12 =	vadd.f32 v16, v12  }
0x287: {  	v14 =	vld [tilespmem:s18+$0x50C0];
	[tilespmem:s23+$0x50D0] =	vst v13;
	v15 =	vadd.f32 v17, v15  }
0x288: {  	v13 =	vld [tilespmem:s18+$0x50D0];
	[tilespmem:s23+$0x50E0] =	vst v12  }
0x289: {  	s0 =	sadd.s32 $0x200, s0;
	v12 =	vld [tilespmem:s18+$0x50E0];
	[tilespmem:s23+$0x50F0] =	vst v15;
	s23 =	smov.u32 s18  }
0x28a: {  	v15 =	vld [tilespmem:s23+$0x50F0];
	_ =	sdelay $0x1  }
0x28b: {  	v11 =	vmul.f32 v11, v7;
	v14 =	vmul.f32 v14, v6  }
0x28c: {  	v10 =	vmul.f32 v10, v7;
	v13 =	vmul.f32 v13, v6  }
0x28d: {  	v9 =	vmul.f32 v9, v7;
	v11 =	vadd.f32 v11, v14;
	v12 =	vmul.f32 v12, v6  }
0x28e: {  	v8 =	vmul.f32 v8, v7;
	v10 =	vadd.f32 v10, v13;
	v63 =	vmul.f32 v15, v6  }
0x28f: {  	[tilespmem:s23+$0x50C0] =	vst v11;
	v9 =	vadd.f32 v9, v12  }
0x290: {  	s21 =	sadd.s32 $0x1, s21;
	[tilespmem:s23+$0x50D0] =	vst v10;
	v8 =	vadd.f32 v8, v63  }
0x291: {  	p0 =	sne.s32 s21, s20;
	[tilespmem:s23+$0x50E0] =	vst v9  }
.Ltmp17:
0x292: {  	[tilespmem:s23+$0x50F0] =	vst v8;
	(pc) =	sbr.rel @p0 .LBB2_26-.Ltmp17, $4  }
0x293: {  	[hbm4b:s7+s2] =	stream.indirect.scatter [tilespmem:s6], [sflag:$0x7], $0x80, s3, s2, $0x2000b8;
	[tilespmem:$0x1E900] =	vst v63  }
0x294: {  	_ =	swait.ge [sflag:s11], $0x5000  }
0x295: {  	[sflag:s11] =	ssyncset.done $0x0  }
0x296: {  	[sflag:s11] =	ssyncadd.s32 $0xFFFFB000  }
.LBB2_29:
0x297: {  	s0 =	sadd.s32 $0x9F, s17  }
0x298: {  	s18 =	smulhi.u32 $0x66666667, s0;
	s19 =	sshra.s32 s0, $0x1F  }
0x299: {  	s19 =	smul.u32 $0x66666667, s19;
	_ =	sdelay $0x1  }
0x29a: {  	s18 =	sadd.s32 s19, s18  }
0x29b: {  	s19 =	sshrl.u32 s18, $0x1F;
	s18 =	sshra.s32 s18, $0x6  }
0x29c: {  	s18 =	sadd.s32 s19, s18  }
0x29d: {  	s19 =	smul.u32 $0xFFFFFF60, s18  }
0x29e: {  	s23 =	ssub.s32 $0xFFFFFF61, s17  }
0x29f: {  	p0 =	slt.s32 s0, $0x1;
	p1 =	sne.s32 s19, s23  }
0x2a0: {  	p0 =	por !p0, !p1  }
0x2a1: {  	s0 =	simm.s32 $0x1;
	p0 =	por !p0, !p0  }
0x2a2: {  	s0 =	simm.s32 @!p0 $0x0  }
0x2a3: {  	s17 =	ssub.s32 s18, s0  }
0x2a4: {  	p0 =	slt.s32 s17, $0x1  }
.Ltmp18:
0x2a5: {  	_ = 	snop;
	(pc) =	sbr.rel @p0 .LBB2_33-.Ltmp18, $3  }
0x2a6: {  	_ =	sdelay $0x1  }
0x2a7: {  	_ =	strace $0x90000052  }
0x2a8: {  	s20 =	simm.s32 $0x0;
	_ =	strace $0x80000053;
	s19 =	simm.s32 $0x14100  }
.LBB2_30:
0x2a9: {  	s0 =	smul.u32 $0xA0, s20;
	_ =	sdelay $0x1  }
0x2aa: {  	v8 =	vld [tilespmem:s0+$0x1C80];
	_ =	sdelay $0x4  }
0x2ab: {  	[tilespmem:$0x4D80] =	vst v8  }
0x2ac: {  	v8 =	vld [tilespmem:s0+$0x2380];
	_ =	sdelay $0x4  }
0x2ad: {  	[tilespmem:$0x4E80] =	vst v8  }
0x2ae: {  	v8 =	vld [tilespmem:s0+$0x2A80];
	_ =	sdelay $0x4  }
0x2af: {  	[tilespmem:$0x4F80] =	vst v8  }
0x2b0: {  	v8 =	vld [tilespmem:s0+$0x1C90];
	_ =	sdelay $0x4  }
0x2b1: {  	[tilespmem:$0x4D90] =	vst v8  }
0x2b2: {  	v8 =	vld [tilespmem:s0+$0x2390];
	_ =	sdelay $0x4  }
0x2b3: {  	[tilespmem:$0x4E90] =	vst v8  }
0x2b4: {  	v8 =	vld [tilespmem:s0+$0x2A90];
	_ =	sdelay $0x4  }
0x2b5: {  	[tilespmem:$0x4F90] =	vst v8  }
0x2b6: {  	v8 =	vld [tilespmem:s0+$0x1CA0];
	_ =	sdelay $0x4  }
0x2b7: {  	[tilespmem:$0x4DA0] =	vst v8  }
0x2b8: {  	v8 =	vld [tilespmem:s0+$0x23A0];
	_ =	sdelay $0x4  }
0x2b9: {  	[tilespmem:$0x4EA0] =	vst v8  }
0x2ba: {  	v8 =	vld [tilespmem:s0+$0x2AA0];
	_ =	sdelay $0x4  }
0x2bb: {  	[tilespmem:$0x4FA0] =	vst v8  }
0x2bc: {  	v8 =	vld [tilespmem:s0+$0x1CB0];
	_ =	sdelay $0x4  }
0x2bd: {  	[tilespmem:$0x4DB0] =	vst v8  }
0x2be: {  	v8 =	vld [tilespmem:s0+$0x23B0];
	_ =	sdelay $0x4  }
0x2bf: {  	[tilespmem:$0x4EB0] =	vst v8  }
0x2c0: {  	v8 =	vld [tilespmem:s0+$0x2AB0];
	_ =	sdelay $0x4  }
0x2c1: {  	[tilespmem:$0x4FB0] =	vst v8  }
0x2c2: {  	v8 =	vld [tilespmem:s0+$0x1CC0];
	_ =	sdelay $0x4  }
0x2c3: {  	[tilespmem:$0x4DC0] =	vst v8  }
0x2c4: {  	v8 =	vld [tilespmem:s0+$0x23C0];
	_ =	sdelay $0x4  }
0x2c5: {  	[tilespmem:$0x4EC0] =	vst v8  }
0x2c6: {  	v8 =	vld [tilespmem:s0+$0x2AC0];
	_ =	sdelay $0x4  }
0x2c7: {  	[tilespmem:$0x4FC0] =	vst v8  }
0x2c8: {  	v8 =	vld [tilespmem:s0+$0x1CD0];
	_ =	sdelay $0x4  }
0x2c9: {  	[tilespmem:$0x4DD0] =	vst v8  }
0x2ca: {  	v8 =	vld [tilespmem:s0+$0x23D0];
	_ =	sdelay $0x4  }
0x2cb: {  	[tilespmem:$0x4ED0] =	vst v8  }
0x2cc: {  	v8 =	vld [tilespmem:s0+$0x2AD0];
	_ =	sdelay $0x4  }
0x2cd: {  	[tilespmem:$0x4FD0] =	vst v8  }
0x2ce: {  	v8 =	vld [tilespmem:s0+$0x1CE0];
	_ =	sdelay $0x4  }
0x2cf: {  	[tilespmem:$0x4DE0] =	vst v8  }
0x2d0: {  	v8 =	vld [tilespmem:s0+$0x23E0];
	_ =	sdelay $0x4  }
0x2d1: {  	[tilespmem:$0x4EE0] =	vst v8  }
0x2d2: {  	v8 =	vld [tilespmem:s0+$0x2AE0];
	_ =	sdelay $0x4  }
0x2d3: {  	[tilespmem:$0x4FE0] =	vst v8  }
0x2d4: {  	v8 =	vld [tilespmem:s0+$0x1CF0];
	_ =	sdelay $0x4  }
0x2d5: {  	[tilespmem:$0x4DF0] =	vst v8  }
0x2d6: {  	v8 =	vld [tilespmem:s0+$0x23F0];
	_ =	sdelay $0x4  }
0x2d7: {  	[tilespmem:$0x4EF0] =	vst v8  }
0x2d8: {  	v8 =	vld [tilespmem:s0+$0x2AF0];
	_ =	sdelay $0x4  }
0x2d9: {  	[tilespmem:$0x4FF0] =	vst v8  }
0x2da: {  	v8 =	vld [tilespmem:s0+$0x1D00];
	_ =	sdelay $0x4  }
0x2db: {  	[tilespmem:$0x4E00] =	vst v8  }
0x2dc: {  	v8 =	vld [tilespmem:s0+$0x2400];
	_ =	sdelay $0x4  }
0x2dd: {  	[tilespmem:$0x4F00] =	vst v8  }
0x2de: {  	v8 =	vld [tilespmem:s0+$0x2B00];
	_ =	sdelay $0x4  }
0x2df: {  	[tilespmem:$0x5000] =	vst v8  }
0x2e0: {  	v8 =	vld [tilespmem:s0+$0x1D10];
	_ =	sdelay $0x4  }
0x2e1: {  	[tilespmem:$0x4E10] =	vst v8  }
0x2e2: {  	v8 =	vld [tilespmem:s0+$0x2410];
	_ =	sdelay $0x4  }
0x2e3: {  	[tilespmem:$0x4F10] =	vst v8  }
0x2e4: {  	v8 =	vld [tilespmem:s0+$0x2B10];
	_ =	sdelay $0x4  }
0x2e5: {  	[tilespmem:$0x5010] =	vst v8  }
0x2e6: {  	[tilespmem:s6], [sflag:$0x7] =	stream.indirect.gather [hbm4b:s1+s2], $0x80, s3, s2, $0x2000b8;
	[tilespmem:$0x1E900] =	vst v63  }
0x2e7: {  	_ = 	snop  }
0x2e8: {  	[tilespmem:s9], [sflag:$0x8] =	stream.indirect.gather [hbm4b:s5+s2], $0x80, s8, s2, $0x2000b8;
	[tilespmem:$0x1E900] =	vst v63  }
0x2e9: {  	_ = 	snop  }
0x2ea: {  	[tilespmem:s14], [sflag:$0x9] =	stream.indirect.gather [hbm4b:s5+s2], $0x80, s13, s2, $0x2000b8;
	[tilespmem:$0x1E900] =	vst v63  }
0x2eb: {  	_ =	swait.ge [sflag:s11], $0x5000  }
0x2ec: {  	[sflag:s11] =	ssyncset.done $0x0  }
0x2ed: {  	[sflag:s11] =	ssyncadd.s32 $0xFFFFB000  }
0x2ee: {  	_ =	swait.ge [sflag:s12], $0x5000  }
0x2ef: {  	[sflag:s12] =	ssyncset.done $0x0  }
0x2f0: {  	[sflag:s12] =	ssyncadd.s32 $0xFFFFB000  }
0x2f1: {  	_ =	swait.ge [sflag:s15], $0x5000  }
0x2f2: {  	[sflag:s15] =	ssyncset.done $0x0  }
0x2f3: {  	s21 =	simm.s32 $0x0;
	[sflag:s15] =	ssyncadd.s32 $0xFFFFB000  }
0x2f4: {  	v14 =	vld [tilespmem:s21+$0xA080]  }
0x2f5: {  	v20 =	vld [tilespmem:s21+$0xA090]  }
0x2f6: {  	v13 =	vld [tilespmem:s21+$0xA0A0]  }
0x2f7: {  	v12 =	vld [tilespmem:s21+$0xA0B0]  }
0x2f8: {  	v11 =	vld [tilespmem:s21+$0xF0C0]  }
0x2f9: {  	v10 =	vld [tilespmem:s21+$0xF0D0]  }
0x2fa: {  	v9 =	vld [tilespmem:s21+$0xF0E0]  }
0x2fb: {  	v8 =	vld [tilespmem:s21+$0xF0F0]  }
0x2fc: {  	v15 =	vld [tilespmem:s21+$0x5080]  }
0x2fd: {  	v19 =	vld [tilespmem:s21+$0x5090]  }
0x2fe: {  	v18 =	vld [tilespmem:s21+$0x50A0]  }
0x2ff: {  	v17 =	vld [tilespmem:s21+$0x50B0]  }
0x300: {  	v16 =	vld [tilespmem:s21+$0x50C0]  }
0x301: {  	v21 =	vmul.f32 v15, v6;
	v22 =	vmul.f32 v14, v7;
	v15 =	vld [tilespmem:s21+$0x50D0]  }
0x302: {  	s23 =	simm.s32 $0x200;
	v19 =	vmul.f32 v19, v6;
	v20 =	vmul.f32 v20, v7;
	v14 =	vld [tilespmem:s21+$0x50E0]  }
.LBB2_31:
0x303: {  	s0 =	sshra.s32 s23, $0x2;
	p0 =	sne.s32 s23, $0x13E00;
	v21 =	vadd.f32 v22, v21;
	v18 =	vmul.f32 v18, v6;
	v13 =	vmul.f32 v13, v7;
	v22 =	vld [tilespmem:s21+$0x50F0]  }
0x304: {  	v12 =	vmul.f32 v12, v7;
	v23 =	vld [tilespmem:s0+$0xA080];
	v19 =	vadd.f32 v20, v19;
	v17 =	vmul.f32 v17, v6  }
0x305: {  	v11 =	vmul.f32 v11, v7;
	v20 =	vld [tilespmem:s0+$0xA090];
	[tilespmem:s21+$0x5080] =	vst v21;
	v18 =	vadd.f32 v13, v18;
	v16 =	vmul.f32 v16, v6  }
0x306: {  	v10 =	vmul.f32 v10, v7;
	v13 =	vld [tilespmem:s0+$0xA0A0];
	[tilespmem:s21+$0x5090] =	vst v19;
	v17 =	vadd.f32 v12, v17;
	v15 =	vmul.f32 v15, v6  }
0x307: {  	v9 =	vmul.f32 v9, v7;
	v12 =	vld [tilespmem:s0+$0xA0B0];
	[tilespmem:s21+$0x50A0] =	vst v18;
	v16 =	vadd.f32 v11, v16;
	v14 =	vmul.f32 v14, v6  }
0x308: {  	v8 =	vmul.f32 v8, v7;
	v11 =	vld [tilespmem:s0+$0xF0C0];
	[tilespmem:s21+$0x50B0] =	vst v17;
	v15 =	vadd.f32 v10, v15;
	v17 =	vmul.f32 v22, v6  }
0x309: {  	v10 =	vld [tilespmem:s0+$0xF0D0];
	[tilespmem:s21+$0x50C0] =	vst v16;
	v14 =	vadd.f32 v9, v14  }
0x30a: {  	v9 =	vld [tilespmem:s0+$0xF0E0];
	[tilespmem:s21+$0x50D0] =	vst v15;
	v15 =	vadd.f32 v8, v17  }
0x30b: {  	v8 =	vld [tilespmem:s0+$0xF0F0];
	[tilespmem:s21+$0x50E0] =	vst v14  }
0x30c: {  	v14 =	vld [tilespmem:s0+$0x5080];
	[tilespmem:s21+$0x50F0] =	vst v15;
	s21 =	smov.u32 s0  }
0x30d: {  	v19 =	vld [tilespmem:s21+$0x5090]  }
.Ltmp19:
0x30e: {  	v18 =	vld [tilespmem:s21+$0x50A0];
	(pc) =	sbr.rel @p0 .LBB2_31-.Ltmp19, $4  }
0x30f: {  	v17 =	vld [tilespmem:s21+$0x50B0]  }
0x310: {  	v16 =	vld [tilespmem:s21+$0x50C0]  }
0x311: {  	v22 =	vmul.f32 v23, v7;
	v21 =	vmul.f32 v14, v6;
	v15 =	vld [tilespmem:s21+$0x50D0]  }
0x312: {  	s23 =	sadd.s32 $0x200, s23;
	v20 =	vmul.f32 v20, v7;
	v19 =	vmul.f32 v19, v6;
	v14 =	vld [tilespmem:s21+$0x50E0]  }
0x313: {  	v21 =	vadd.f32 v22, v21;
	v18 =	vmul.f32 v18, v6;
	v13 =	vmul.f32 v13, v7;
	v61 =	vld [tilespmem:s21+$0x50F0]  }
0x314: {  	v12 =	vmul.f32 v12, v7;
	v19 =	vadd.f32 v20, v19;
	v17 =	vmul.f32 v17, v6  }
0x315: {  	v11 =	vmul.f32 v11, v7;
	[tilespmem:s21+$0x5080] =	vst v21;
	v13 =	vadd.f32 v13, v18;
	v16 =	vmul.f32 v16, v6  }
0x316: {  	v10 =	vmul.f32 v10, v7;
	[tilespmem:s21+$0x5090] =	vst v19;
	v12 =	vadd.f32 v12, v17;
	v15 =	vmul.f32 v15, v6  }
0x317: {  	v9 =	vmul.f32 v9, v7;
	[tilespmem:s21+$0x50A0] =	vst v13;
	v11 =	vadd.f32 v11, v16;
	v62 =	vmul.f32 v14, v6  }
0x318: {  	v8 =	vmul.f32 v8, v7;
	[tilespmem:s21+$0x50B0] =	vst v12;
	v10 =	vadd.f32 v10, v15;
	v63 =	vmul.f32 v61, v6  }
0x319: {  	[tilespmem:s21+$0x50C0] =	vst v11;
	v9 =	vadd.f32 v9, v62  }
0x31a: {  	[tilespmem:s21+$0x50D0] =	vst v10;
	v8 =	vadd.f32 v8, v63  }
0x31b: {  	s20 =	sadd.s32 $0x1, s20;
	[tilespmem:s21+$0x50E0] =	vst v9  }
0x31c: {  	p0 =	sne.s32 s20, s17;
	[tilespmem:s21+$0x50F0] =	vst v8  }
0x31d: {  	[hbm4b:s7+s2] =	stream.indirect.scatter [tilespmem:s6], [sflag:$0x7], $0x80, s3, s2, $0x2000b8;
	[tilespmem:$0x1E900] =	vst v63  }
.Ltmp20:
0x31e: {  	_ = 	snop;
	(pc) =	sbr.rel @p0 .LBB2_30-.Ltmp20, $4  }
.Ltmp21:
0x31f: {  	_ = 	snop;
	(pc) =	sbr.rel @!p0 .LBB2_33-.Ltmp21, $4  }
0x320: {  	_ =	swait.ge [sflag:s11], $0x5000  }
0x321: {  	[sflag:s11] =	ssyncset.done $0x0  }
0x322: {  	[sflag:s11] =	ssyncadd.s32 $0xFFFFB000  }
0x323: {  	_ = 	snop  }
.LBB2_34:
0x324: {  	_ =	sfence.sel $0x180000  }
0x325: {  	[bflag:$0x0] =	sbarrier.arrive $0xFFFF  }
0x326: {  	_ =	strace $0x90000047  }
0x327: {  	s0 =	stileid.u32;
	[bflag:$0x2] =	sbarrier.arrive $0xFFFF  }
0x328: {  	p0 =	sne.s32 s0, $0x0;
	s0 =	rddreg [dreg:$0x3]  }
0x329: {  	s0 =	sadd.s32 @!p0 $0x100000, s0  }
0x32a: {  	[sflag:s0] =	ssyncadd.tile.s32 @!p0 $0x1;
	_ =	shalt  }
.Lfunc_end2:
_tile_overlayer_lowered:
.L_overlay_start_2:
0x32b: {  	(tag) =	ssettag $0x2  }
0x32c: {  	s0 =	rddreg [dreg:$0x0];
	s2 =	stileid.u32  }
0x32d: {  	s1 =	rddreg [dreg:$0x1];
	p0 =	sne.s32 s2, $0x0  }
0x32e: {  	s3 =	rddreg [dreg:$0x2];
	[bflag:$0x3] =	sbarrier.arrive $0xFFFF;
	s2 =	simm.s32 @!p0 $0x1C0C  }
0x32f: {  	[timem:s3], [sflag:s2] =	dma.local @!p0 [hbm:s0], s1  }
0x330: {  	s0 =	simm.s32 @!p0 $0xC  }
0x331: {  	_ =	swait.ge @!p0 [sflag:s0], s1  }
0x332: {  	s1 =	ssub.s32 @!p0 $0x0, s1;
	[sflag:s0] =	ssyncset.done @!p0 $0x0  }
0x333: {  	[sflag:s0] =	ssyncadd.s32 @!p0 s1  }
0x334: {  	[bflag:$0x3] =	sbarrier.arrive $0xFFFF  }
0x335: {  	_ =	shalt  }

</sc_bundles>
